<compile_context>
chip_gen: v7x
topology: tpu7x:2x2x1
jax: 0.10.2.dev20260603
libtpu: 0.0.44.dev20260713+nightly
codegen_flags: <defaults>
</compile_context>

<pallas_src>
import functools

import jax
import jax.numpy as jnp
from jax import lax
from jax.experimental import pallas as pl
from jax.experimental.pallas import tpu as pltpu
from jax.experimental.pallas import tpu_sc as plsc

N, D, G, C = 320000, 128, 10000, 64
NC, NS = 2, 16
NW = NC * NS
CHUNK = 128
SUP = 4
SROWS = SUP * CHUNK
NSUPER = N // SROWS
CW = 16
NBLK = (G + CHUNK - 1) // CHUNK
BPS = (NBLK + NS - 1) // NS
IDXR = max(SUP, BPS)


def _sc_segment_sums(x, grp2d):
    mesh = plsc.VectorSubcoreMesh(
        core_axis_name="c", subcore_axis_name="s", num_cores=NC, num_subcores=NS
    )

    @functools.partial(
        pl.kernel,
        out_type=(
            jax.ShapeDtypeStruct((NC, G, D), jnp.float32),
            jax.ShapeDtypeStruct((NC, G, CW), jnp.float32),
        ),
        mesh=mesh,
        compiler_params=pltpu.CompilerParams(use_tc_tiling_on_sc=False),
        scratch_types=[
            pltpu.VMEM((CHUNK, D), jnp.float32),
            pltpu.VMEM((CHUNK, D), jnp.float32),
            pltpu.VMEM((IDXR, CHUNK), jnp.int32),
            pltpu.VMEM((IDXR, CHUNK), jnp.int32),
            pltpu.VMEM((CHUNK, CW), jnp.float32),
            pltpu.VMEM((CHUNK, CW), jnp.float32),
            pltpu.VMEM_SHARED((G, D), jnp.float32),
            pltpu.VMEM_SHARED((G, CW), jnp.float32),
            pltpu.SemaphoreType.DMA,
            pltpu.SemaphoreType.DMA,
            pltpu.SemaphoreType.DMA,
            pltpu.SemaphoreType.DMA,
            pltpu.SemaphoreType.DMA,
            pltpu.SemaphoreType.DMA,
        ],
    )
    def k(x_hbm, grp_hbm, osum_hbm, ocnt_hbm, data_v, data2_v, idxa_v, idxb_v,
          ones_v, cb_v, ssum, scnt, semx0, semx1, sems, semc, semia, semib):
        cid = lax.axis_index("c")
        sid = lax.axis_index("s")
        wid = sid * NC + cid
        lanes = lax.iota(jnp.int32, 16)
        bufs = (data_v, data2_v)
        sems_x = (semx0, semx1)

        def fill(r, _):
            for kk in range(D // 16):
                data_v[r, pl.ds(kk * 16, 16)] = jnp.zeros((16,), jnp.float32)
            ones_v[r, :] = jnp.ones((CW,), jnp.float32)
            cb_v[r, :] = jnp.zeros((CW,), jnp.float32)
            return 0
        lax.fori_loop(0, CHUNK, fill, 0)

        def fill_idx_row(row, start):
            for sl in range(CHUNK // 16):
                idxa_v[row, pl.ds(sl * 16, 16)] = start + sl * 16 + lanes

        def blk_start(b):
            return jnp.minimum(b * CHUNK, G - CHUNK).astype(jnp.int32)

        for t in range(BPS):
            b = sid + t * NS

            @pl.when(b < NBLK)
            def _(t=t, b=b):
                fill_idx_row(t, blk_start(b))
                pltpu.async_copy(data_v, ssum.at[idxa_v.at[t]], sems)
                pltpu.async_copy(cb_v, scnt.at[idxa_v.at[t]], semc)

        for t in range(BPS):
            b = sid + t * NS

            @pl.when(b < NBLK)
            def _(t=t):
                pltpu.make_async_copy(data_v, ssum.at[idxa_v.at[t]], sems).wait()
                pltpu.make_async_copy(cb_v, scnt.at[idxa_v.at[t]], semc).wait()

        plsc.subcore_barrier()

        nloop = (NSUPER + NW - 1) // NW
        npair = (nloop + 1) // 2

        def idx_src(s):
            return grp_hbm.at[pl.ds(s * SUP, SUP), :]

        def x_src(s, kk):
            return x_hbm.at[pl.ds(s * SROWS + kk * CHUNK, CHUNK)]

        pltpu.async_copy(idx_src(wid), idxa_v.at[pl.ds(0, SUP)], semia)
        pltpu.async_copy(x_src(wid, 0), bufs[0], sems_x[0])

        def drain_tail(idx_ref):
            pltpu.make_async_copy(bufs[(SUP - 1) % 2],
                                  ssum.at[idx_ref.at[SUP - 1]], sems).wait()
            for kk in range(SUP):
                pltpu.make_async_copy(ones_v, scnt.at[idx_ref.at[kk]],
                                      semc).wait()

        def run_super(s, my_idx, my_sem, pf_s, pf_idx, pf_sem):
            @pl.when(s < NSUPER)
            def _():
                pltpu.make_async_copy(idx_src(s), my_idx.at[pl.ds(0, SUP)],
                                      my_sem).wait()

                @pl.when(s >= NW)
                def _():
                    drain_tail(pf_idx)

                @pl.when(pf_s < NSUPER)
                def _():
                    pltpu.async_copy(idx_src(pf_s), pf_idx.at[pl.ds(0, SUP)],
                                     pf_sem)
                for kk in range(SUP):
                    b = kk % 2
                    if kk >= 1:
                        pltpu.make_async_copy(bufs[1 - b],
                                              ssum.at[my_idx.at[kk - 1]],
                                              sems).wait()
                    if kk + 1 < SUP:
                        pltpu.async_copy(x_src(s, kk + 1), bufs[1 - b],
                                         sems_x[1 - b])
                    else:
                        @pl.when(s + NW < NSUPER)
                        def _():
                            pltpu.async_copy(x_src(s + NW, 0), bufs[1 - b],
                                             sems_x[1 - b])
                    pltpu.make_async_copy(x_src(s, kk), bufs[b],
                                          sems_x[b]).wait()
                    pltpu.async_copy(bufs[b], ssum.at[my_idx.at[kk]], sems,
                                     add=True)
                    pltpu.async_copy(ones_v, scnt.at[my_idx.at[kk]], semc,
                                     add=True)

        def body(jp, _):
            j0 = 2 * jp
            s0 = wid + j0 * NW
            s1 = wid + (j0 + 1) * NW
            s2 = wid + (j0 + 2) * NW
            run_super(s0, idxa_v, semia, s1, idxb_v, semib)
            run_super(s1, idxb_v, semib, s2, idxa_v, semia)
            return 0

        lax.fori_loop(0, npair, body, 0)
        drain_tail(idxa_v)
        plsc.subcore_barrier()

        cbufs = (cb_v, ones_v)
        sems_c = (semia, semib)

        for t in range(BPS):
            b = sid + t * NS

            @pl.when(b < NBLK)
            def _(t=t, b=b):
                fill_idx_row(t, blk_start(b))

        for t in range(BPS):
            b = sid + t * NS
            p = t % 2

            @pl.when(b < NBLK)
            def _(t=t, b=b, p=p):
                start = blk_start(b)
                if t >= 2:
                    pb = blk_start(sid + (t - 2) * NS)
                    pltpu.make_async_copy(
                        bufs[p], osum_hbm.at[cid, pl.ds(pb, CHUNK)],
                        sems_x[p]).wait()
                    pltpu.make_async_copy(
                        cbufs[p], ocnt_hbm.at[cid, pl.ds(pb, CHUNK)],
                        sems_c[p]).wait()
                pltpu.async_copy(ssum.at[idxa_v.at[t]], bufs[p], sems_x[p])
                pltpu.async_copy(scnt.at[idxa_v.at[t]], cbufs[p], sems_c[p])
                pltpu.make_async_copy(ssum.at[idxa_v.at[t]], bufs[p],
                                      sems_x[p]).wait()
                pltpu.async_copy(bufs[p], osum_hbm.at[cid, pl.ds(start, CHUNK)],
                                 sems_x[p])
                pltpu.make_async_copy(scnt.at[idxa_v.at[t]], cbufs[p],
                                      sems_c[p]).wait()
                pltpu.async_copy(cbufs[p],
                                 ocnt_hbm.at[cid, pl.ds(start, CHUNK)],
                                 sems_c[p])

        for t in range(BPS):
            b = sid + t * NS
            p = t % 2
            pending = jnp.logical_and(b < NBLK,
                                      (t + 2 >= BPS) | (sid + (t + 2) * NS >= NBLK))

            @pl.when(pending)
            def _(t=t, b=b, p=p):
                pb = blk_start(sid + t * NS)
                pltpu.make_async_copy(bufs[p],
                                      osum_hbm.at[cid, pl.ds(pb, CHUNK)],
                                      sems_x[p]).wait()
                pltpu.make_async_copy(cbufs[p],
                                      ocnt_hbm.at[cid, pl.ds(pb, CHUNK)],
                                      sems_c[p]).wait()

    return k(x, grp2d)


def _mlp_body(psum_ref, pcnt_ref, w1_ref, b1_ref, w2_ref, b2_ref, out_ref):
    s = psum_ref[0] + psum_ref[1]
    cnt = pcnt_ref[0, :, 0:1] + pcnt_ref[1, :, 0:1]
    means = s / jnp.maximum(cnt, 1.0)
    h = jnp.dot(means, w1_ref[...], preferred_element_type=jnp.float32)
    h = h + b1_ref[...][None, :]
    h = 0.5 * h * (1.0 + lax.erf(h * 0.7071067811865476))
    o = jnp.dot(h, w2_ref[...], preferred_element_type=jnp.float32)
    out_ref[...] = o + b2_ref[...][None, :]


def _tc_mlp(psum, pcnt, W1, b1, W2, b2):
    BG = 1000
    return pl.pallas_call(
        _mlp_body,
        grid=(G // BG,),
        in_specs=[
            pl.BlockSpec((NC, BG, D), lambda i: (0, i, 0)),
            pl.BlockSpec((NC, BG, CW), lambda i: (0, i, 0)),
            pl.BlockSpec((D, D), lambda i: (0, 0)),
            pl.BlockSpec((D,), lambda i: (0,)),
            pl.BlockSpec((D, C), lambda i: (0, 0)),
            pl.BlockSpec((C,), lambda i: (0,)),
        ],
        out_specs=pl.BlockSpec((BG, C), lambda i: (i, 0)),
        out_shape=jax.ShapeDtypeStruct((G, C), jnp.float32),
    )(psum, pcnt, W1, b1, W2, b2)


def kernel(x, group, W1, b1, W2, b2):
    grp2d = group.reshape(N // CHUNK, CHUNK)
    psum, pcnt = _sc_segment_sums(x, grp2d)
    return _tc_mlp(psum, pcnt, W1, b1, W2, b2)

# --- scband reference (transcript-rebuilt; emitter-appended) ---
"""Pipeline reference for scband-multi-node-classification-group-head-22445499089009 (READ-ONLY COPY).

The authoritative reference and input builder live on the scoring server;
editing this copy changes nothing except your own understanding.
"""

import jax, jax.numpy as jnp
import numpy as np

N = 320000
D = 128
G = 10000
C = 64


def setup_inputs(seed: int = 0) -> dict:
    key = jax.random.key(seed)
    k1, k2, k3, k4, k5, k6 = jax.random.split(key, 6)
    x = jax.random.normal(k1, (N, D), dtype=jnp.float32)
    group = jnp.sort(jax.random.randint(k2, (N,), 0, G, dtype=jnp.int32)).astype(jnp.int32)
    s = 1.0 / np.sqrt(D)
    W1 = jax.random.uniform(k3, (D, D), dtype=jnp.float32, minval=-s, maxval=s)
    b1 = jax.random.uniform(k4, (D,), dtype=jnp.float32, minval=-s, maxval=s)
    W2 = jax.random.uniform(k5, (D, C), dtype=jnp.float32, minval=-s, maxval=s)
    b2 = jax.random.uniform(k6, (C,), dtype=jnp.float32, minval=-s, maxval=s)
    return {"x": x, "group": group, "W1": W1, "b1": b1, "W2": W2, "b2": b2}


def reference(x, group, W1, b1, W2, b2):
    # group-wise mean aggregation (segment mean over sorted group ids),
    # faithful to torch.unique(sorted=True, return_counts=True) + split + mean
    ones = jnp.ones((x.shape[0],), dtype=x.dtype)
    counts = jax.ops.segment_sum(ones, group, num_segments=G)
    sums = jax.ops.segment_sum(x, group, num_segments=G)
    means = sums / jnp.maximum(counts, 1.0)[:, None]
    # clf: Linear -> GELU (exact/erf, matching torch nn.GELU default) -> Linear
    h = means @ W1 + b1
    h = jax.nn.gelu(h, approximate=False)
    out = h @ W2 + b2
    return out

if __name__ == "__main__":
    import jax
    _d = setup_inputs()
    print(jax.jit(kernel)(*tuple(_d.values())))

</pallas_src>

<mosaic_0001>
#map = affine_map<(d0, d1) -> (0, 0)>
#map1 = affine_map<(d0, d1) -> (0, 0, 0)>
module attributes {stable_mosaic.version = 14 : i64} {
  func.func @k(%arg0: i32, %arg1: i32, %arg2: memref<320000x128xf32, #tpu.memory_space<hbm>>, %arg3: memref<2500x128xi32, #tpu.memory_space<hbm>>, %arg4: memref<2x10000x128xf32, #tpu.memory_space<hbm>>, %arg5: memref<2x10000x16xf32, #tpu.memory_space<hbm>>, %arg6: memref<128x128xf32, #tpu.memory_space<vmem>>, %arg7: memref<128x128xf32, #tpu.memory_space<vmem>>, %arg8: memref<5x128xi32, #tpu.memory_space<vmem>>, %arg9: memref<5x128xi32, #tpu.memory_space<vmem>>, %arg10: memref<128x16xf32, #tpu.memory_space<vmem>>, %arg11: memref<128x16xf32, #tpu.memory_space<vmem>>, %arg12: memref<10000x128xf32, #tpu.memory_space<vmem_shared>>, %arg13: memref<10000x16xf32, #tpu.memory_space<vmem_shared>>, %arg14: memref<!tpu.dma_semaphore, #tpu.memory_space<semaphore_mem>>, %arg15: memref<!tpu.dma_semaphore, #tpu.memory_space<semaphore_mem>>, %arg16: memref<!tpu.dma_semaphore, #tpu.memory_space<semaphore_mem>>, %arg17: memref<!tpu.dma_semaphore, #tpu.memory_space<semaphore_mem>>, %arg18: memref<!tpu.dma_semaphore, #tpu.memory_space<semaphore_mem>>, %arg19: memref<!tpu.dma_semaphore, #tpu.memory_space<semaphore_mem>>) attributes {dimension_semantics = [#tpu.dimension_semantics<core_parallel>, #tpu.dimension_semantics<subcore_parallel>], iteration_bounds = array<i64: 2, 16>, scalar_prefetch = 0 : i64, scratch_operands = 14 : i64, tpu.core_type = #tpu.core_type<sc_vector_subcore>, window_params = [{transform_indices = #map}, {transform_indices = #map}, {transform_indices = #map1}, {transform_indices = #map1}]} {
    %mul3A = arith.constant 2 : i32
    %mul3A_0 = arith.muli %arg1, %mul3A : i32
    %add3A = arith.addi %mul3A_0, %arg0 : i32
    %iota3A = tpu.iota {dimensions = array<i32: 0>} : vector<16xi32>
    %scan3A = arith.constant 0 : i32
    %scan3A_1 = arith.constant 0 : i32
    %scan3A_2 = arith.constant 128 : i32
    %scan3A_3 = arith.addi %scan3A_1, %scan3A_2 : i32
    %scan3A_4 = arith.constant 1 : i32
    %scan3A_5 = scf.for %scan3A_272 = %scan3A_1 to %scan3A_3 step %scan3A_4 iter_args(%scan3A_273 = %scan3A) -> (i32)  : i32 {
      %broadcast_in_dim3A = arith.constant 0.000000e+00 : f32
      %broadcast_in_dim3A_274 = vector.broadcast %broadcast_in_dim3A : f32 to vector<16xf32>
      %swap3A = arith.index_cast %scan3A_272 : i32 to index
      %swap3A_275 = arith.constant 0 : index
      %swap3A_276 = tpu.vector_load %arg6[%swap3A, %swap3A_275] {strides = array<i32>} : memref<128x128xf32, #tpu.memory_space<vmem>>, vector<1x16xf32>,
      %swap3A_277 = vector.shape_cast %swap3A_276 : vector<1x16xf32> to vector<16xf32>
      %swap3A_278 = vector.shape_cast %broadcast_in_dim3A_274 : vector<16xf32> to vector<1x16xf32>
      tpu.vector_store %arg6[%swap3A, %swap3A_275], %swap3A_278 {strides = array<i32>} : memref<128x128xf32, #tpu.memory_space<vmem>>, vector<1x16xf32>,
      %broadcast_in_dim3A_279 = arith.constant 0.000000e+00 : f32
      %broadcast_in_dim3A_280 = vector.broadcast %broadcast_in_dim3A_279 : f32 to vector<16xf32>
      %swap3A_281 = arith.index_cast %scan3A_272 : i32 to index
      %swap3A_282 = arith.constant 16 : index
      %swap3A_283 = tpu.vector_load %arg6[%swap3A_281, %swap3A_282] {strides = array<i32>} : memref<128x128xf32, #tpu.memory_space<vmem>>, vector<1x16xf32>,
      %swap3A_284 = vector.shape_cast %swap3A_283 : vector<1x16xf32> to vector<16xf32>
      %swap3A_285 = vector.shape_cast %broadcast_in_dim3A_280 : vector<16xf32> to vector<1x16xf32>
      tpu.vector_store %arg6[%swap3A_281, %swap3A_282], %swap3A_285 {strides = array<i32>} : memref<128x128xf32, #tpu.memory_space<vmem>>, vector<1x16xf32>,
      %broadcast_in_dim3A_286 = arith.constant 0.000000e+00 : f32
      %broadcast_in_dim3A_287 = vector.broadcast %broadcast_in_dim3A_286 : f32 to vector<16xf32>
      %swap3A_288 = arith.index_cast %scan3A_272 : i32 to index
      %swap3A_289 = arith.constant 32 : index
      %swap3A_290 = tpu.vector_load %arg6[%swap3A_288, %swap3A_289] {strides = array<i32>} : memref<128x128xf32, #tpu.memory_space<vmem>>, vector<1x16xf32>,
      %swap3A_291 = vector.shape_cast %swap3A_290 : vector<1x16xf32> to vector<16xf32>
      %swap3A_292 = vector.shape_cast %broadcast_in_dim3A_287 : vector<16xf32> to vector<1x16xf32>
      tpu.vector_store %arg6[%swap3A_288, %swap3A_289], %swap3A_292 {strides = array<i32>} : memref<128x128xf32, #tpu.memory_space<vmem>>, vector<1x16xf32>,
      %broadcast_in_dim3A_293 = arith.constant 0.000000e+00 : f32
      %broadcast_in_dim3A_294 = vector.broadcast %broadcast_in_dim3A_293 : f32 to vector<16xf32>
      %swap3A_295 = arith.index_cast %scan3A_272 : i32 to index
      %swap3A_296 = arith.constant 48 : index
      %swap3A_297 = tpu.vector_load %arg6[%swap3A_295, %swap3A_296] {strides = array<i32>} : memref<128x128xf32, #tpu.memory_space<vmem>>, vector<1x16xf32>,
      %swap3A_298 = vector.shape_cast %swap3A_297 : vector<1x16xf32> to vector<16xf32>
      %swap3A_299 = vector.shape_cast %broadcast_in_dim3A_294 : vector<16xf32> to vector<1x16xf32>
      tpu.vector_store %arg6[%swap3A_295, %swap3A_296], %swap3A_299 {strides = array<i32>} : memref<128x128xf32, #tpu.memory_space<vmem>>, vector<1x16xf32>,
      %broadcast_in_dim3A_300 = arith.constant 0.000000e+00 : f32
      %broadcast_in_dim3A_301 = vector.broadcast %broadcast_in_dim3A_300 : f32 to vector<16xf32>
      %swap3A_302 = arith.index_cast %scan3A_272 : i32 to index
      %swap3A_303 = arith.constant 64 : index
      %swap3A_304 = tpu.vector_load %arg6[%swap3A_302, %swap3A_303] {strides = array<i32>} : memref<128x128xf32, #tpu.memory_space<vmem>>, vector<1x16xf32>,
      %swap3A_305 = vector.shape_cast %swap3A_304 : vector<1x16xf32> to vector<16xf32>
      %swap3A_306 = vector.shape_cast %broadcast_in_dim3A_301 : vector<16xf32> to vector<1x16xf32>
      tpu.vector_store %arg6[%swap3A_302, %swap3A_303], %swap3A_306 {strides = array<i32>} : memref<128x128xf32, #tpu.memory_space<vmem>>, vector<1x16xf32>,
      %broadcast_in_dim3A_307 = arith.constant 0.000000e+00 : f32
      %broadcast_in_dim3A_308 = vector.broadcast %broadcast_in_dim3A_307 : f32 to vector<16xf32>
      %swap3A_309 = arith.index_cast %scan3A_272 : i32 to index
      %swap3A_310 = arith.constant 80 : index
      %swap3A_311 = tpu.vector_load %arg6[%swap3A_309, %swap3A_310] {strides = array<i32>} : memref<128x128xf32, #tpu.memory_space<vmem>>, vector<1x16xf32>,
      %swap3A_312 = vector.shape_cast %swap3A_311 : vector<1x16xf32> to vector<16xf32>
      %swap3A_313 = vector.shape_cast %broadcast_in_dim3A_308 : vector<16xf32> to vector<1x16xf32>
      tpu.vector_store %arg6[%swap3A_309, %swap3A_310], %swap3A_313 {strides = array<i32>} : memref<128x128xf32, #tpu.memory_space<vmem>>, vector<1x16xf32>,
      %broadcast_in_dim3A_314 = arith.constant 0.000000e+00 : f32
      %broadcast_in_dim3A_315 = vector.broadcast %broadcast_in_dim3A_314 : f32 to vector<16xf32>
      %swap3A_316 = arith.index_cast %scan3A_272 : i32 to index
      %swap3A_317 = arith.constant 96 : index
      %swap3A_318 = tpu.vector_load %arg6[%swap3A_316, %swap3A_317] {strides = array<i32>} : memref<128x128xf32, #tpu.memory_space<vmem>>, vector<1x16xf32>,
      %swap3A_319 = vector.shape_cast %swap3A_318 : vector<1x16xf32> to vector<16xf32>
      %swap3A_320 = vector.shape_cast %broadcast_in_dim3A_315 : vector<16xf32> to vector<1x16xf32>
      tpu.vector_store %arg6[%swap3A_316, %swap3A_317], %swap3A_320 {strides = array<i32>} : memref<128x128xf32, #tpu.memory_space<vmem>>, vector<1x16xf32>,
      %broadcast_in_dim3A_321 = arith.constant 0.000000e+00 : f32
      %broadcast_in_dim3A_322 = vector.broadcast %broadcast_in_dim3A_321 : f32 to vector<16xf32>
      %swap3A_323 = arith.index_cast %scan3A_272 : i32 to index
      %swap3A_324 = arith.constant 112 : index
      %swap3A_325 = tpu.vector_load %arg6[%swap3A_323, %swap3A_324] {strides = array<i32>} : memref<128x128xf32, #tpu.memory_space<vmem>>, vector<1x16xf32>,
      %swap3A_326 = vector.shape_cast %swap3A_325 : vector<1x16xf32> to vector<16xf32>
      %swap3A_327 = vector.shape_cast %broadcast_in_dim3A_322 : vector<16xf32> to vector<1x16xf32>
      tpu.vector_store %arg6[%swap3A_323, %swap3A_324], %swap3A_327 {strides = array<i32>} : memref<128x128xf32, #tpu.memory_space<vmem>>, vector<1x16xf32>,
      %broadcast_in_dim3A_328 = arith.constant 1.000000e+00 : f32
      %broadcast_in_dim3A_329 = vector.broadcast %broadcast_in_dim3A_328 : f32 to vector<16xf32>
      %swap3A_330 = arith.index_cast %scan3A_272 : i32 to index
      %swap3A_331 = arith.constant 0 : index
      %swap3A_332 = tpu.vector_load %arg10[%swap3A_330, %swap3A_331] {strides = array<i32>} : memref<128x16xf32, #tpu.memory_space<vmem>>, vector<1x16xf32>,
      %swap3A_333 = vector.shape_cast %swap3A_332 : vector<1x16xf32> to vector<16xf32>
      %swap3A_334 = vector.shape_cast %broadcast_in_dim3A_329 : vector<16xf32> to vector<1x16xf32>
      tpu.vector_store %arg10[%swap3A_330, %swap3A_331], %swap3A_334 {strides = array<i32>} : memref<128x16xf32, #tpu.memory_space<vmem>>, vector<1x16xf32>,
      %broadcast_in_dim3A_335 = arith.constant 0.000000e+00 : f32
      %broadcast_in_dim3A_336 = vector.broadcast %broadcast_in_dim3A_335 : f32 to vector<16xf32>
      %swap3A_337 = arith.index_cast %scan3A_272 : i32 to index
      %swap3A_338 = arith.constant 0 : index
      %swap3A_339 = tpu.vector_load %arg11[%swap3A_337, %swap3A_338] {strides = array<i32>} : memref<128x16xf32, #tpu.memory_space<vmem>>, vector<1x16xf32>,
      %swap3A_340 = vector.shape_cast %swap3A_339 : vector<1x16xf32> to vector<16xf32>
      %swap3A_341 = vector.shape_cast %broadcast_in_dim3A_336 : vector<16xf32> to vector<1x16xf32>
      tpu.vector_store %arg11[%swap3A_337, %swap3A_338], %swap3A_341 {strides = array<i32>} : memref<128x16xf32, #tpu.memory_space<vmem>>, vector<1x16xf32>,
      %scan3A_342 = arith.constant 0 : i32
      scf.yield %scan3A_342 : i32
    }
    %scan3A_6 = arith.constant 128 : i32
    %add3A_7 = arith.constant 0 : i32
    %add3A_8 = arith.addi %arg1, %add3A_7 : i32
    %lt3A = arith.constant 79 : i32
    %lt3A_9 = arith.cmpi slt, %add3A_8, %lt3A : i32
    %convert_element_type3A = arith.extui %lt3A_9 : i1 to i32
    %cond3A = arith.constant 0 : i32
    %cond3A_10 = arith.cmpi ne, %convert_element_type3A, %cond3A : i32
    scf.if %cond3A_10 {
      %mul3A_272 = arith.constant 128 : i32
      %mul3A_273 = arith.muli %add3A_8, %mul3A_272 : i32
      %min3A = arith.constant 9872 : i32
      %min3A_274 = arith.minsi %mul3A_273, %min3A : i32
      %add3A_275 = arith.constant 0 : i32
      %add3A_276 = arith.addi %min3A_274, %add3A_275 : i32
      %add3A_277 = vector.broadcast %add3A_276 : i32 to vector<16xi32>
      %add3A_278 = arith.addi %add3A_277, %iota3A : vector<16xi32>
      %swap3A = arith.constant 0 : i32
      %swap3A_279 = arith.index_cast %swap3A : i32 to index
      %swap3A_280 = arith.constant 0 : index
      %swap3A_281 = tpu.vector_load %arg8[%swap3A_279, %swap3A_280] {strides = array<i32>} : memref<5x128xi32, #tpu.memory_space<vmem>>, vector<1x16xi32>,
      %swap3A_282 = vector.shape_cast %swap3A_281 : vector<1x16xi32> to vector<16xi32>
      %swap3A_283 = vector.shape_cast %add3A_278 : vector<16xi32> to vector<1x16xi32>
      tpu.vector_store %arg8[%swap3A_279, %swap3A_280], %swap3A_283 {strides = array<i32>} : memref<5x128xi32, #tpu.memory_space<vmem>>, vector<1x16xi32>,
      %add3A_284 = arith.constant 16 : i32
      %add3A_285 = arith.addi %min3A_274, %add3A_284 : i32
      %add3A_286 = vector.broadcast %add3A_285 : i32 to vector<16xi32>
      %add3A_287 = arith.addi %add3A_286, %iota3A : vector<16xi32>
      %swap3A_288 = arith.constant 0 : i32
      %swap3A_289 = arith.index_cast %swap3A_288 : i32 to index
      %swap3A_290 = arith.constant 16 : index
      %swap3A_291 = tpu.vector_load %arg8[%swap3A_289, %swap3A_290] {strides = array<i32>} : memref<5x128xi32, #tpu.memory_space<vmem>>, vector<1x16xi32>,
      %swap3A_292 = vector.shape_cast %swap3A_291 : vector<1x16xi32> to vector<16xi32>
      %swap3A_293 = vector.shape_cast %add3A_287 : vector<16xi32> to vector<1x16xi32>
      tpu.vector_store %arg8[%swap3A_289, %swap3A_290], %swap3A_293 {strides = array<i32>} : memref<5x128xi32, #tpu.memory_space<vmem>>, vector<1x16xi32>,
      %add3A_294 = arith.constant 32 : i32
      %add3A_295 = arith.addi %min3A_274, %add3A_294 : i32
      %add3A_296 = vector.broadcast %add3A_295 : i32 to vector<16xi32>
      %add3A_297 = arith.addi %add3A_296, %iota3A : vector<16xi32>
      %swap3A_298 = arith.constant 0 : i32
      %swap3A_299 = arith.index_cast %swap3A_298 : i32 to index
      %swap3A_300 = arith.constant 32 : index
      %swap3A_301 = tpu.vector_load %arg8[%swap3A_299, %swap3A_300] {strides = array<i32>} : memref<5x128xi32, #tpu.memory_space<vmem>>, vector<1x16xi32>,
      %swap3A_302 = vector.shape_cast %swap3A_301 : vector<1x16xi32> to vector<16xi32>
      %swap3A_303 = vector.shape_cast %add3A_297 : vector<16xi32> to vector<1x16xi32>
      tpu.vector_store %arg8[%swap3A_299, %swap3A_300], %swap3A_303 {strides = array<i32>} : memref<5x128xi32, #tpu.memory_space<vmem>>, vector<1x16xi32>,
      %add3A_304 = arith.constant 48 : i32
      %add3A_305 = arith.addi %min3A_274, %add3A_304 : i32
      %add3A_306 = vector.broadcast %add3A_305 : i32 to vector<16xi32>
      %add3A_307 = arith.addi %add3A_306, %iota3A : vector<16xi32>
      %swap3A_308 = arith.constant 0 : i32
      %swap3A_309 = arith.index_cast %swap3A_308 : i32 to index
      %swap3A_310 = arith.constant 48 : index
      %swap3A_311 = tpu.vector_load %arg8[%swap3A_309, %swap3A_310] {strides = array<i32>} : memref<5x128xi32, #tpu.memory_space<vmem>>, vector<1x16xi32>,
      %swap3A_312 = vector.shape_cast %swap3A_311 : vector<1x16xi32> to vector<16xi32>
      %swap3A_313 = vector.shape_cast %add3A_307 : vector<16xi32> to vector<1x16xi32>
      tpu.vector_store %arg8[%swap3A_309, %swap3A_310], %swap3A_313 {strides = array<i32>} : memref<5x128xi32, #tpu.memory_space<vmem>>, vector<1x16xi32>,
      %add3A_314 = arith.constant 64 : i32
      %add3A_315 = arith.addi %min3A_274, %add3A_314 : i32
      %add3A_316 = vector.broadcast %add3A_315 : i32 to vector<16xi32>
      %add3A_317 = arith.addi %add3A_316, %iota3A : vector<16xi32>
      %swap3A_318 = arith.constant 0 : i32
      %swap3A_319 = arith.index_cast %swap3A_318 : i32 to index
      %swap3A_320 = arith.constant 64 : index
      %swap3A_321 = tpu.vector_load %arg8[%swap3A_319, %swap3A_320] {strides = array<i32>} : memref<5x128xi32, #tpu.memory_space<vmem>>, vector<1x16xi32>,
      %swap3A_322 = vector.shape_cast %swap3A_321 : vector<1x16xi32> to vector<16xi32>
      %swap3A_323 = vector.shape_cast %add3A_317 : vector<16xi32> to vector<1x16xi32>
      tpu.vector_store %arg8[%swap3A_319, %swap3A_320], %swap3A_323 {strides = array<i32>} : memref<5x128xi32, #tpu.memory_space<vmem>>, vector<1x16xi32>,
      %add3A_324 = arith.constant 80 : i32
      %add3A_325 = arith.addi %min3A_274, %add3A_324 : i32
      %add3A_326 = vector.broadcast %add3A_325 : i32 to vector<16xi32>
      %add3A_327 = arith.addi %add3A_326, %iota3A : vector<16xi32>
      %swap3A_328 = arith.constant 0 : i32
      %swap3A_329 = arith.index_cast %swap3A_328 : i32 to index
      %swap3A_330 = arith.constant 80 : index
      %swap3A_331 = tpu.vector_load %arg8[%swap3A_329, %swap3A_330] {strides = array<i32>} : memref<5x128xi32, #tpu.memory_space<vmem>>, vector<1x16xi32>,
      %swap3A_332 = vector.shape_cast %swap3A_331 : vector<1x16xi32> to vector<16xi32>
      %swap3A_333 = vector.shape_cast %add3A_327 : vector<16xi32> to vector<1x16xi32>
      tpu.vector_store %arg8[%swap3A_329, %swap3A_330], %swap3A_333 {strides = array<i32>} : memref<5x128xi32, #tpu.memory_space<vmem>>, vector<1x16xi32>,
      %add3A_334 = arith.constant 96 : i32
      %add3A_335 = arith.addi %min3A_274, %add3A_334 : i32
      %add3A_336 = vector.broadcast %add3A_335 : i32 to vector<16xi32>
      %add3A_337 = arith.addi %add3A_336, %iota3A : vector<16xi32>
      %swap3A_338 = arith.constant 0 : i32
      %swap3A_339 = arith.index_cast %swap3A_338 : i32 to index
      %swap3A_340 = arith.constant 96 : index
      %swap3A_341 = tpu.vector_load %arg8[%swap3A_339, %swap3A_340] {strides = array<i32>} : memref<5x128xi32, #tpu.memory_space<vmem>>, vector<1x16xi32>,
      %swap3A_342 = vector.shape_cast %swap3A_341 : vector<1x16xi32> to vector<16xi32>
      %swap3A_343 = vector.shape_cast %add3A_337 : vector<16xi32> to vector<1x16xi32>
      tpu.vector_store %arg8[%swap3A_339, %swap3A_340], %swap3A_343 {strides = array<i32>} : memref<5x128xi32, #tpu.memory_space<vmem>>, vector<1x16xi32>,
      %add3A_344 = arith.constant 112 : i32
      %add3A_345 = arith.addi %min3A_274, %add3A_344 : i32
      %add3A_346 = vector.broadcast %add3A_345 : i32 to vector<16xi32>
      %add3A_347 = arith.addi %add3A_346, %iota3A : vector<16xi32>
      %swap3A_348 = arith.constant 0 : i32
      %swap3A_349 = arith.index_cast %swap3A_348 : i32 to index
      %swap3A_350 = arith.constant 112 : index
      %swap3A_351 = tpu.vector_load %arg8[%swap3A_349, %swap3A_350] {strides = array<i32>} : memref<5x128xi32, #tpu.memory_space<vmem>>, vector<1x16xi32>,
      %swap3A_352 = vector.shape_cast %swap3A_351 : vector<1x16xi32> to vector<16xi32>
      %swap3A_353 = vector.shape_cast %add3A_347 : vector<16xi32> to vector<1x16xi32>
      tpu.vector_store %arg8[%swap3A_349, %swap3A_350], %swap3A_353 {strides = array<i32>} : memref<5x128xi32, #tpu.memory_space<vmem>>, vector<1x16xi32>,
      %dma_start3A_354 = arith.constant 0 : i32
      %dma_start3A_355 = arith.constant 0 : i32
      %dma_start3A_356 = tpu.memref_slice %arg8[%dma_start3A_354, %dma_start3A_355] : memref<5x128xi32, #tpu.memory_space<vmem>> -> memref<1x128xi32, #tpu.memory_space<vmem>>
      %dma_start3A_357 = tpu.memref_squeeze %dma_start3A_356 : memref<1x128xi32, #tpu.memory_space<vmem>> -> memref<128xi32, #tpu.memory_space<vmem>>
      %dma_start3A_358 = arith.constant 0 : i32
      %dma_start3A_359 = arith.constant 0 : i32
      %dma_start3A_360 = tpu.memref_slice %arg12[%dma_start3A_358, %dma_start3A_359] : memref<10000x128xf32, #tpu.memory_space<vmem_shared>> -> memref<10000x128xf32, #tpu.memory_space<vmem_shared>>
      tpu.enqueue_indirect_dma source(%arg6 : memref<128x128xf32, #tpu.memory_space<vmem>>) target(%dma_start3A_360 : memref<10000x128xf32, #tpu.memory_space<vmem_shared>>) offsets(%dma_start3A_357 : memref<128xi32, #tpu.memory_space<vmem>>) semaphore(%arg16 : memref<!tpu.dma_semaphore, #tpu.memory_space<semaphore_mem>>)
      %dma_start3A_361 = arith.constant 0 : i32
      %dma_start3A_362 = arith.constant 0 : i32
      %dma_start3A_363 = tpu.memref_slice %arg8[%dma_start3A_361, %dma_start3A_362] : memref<5x128xi32, #tpu.memory_space<vmem>> -> memref<1x128xi32, #tpu.memory_space<vmem>>
      %dma_start3A_364 = tpu.memref_squeeze %dma_start3A_363 : memref<1x128xi32, #tpu.memory_space<vmem>> -> memref<128xi32, #tpu.memory_space<vmem>>
      %dma_start3A_365 = arith.constant 0 : i32
      %dma_start3A_366 = arith.constant 0 : i32
      %dma_start3A_367 = tpu.memref_slice %arg13[%dma_start3A_365, %dma_start3A_366] : memref<10000x16xf32, #tpu.memory_space<vmem_shared>> -> memref<10000x16xf32, #tpu.memory_space<vmem_shared>>
      tpu.enqueue_indirect_dma source(%arg11 : memref<128x16xf32, #tpu.memory_space<vmem>>) target(%dma_start3A_367 : memref<10000x16xf32, #tpu.memory_space<vmem_shared>>) offsets(%dma_start3A_364 : memref<128xi32, #tpu.memory_space<vmem>>) semaphore(%arg17 : memref<!tpu.dma_semaphore, #tpu.memory_space<semaphore_mem>>)
    } else {
    }
    %add3A_11 = arith.constant 16 : i32
    %add3A_12 = arith.addi %arg1, %add3A_11 : i32
    %lt3A_13 = arith.constant 79 : i32
    %lt3A_14 = arith.cmpi slt, %add3A_12, %lt3A_13 : i32
    %convert_element_type3A_15 = arith.extui %lt3A_14 : i1 to i32
    %cond3A_16 = arith.constant 0 : i32
    %cond3A_17 = arith.cmpi ne, %convert_element_type3A_15, %cond3A_16 : i32
    scf.if %cond3A_17 {
      %mul3A_272 = arith.constant 128 : i32
      %mul3A_273 = arith.muli %add3A_12, %mul3A_272 : i32
      %min3A = arith.constant 9872 : i32
      %min3A_274 = arith.minsi %mul3A_273, %min3A : i32
      %add3A_275 = arith.constant 0 : i32
      %add3A_276 = arith.addi %min3A_274, %add3A_275 : i32
      %add3A_277 = vector.broadcast %add3A_276 : i32 to vector<16xi32>
      %add3A_278 = arith.addi %add3A_277, %iota3A : vector<16xi32>
      %swap3A = arith.constant 1 : i32
      %swap3A_279 = arith.index_cast %swap3A : i32 to index
      %swap3A_280 = arith.constant 0 : index
      %swap3A_281 = tpu.vector_load %arg8[%swap3A_279, %swap3A_280] {strides = array<i32>} : memref<5x128xi32, #tpu.memory_space<vmem>>, vector<1x16xi32>,
      %swap3A_282 = vector.shape_cast %swap3A_281 : vector<1x16xi32> to vector<16xi32>
      %swap3A_283 = vector.shape_cast %add3A_278 : vector<16xi32> to vector<1x16xi32>
      tpu.vector_store %arg8[%swap3A_279, %swap3A_280], %swap3A_283 {strides = array<i32>} : memref<5x128xi32, #tpu.memory_space<vmem>>, vector<1x16xi32>,
      %add3A_284 = arith.constant 16 : i32
      %add3A_285 = arith.addi %min3A_274, %add3A_284 : i32
      %add3A_286 = vector.broadcast %add3A_285 : i32 to vector<16xi32>
      %add3A_287 = arith.addi %add3A_286, %iota3A : vector<16xi32>
      %swap3A_288 = arith.constant 1 : i32
      %swap3A_289 = arith.index_cast %swap3A_288 : i32 to index
      %swap3A_290 = arith.constant 16 : index
      %swap3A_291 = tpu.vector_load %arg8[%swap3A_289, %swap3A_290] {strides = array<i32>} : memref<5x128xi32, #tpu.memory_space<vmem>>, vector<1x16xi32>,
      %swap3A_292 = vector.shape_cast %swap3A_291 : vector<1x16xi32> to vector<16xi32>
      %swap3A_293 = vector.shape_cast %add3A_287 : vector<16xi32> to vector<1x16xi32>
      tpu.vector_store %arg8[%swap3A_289, %swap3A_290], %swap3A_293 {strides = array<i32>} : memref<5x128xi32, #tpu.memory_space<vmem>>, vector<1x16xi32>,
      %add3A_294 = arith.constant 32 : i32
      %add3A_295 = arith.addi %min3A_274, %add3A_294 : i32
      %add3A_296 = vector.broadcast %add3A_295 : i32 to vector<16xi32>
      %add3A_297 = arith.addi %add3A_296, %iota3A : vector<16xi32>
      %swap3A_298 = arith.constant 1 : i32
      %swap3A_299 = arith.index_cast %swap3A_298 : i32 to index
      %swap3A_300 = arith.constant 32 : index
      %swap3A_301 = tpu.vector_load %arg8[%swap3A_299, %swap3A_300] {strides = array<i32>} : memref<5x128xi32, #tpu.memory_space<vmem>>, vector<1x16xi32>,
      %swap3A_302 = vector.shape_cast %swap3A_301 : vector<1x16xi32> to vector<16xi32>
      %swap3A_303 = vector.shape_cast %add3A_297 : vector<16xi32> to vector<1x16xi32>
      tpu.vector_store %arg8[%swap3A_299, %swap3A_300], %swap3A_303 {strides = array<i32>} : memref<5x128xi32, #tpu.memory_space<vmem>>, vector<1x16xi32>,
      %add3A_304 = arith.constant 48 : i32
      %add3A_305 = arith.addi %min3A_274, %add3A_304 : i32
      %add3A_306 = vector.broadcast %add3A_305 : i32 to vector<16xi32>
      %add3A_307 = arith.addi %add3A_306, %iota3A : vector<16xi32>
      %swap3A_308 = arith.constant 1 : i32
      %swap3A_309 = arith.index_cast %swap3A_308 : i32 to index
      %swap3A_310 = arith.constant 48 : index
      %swap3A_311 = tpu.vector_load %arg8[%swap3A_309, %swap3A_310] {strides = array<i32>} : memref<5x128xi32, #tpu.memory_space<vmem>>, vector<1x16xi32>,
      %swap3A_312 = vector.shape_cast %swap3A_311 : vector<1x16xi32> to vector<16xi32>
      %swap3A_313 = vector.shape_cast %add3A_307 : vector<16xi32> to vector<1x16xi32>
      tpu.vector_store %arg8[%swap3A_309, %swap3A_310], %swap3A_313 {strides = array<i32>} : memref<5x128xi32, #tpu.memory_space<vmem>>, vector<1x16xi32>,
      %add3A_314 = arith.constant 64 : i32
      %add3A_315 = arith.addi %min3A_274, %add3A_314 : i32
      %add3A_316 = vector.broadcast %add3A_315 : i32 to vector<16xi32>
      %add3A_317 = arith.addi %add3A_316, %iota3A : vector<16xi32>
      %swap3A_318 = arith.constant 1 : i32
      %swap3A_319 = arith.index_cast %swap3A_318 : i32 to index
      %swap3A_320 = arith.constant 64 : index
      %swap3A_321 = tpu.vector_load %arg8[%swap3A_319, %swap3A_320] {strides = array<i32>} : memref<5x128xi32, #tpu.memory_space<vmem>>, vector<1x16xi32>,
      %swap3A_322 = vector.shape_cast %swap3A_321 : vector<1x16xi32> to vector<16xi32>
      %swap3A_323 = vector.shape_cast %add3A_317 : vector<16xi32> to vector<1x16xi32>
      tpu.vector_store %arg8[%swap3A_319, %swap3A_320], %swap3A_323 {strides = array<i32>} : memref<5x128xi32, #tpu.memory_space<vmem>>, vector<1x16xi32>,
      %add3A_324 = arith.constant 80 : i32
      %add3A_325 = arith.addi %min3A_274, %add3A_324 : i32
      %add3A_326 = vector.broadcast %add3A_325 : i32 to vector<16xi32>
      %add3A_327 = arith.addi %add3A_326, %iota3A : vector<16xi32>
      %swap3A_328 = arith.constant 1 : i32
      %swap3A_329 = arith.index_cast %swap3A_328 : i32 to index
      %swap3A_330 = arith.constant 80 : index
      %swap3A_331 = tpu.vector_load %arg8[%swap3A_329, %swap3A_330] {strides = array<i32>} : memref<5x128xi32, #tpu.memory_space<vmem>>, vector<1x16xi32>,
      %swap3A_332 = vector.shape_cast %swap3A_331 : vector<1x16xi32> to vector<16xi32>
      %swap3A_333 = vector.shape_cast %add3A_327 : vector<16xi32> to vector<1x16xi32>
      tpu.vector_store %arg8[%swap3A_329, %swap3A_330], %swap3A_333 {strides = array<i32>} : memref<5x128xi32, #tpu.memory_space<vmem>>, vector<1x16xi32>,
      %add3A_334 = arith.constant 96 : i32
      %add3A_335 = arith.addi %min3A_274, %add3A_334 : i32
      %add3A_336 = vector.broadcast %add3A_335 : i32 to vector<16xi32>
      %add3A_337 = arith.addi %add3A_336, %iota3A : vector<16xi32>
      %swap3A_338 = arith.constant 1 : i32
      %swap3A_339 = arith.index_cast %swap3A_338 : i32 to index
      %swap3A_340 = arith.constant 96 : index
      %swap3A_341 = tpu.vector_load %arg8[%swap3A_339, %swap3A_340] {strides = array<i32>} : memref<5x128xi32, #tpu.memory_space<vmem>>, vector<1x16xi32>,
      %swap3A_342 = vector.shape_cast %swap3A_341 : vector<1x16xi32> to vector<16xi32>
      %swap3A_343 = vector.shape_cast %add3A_337 : vector<16xi32> to vector<1x16xi32>
      tpu.vector_store %arg8[%swap3A_339, %swap3A_340], %swap3A_343 {strides = array<i32>} : memref<5x128xi32, #tpu.memory_space<vmem>>, vector<1x16xi32>,
      %add3A_344 = arith.constant 112 : i32
      %add3A_345 = arith.addi %min3A_274, %add3A_344 : i32
      %add3A_346 = vector.broadcast %add3A_345 : i32 to vector<16xi32>
      %add3A_347 = arith.addi %add3A_346, %iota3A : vector<16xi32>
      %swap3A_348 = arith.constant 1 : i32
      %swap3A_349 = arith.index_cast %swap3A_348 : i32 to index
      %swap3A_350 = arith.constant 112 : index
      %swap3A_351 = tpu.vector_load %arg8[%swap3A_349, %swap3A_350] {strides = array<i32>} : memref<5x128xi32, #tpu.memory_space<vmem>>, vector<1x16xi32>,
      %swap3A_352 = vector.shape_cast %swap3A_351 : vector<1x16xi32> to vector<16xi32>
      %swap3A_353 = vector.shape_cast %add3A_347 : vector<16xi32> to vector<1x16xi32>
      tpu.vector_store %arg8[%swap3A_349, %swap3A_350], %swap3A_353 {strides = array<i32>} : memref<5x128xi32, #tpu.memory_space<vmem>>, vector<1x16xi32>,
      %dma_start3A_354 = arith.constant 1 : i32
      %dma_start3A_355 = arith.constant 0 : i32
      %dma_start3A_356 = tpu.memref_slice %arg8[%dma_start3A_354, %dma_start3A_355] : memref<5x128xi32, #tpu.memory_space<vmem>> -> memref<1x128xi32, #tpu.memory_space<vmem>>
      %dma_start3A_357 = tpu.memref_squeeze %dma_start3A_356 : memref<1x128xi32, #tpu.memory_space<vmem>> -> memref<128xi32, #tpu.memory_space<vmem>>
      %dma_start3A_358 = arith.constant 0 : i32
      %dma_start3A_359 = arith.constant 0 : i32
      %dma_start3A_360 = tpu.memref_slice %arg12[%dma_start3A_358, %dma_start3A_359] : memref<10000x128xf32, #tpu.memory_space<vmem_shared>> -> memref<10000x128xf32, #tpu.memory_space<vmem_shared>>
      tpu.enqueue_indirect_dma source(%arg6 : memref<128x128xf32, #tpu.memory_space<vmem>>) target(%dma_start3A_360 : memref<10000x128xf32, #tpu.memory_space<vmem_shared>>) offsets(%dma_start3A_357 : memref<128xi32, #tpu.memory_space<vmem>>) semaphore(%arg16 : memref<!tpu.dma_semaphore, #tpu.memory_space<semaphore_mem>>)
      %dma_start3A_361 = arith.constant 1 : i32
      %dma_start3A_362 = arith.constant 0 : i32
      %dma_start3A_363 = tpu.memref_slice %arg8[%dma_start3A_361, %dma_start3A_362] : memref<5x128xi32, #tpu.memory_space<vmem>> -> memref<1x128xi32, #tpu.memory_space<vmem>>
      %dma_start3A_364 = tpu.memref_squeeze %dma_start3A_363 : memref<1x128xi32, #tpu.memory_space<vmem>> -> memref<128xi32, #tpu.memory_space<vmem>>
      %dma_start3A_365 = arith.constant 0 : i32
      %dma_start3A_366 = arith.constant 0 : i32
      %dma_start3A_367 = tpu.memref_slice %arg13[%dma_start3A_365, %dma_start3A_366] : memref<10000x16xf32, #tpu.memory_space<vmem_shared>> -> memref<10000x16xf32, #tpu.memory_space<vmem_shared>>
      tpu.enqueue_indirect_dma source(%arg11 : memref<128x16xf32, #tpu.memory_space<vmem>>) target(%dma_start3A_367 : memref<10000x16xf32, #tpu.memory_space<vmem_shared>>) offsets(%dma_start3A_364 : memref<128xi32, #tpu.memory_space<vmem>>) semaphore(%arg17 : memref<!tpu.dma_semaphore, #tpu.memory_space<semaphore_mem>>)
    } else {
    }
    %add3A_18 = arith.constant 32 : i32
    %add3A_19 = arith.addi %arg1, %add3A_18 : i32
    %lt3A_20 = arith.constant 79 : i32
    %lt3A_21 = arith.cmpi slt, %add3A_19, %lt3A_20 : i32
    %convert_element_type3A_22 = arith.extui %lt3A_21 : i1 to i32
    %cond3A_23 = arith.constant 0 : i32
    %cond3A_24 = arith.cmpi ne, %convert_element_type3A_22, %cond3A_23 : i32
    scf.if %cond3A_24 {
      %mul3A_272 = arith.constant 128 : i32
      %mul3A_273 = arith.muli %add3A_19, %mul3A_272 : i32
      %min3A = arith.constant 9872 : i32
      %min3A_274 = arith.minsi %mul3A_273, %min3A : i32
      %add3A_275 = arith.constant 0 : i32
      %add3A_276 = arith.addi %min3A_274, %add3A_275 : i32
      %add3A_277 = vector.broadcast %add3A_276 : i32 to vector<16xi32>
      %add3A_278 = arith.addi %add3A_277, %iota3A : vector<16xi32>
      %swap3A = arith.constant 2 : i32
      %swap3A_279 = arith.index_cast %swap3A : i32 to index
      %swap3A_280 = arith.constant 0 : index
      %swap3A_281 = tpu.vector_load %arg8[%swap3A_279, %swap3A_280] {strides = array<i32>} : memref<5x128xi32, #tpu.memory_space<vmem>>, vector<1x16xi32>,
      %swap3A_282 = vector.shape_cast %swap3A_281 : vector<1x16xi32> to vector<16xi32>
      %swap3A_283 = vector.shape_cast %add3A_278 : vector<16xi32> to vector<1x16xi32>
      tpu.vector_store %arg8[%swap3A_279, %swap3A_280], %swap3A_283 {strides = array<i32>} : memref<5x128xi32, #tpu.memory_space<vmem>>, vector<1x16xi32>,
      %add3A_284 = arith.constant 16 : i32
      %add3A_285 = arith.addi %min3A_274, %add3A_284 : i32
      %add3A_286 = vector.broadcast %add3A_285 : i32 to vector<16xi32>
      %add3A_287 = arith.addi %add3A_286, %iota3A : vector<16xi32>
      %swap3A_288 = arith.constant 2 : i32
      %swap3A_289 = arith.index_cast %swap3A_288 : i32 to index
      %swap3A_290 = arith.constant 16 : index
      %swap3A_291 = tpu.vector_load %arg8[%swap3A_289, %swap3A_290] {strides = array<i32>} : memref<5x128xi32, #tpu.memory_space<vmem>>, vector<1x16xi32>,
      %swap3A_292 = vector.shape_cast %swap3A_291 : vector<1x16xi32> to vector<16xi32>
      %swap3A_293 = vector.shape_cast %add3A_287 : vector<16xi32> to vector<1x16xi32>
      tpu.vector_store %arg8[%swap3A_289, %swap3A_290], %swap3A_293 {strides = array<i32>} : memref<5x128xi32, #tpu.memory_space<vmem>>, vector<1x16xi32>,
      %add3A_294 = arith.constant 32 : i32
      %add3A_295 = arith.addi %min3A_274, %add3A_294 : i32
      %add3A_296 = vector.broadcast %add3A_295 : i32 to vector<16xi32>
      %add3A_297 = arith.addi %add3A_296, %iota3A : vector<16xi32>
      %swap3A_298 = arith.constant 2 : i32
      %swap3A_299 = arith.index_cast %swap3A_298 : i32 to index
      %swap3A_300 = arith.constant 32 : index
      %swap3A_301 = tpu.vector_load %arg8[%swap3A_299, %swap3A_300] {strides = array<i32>} : memref<5x128xi32, #tpu.memory_space<vmem>>, vector<1x16xi32>,
      %swap3A_302 = vector.shape_cast %swap3A_301 : vector<1x16xi32> to vector<16xi32>
      %swap3A_303 = vector.shape_cast %add3A_297 : vector<16xi32> to vector<1x16xi32>
      tpu.vector_store %arg8[%swap3A_299, %swap3A_300], %swap3A_303 {strides = array<i32>} : memref<5x128xi32, #tpu.memory_space<vmem>>, vector<1x16xi32>,
      %add3A_304 = arith.constant 48 : i32
      %add3A_305 = arith.addi %min3A_274, %add3A_304 : i32
      %add3A_306 = vector.broadcast %add3A_305 : i32 to vector<16xi32>
      %add3A_307 = arith.addi %add3A_306, %iota3A : vector<16xi32>
      %swap3A_308 = arith.constant 2 : i32
      %swap3A_309 = arith.index_cast %swap3A_308 : i32 to index
      %swap3A_310 = arith.constant 48 : index
      %swap3A_311 = tpu.vector_load %arg8[%swap3A_309, %swap3A_310] {strides = array<i32>} : memref<5x128xi32, #tpu.memory_space<vmem>>, vector<1x16xi32>,
      %swap3A_312 = vector.shape_cast %swap3A_311 : vector<1x16xi32> to vector<16xi32>
      %swap3A_313 = vector.shape_cast %add3A_307 : vector<16xi32> to vector<1x16xi32>
      tpu.vector_store %arg8[%swap3A_309, %swap3A_310], %swap3A_313 {strides = array<i32>} : memref<5x128xi32, #tpu.memory_space<vmem>>, vector<1x16xi32>,
      %add3A_314 = arith.constant 64 : i32
      %add3A_315 = arith.addi %min3A_274, %add3A_314 : i32
      %add3A_316 = vector.broadcast %add3A_315 : i32 to vector<16xi32>
      %add3A_317 = arith.addi %add3A_316, %iota3A : vector<16xi32>
      %swap3A_318 = arith.constant 2 : i32
      %swap3A_319 = arith.index_cast %swap3A_318 : i32 to index
      %swap3A_320 = arith.constant 64 : index
      %swap3A_321 = tpu.vector_load %arg8[%swap3A_319, %swap3A_320] {strides = array<i32>} : memref<5x128xi32, #tpu.memory_space<vmem>>, vector<1x16xi32>,
      %swap3A_322 = vector.shape_cast %swap3A_321 : vector<1x16xi32> to vector<16xi32>
      %swap3A_323 = vector.shape_cast %add3A_317 : vector<16xi32> to vector<1x16xi32>
      tpu.vector_store %arg8[%swap3A_319, %swap3A_320], %swap3A_323 {strides = array<i32>} : memref<5x128xi32, #tpu.memory_space<vmem>>, vector<1x16xi32>,
      %add3A_324 = arith.constant 80 : i32
      %add3A_325 = arith.addi %min3A_274, %add3A_324 : i32
      %add3A_326 = vector.broadcast %add3A_325 : i32 to vector<16xi32>
      %add3A_327 = arith.addi %add3A_326, %iota3A : vector<16xi32>
      %swap3A_328 = arith.constant 2 : i32
      %swap3A_329 = arith.index_cast %swap3A_328 : i32 to index
      %swap3A_330 = arith.constant 80 : index
      %swap3A_331 = tpu.vector_load %arg8[%swap3A_329, %swap3A_330] {strides = array<i32>} : memref<5x128xi32, #tpu.memory_space<vmem>>, vector<1x16xi32>,
      %swap3A_332 = vector.shape_cast %swap3A_331 : vector<1x16xi32> to vector<16xi32>
      %swap3A_333 = vector.shape_cast %add3A_327 : vector<16xi32> to vector<1x16xi32>
      tpu.vector_store %arg8[%swap3A_329, %swap3A_330], %swap3A_333 {strides = array<i32>} : memref<5x128xi32, #tpu.memory_space<vmem>>, vector<1x16xi32>,
      %add3A_334 = arith.constant 96 : i32
      %add3A_335 = arith.addi %min3A_274, %add3A_334 : i32
      %add3A_336 = vector.broadcast %add3A_335 : i32 to vector<16xi32>
      %add3A_337 = arith.addi %add3A_336, %iota3A : vector<16xi32>
      %swap3A_338 = arith.constant 2 : i32
      %swap3A_339 = arith.index_cast %swap3A_338 : i32 to index
      %swap3A_340 = arith.constant 96 : index
      %swap3A_341 = tpu.vector_load %arg8[%swap3A_339, %swap3A_340] {strides = array<i32>} : memref<5x128xi32, #tpu.memory_space<vmem>>, vector<1x16xi32>,
      %swap3A_342 = vector.shape_cast %swap3A_341 : vector<1x16xi32> to vector<16xi32>
      %swap3A_343 = vector.shape_cast %add3A_337 : vector<16xi32> to vector<1x16xi32>
      tpu.vector_store %arg8[%swap3A_339, %swap3A_340], %swap3A_343 {strides = array<i32>} : memref<5x128xi32, #tpu.memory_space<vmem>>, vector<1x16xi32>,
      %add3A_344 = arith.constant 112 : i32
      %add3A_345 = arith.addi %min3A_274, %add3A_344 : i32
      %add3A_346 = vector.broadcast %add3A_345 : i32 to vector<16xi32>
      %add3A_347 = arith.addi %add3A_346, %iota3A : vector<16xi32>
      %swap3A_348 = arith.constant 2 : i32
      %swap3A_349 = arith.index_cast %swap3A_348 : i32 to index
      %swap3A_350 = arith.constant 112 : index
      %swap3A_351 = tpu.vector_load %arg8[%swap3A_349, %swap3A_350] {strides = array<i32>} : memref<5x128xi32, #tpu.memory_space<vmem>>, vector<1x16xi32>,
      %swap3A_352 = vector.shape_cast %swap3A_351 : vector<1x16xi32> to vector<16xi32>
      %swap3A_353 = vector.shape_cast %add3A_347 : vector<16xi32> to vector<1x16xi32>
      tpu.vector_store %arg8[%swap3A_349, %swap3A_350], %swap3A_353 {strides = array<i32>} : memref<5x128xi32, #tpu.memory_space<vmem>>, vector<1x16xi32>,
      %dma_start3A_354 = arith.constant 2 : i32
      %dma_start3A_355 = arith.constant 0 : i32
      %dma_start3A_356 = tpu.memref_slice %arg8[%dma_start3A_354, %dma_start3A_355] : memref<5x128xi32, #tpu.memory_space<vmem>> -> memref<1x128xi32, #tpu.memory_space<vmem>>
      %dma_start3A_357 = tpu.memref_squeeze %dma_start3A_356 : memref<1x128xi32, #tpu.memory_space<vmem>> -> memref<128xi32, #tpu.memory_space<vmem>>
      %dma_start3A_358 = arith.constant 0 : i32
      %dma_start3A_359 = arith.constant 0 : i32
      %dma_start3A_360 = tpu.memref_slice %arg12[%dma_start3A_358, %dma_start3A_359] : memref<10000x128xf32, #tpu.memory_space<vmem_shared>> -> memref<10000x128xf32, #tpu.memory_space<vmem_shared>>
      tpu.enqueue_indirect_dma source(%arg6 : memref<128x128xf32, #tpu.memory_space<vmem>>) target(%dma_start3A_360 : memref<10000x128xf32, #tpu.memory_space<vmem_shared>>) offsets(%dma_start3A_357 : memref<128xi32, #tpu.memory_space<vmem>>) semaphore(%arg16 : memref<!tpu.dma_semaphore, #tpu.memory_space<semaphore_mem>>)
      %dma_start3A_361 = arith.constant 2 : i32
      %dma_start3A_362 = arith.constant 0 : i32
      %dma_start3A_363 = tpu.memref_slice %arg8[%dma_start3A_361, %dma_start3A_362] : memref<5x128xi32, #tpu.memory_space<vmem>> -> memref<1x128xi32, #tpu.memory_space<vmem>>
      %dma_start3A_364 = tpu.memref_squeeze %dma_start3A_363 : memref<1x128xi32, #tpu.memory_space<vmem>> -> memref<128xi32, #tpu.memory_space<vmem>>
      %dma_start3A_365 = arith.constant 0 : i32
      %dma_start3A_366 = arith.constant 0 : i32
      %dma_start3A_367 = tpu.memref_slice %arg13[%dma_start3A_365, %dma_start3A_366] : memref<10000x16xf32, #tpu.memory_space<vmem_shared>> -> memref<10000x16xf32, #tpu.memory_space<vmem_shared>>
      tpu.enqueue_indirect_dma source(%arg11 : memref<128x16xf32, #tpu.memory_space<vmem>>) target(%dma_start3A_367 : memref<10000x16xf32, #tpu.memory_space<vmem_shared>>) offsets(%dma_start3A_364 : memref<128xi32, #tpu.memory_space<vmem>>) semaphore(%arg17 : memref<!tpu.dma_semaphore, #tpu.memory_space<semaphore_mem>>)
    } else {
    }
    %add3A_25 = arith.constant 48 : i32
    %add3A_26 = arith.addi %arg1, %add3A_25 : i32
    %lt3A_27 = arith.constant 79 : i32
    %lt3A_28 = arith.cmpi slt, %add3A_26, %lt3A_27 : i32
    %convert_element_type3A_29 = arith.extui %lt3A_28 : i1 to i32
    %cond3A_30 = arith.constant 0 : i32
    %cond3A_31 = arith.cmpi ne, %convert_element_type3A_29, %cond3A_30 : i32
    scf.if %cond3A_31 {
      %mul3A_272 = arith.constant 128 : i32
      %mul3A_273 = arith.muli %add3A_26, %mul3A_272 : i32
      %min3A = arith.constant 9872 : i32
      %min3A_274 = arith.minsi %mul3A_273, %min3A : i32
      %add3A_275 = arith.constant 0 : i32
      %add3A_276 = arith.addi %min3A_274, %add3A_275 : i32
      %add3A_277 = vector.broadcast %add3A_276 : i32 to vector<16xi32>
      %add3A_278 = arith.addi %add3A_277, %iota3A : vector<16xi32>
      %swap3A = arith.constant 3 : i32
      %swap3A_279 = arith.index_cast %swap3A : i32 to index
      %swap3A_280 = arith.constant 0 : index
      %swap3A_281 = tpu.vector_load %arg8[%swap3A_279, %swap3A_280] {strides = array<i32>} : memref<5x128xi32, #tpu.memory_space<vmem>>, vector<1x16xi32>,
      %swap3A_282 = vector.shape_cast %swap3A_281 : vector<1x16xi32> to vector<16xi32>
      %swap3A_283 = vector.shape_cast %add3A_278 : vector<16xi32> to vector<1x16xi32>
      tpu.vector_store %arg8[%swap3A_279, %swap3A_280], %swap3A_283 {strides = array<i32>} : memref<5x128xi32, #tpu.memory_space<vmem>>, vector<1x16xi32>,
      %add3A_284 = arith.constant 16 : i32
      %add3A_285 = arith.addi %min3A_274, %add3A_284 : i32
      %add3A_286 = vector.broadcast %add3A_285 : i32 to vector<16xi32>
      %add3A_287 = arith.addi %add3A_286, %iota3A : vector<16xi32>
      %swap3A_288 = arith.constant 3 : i32
      %swap3A_289 = arith.index_cast %swap3A_288 : i32 to index
      %swap3A_290 = arith.constant 16 : index
      %swap3A_291 = tpu.vector_load %arg8[%swap3A_289, %swap3A_290] {strides = array<i32>} : memref<5x128xi32, #tpu.memory_space<vmem>>, vector<1x16xi32>,
      %swap3A_292 = vector.shape_cast %swap3A_291 : vector<1x16xi32> to vector<16xi32>
      %swap3A_293 = vector.shape_cast %add3A_287 : vector<16xi32> to vector<1x16xi32>
      tpu.vector_store %arg8[%swap3A_289, %swap3A_290], %swap3A_293 {strides = array<i32>} : memref<5x128xi32, #tpu.memory_space<vmem>>, vector<1x16xi32>,
      %add3A_294 = arith.constant 32 : i32
      %add3A_295 = arith.addi %min3A_274, %add3A_294 : i32
      %add3A_296 = vector.broadcast %add3A_295 : i32 to vector<16xi32>
      %add3A_297 = arith.addi %add3A_296, %iota3A : vector<16xi32>
      %swap3A_298 = arith.constant 3 : i32
      %swap3A_299 = arith.index_cast %swap3A_298 : i32 to index
      %swap3A_300 = arith.constant 32 : index
      %swap3A_301 = tpu.vector_load %arg8[%swap3A_299, %swap3A_300] {strides = array<i32>} : memref<5x128xi32, #tpu.memory_space<vmem>>, vector<1x16xi32>,
      %swap3A_302 = vector.shape_cast %swap3A_301 : vector<1x16xi32> to vector<16xi32>
      %swap3A_303 = vector.shape_cast %add3A_297 : vector<16xi32> to vector<1x16xi32>
      tpu.vector_store %arg8[%swap3A_299, %swap3A_300], %swap3A_303 {strides = array<i32>} : memref<5x128xi32, #tpu.memory_space<vmem>>, vector<1x16xi32>,
      %add3A_304 = arith.constant 48 : i32
      %add3A_305 = arith.addi %min3A_274, %add3A_304 : i32
      %add3A_306 = vector.broadcast %add3A_305 : i32 to vector<16xi32>
      %add3A_307 = arith.addi %add3A_306, %iota3A : vector<16xi32>
      %swap3A_308 = arith.constant 3 : i32
      %swap3A_309 = arith.index_cast %swap3A_308 : i32 to index
      %swap3A_310 = arith.constant 48 : index
      %swap3A_311 = tpu.vector_load %arg8[%swap3A_309, %swap3A_310] {strides = array<i32>} : memref<5x128xi32, #tpu.memory_space<vmem>>, vector<1x16xi32>,
      %swap3A_312 = vector.shape_cast %swap3A_311 : vector<1x16xi32> to vector<16xi32>
      %swap3A_313 = vector.shape_cast %add3A_307 : vector<16xi32> to vector<1x16xi32>
      tpu.vector_store %arg8[%swap3A_309, %swap3A_310], %swap3A_313 {strides = array<i32>} : memref<5x128xi32, #tpu.memory_space<vmem>>, vector<1x16xi32>,
      %add3A_314 = arith.constant 64 : i32
      %add3A_315 = arith.addi %min3A_274, %add3A_314 : i32
      %add3A_316 = vector.broadcast %add3A_315 : i32 to vector<16xi32>
      %add3A_317 = arith.addi %add3A_316, %iota3A : vector<16xi32>
      %swap3A_318 = arith.constant 3 : i32
      %swap3A_319 = arith.index_cast %swap3A_318 : i32 to index
      %swap3A_320 = arith.constant 64 : index
      %swap3A_321 = tpu.vector_load %arg8[%swap3A_319, %swap3A_320] {strides = array<i32>} : memref<5x128xi32, #tpu.memory_space<vmem>>, vector<1x16xi32>,
      %swap3A_322 = vector.shape_cast %swap3A_321 : vector<1x16xi32> to vector<16xi32>
      %swap3A_323 = vector.shape_cast %add3A_317 : vector<16xi32> to vector<1x16xi32>
      tpu.vector_store %arg8[%swap3A_319, %swap3A_320], %swap3A_323 {strides = array<i32>} : memref<5x128xi32, #tpu.memory_space<vmem>>, vector<1x16xi32>,
      %add3A_324 = arith.constant 80 : i32
      %add3A_325 = arith.addi %min3A_274, %add3A_324 : i32
      %add3A_326 = vector.broadcast %add3A_325 : i32 to vector<16xi32>
      %add3A_327 = arith.addi %add3A_326, %iota3A : vector<16xi32>
      %swap3A_328 = arith.constant 3 : i32
      %swap3A_329 = arith.index_cast %swap3A_328 : i32 to index
      %swap3A_330 = arith.constant 80 : index
      %swap3A_331 = tpu.vector_load %arg8[%swap3A_329, %swap3A_330] {strides = array<i32>} : memref<5x128xi32, #tpu.memory_space<vmem>>, vector<1x16xi32>,
      %swap3A_332 = vector.shape_cast %swap3A_331 : vector<1x16xi32> to vector<16xi32>
      %swap3A_333 = vector.shape_cast %add3A_327 : vector<16xi32> to vector<1x16xi32>
      tpu.vector_store %arg8[%swap3A_329, %swap3A_330], %swap3A_333 {strides = array<i32>} : memref<5x128xi32, #tpu.memory_space<vmem>>, vector<1x16xi32>,
      %add3A_334 = arith.constant 96 : i32
      %add3A_335 = arith.addi %min3A_274, %add3A_334 : i32
      %add3A_336 = vector.broadcast %add3A_335 : i32 to vector<16xi32>
      %add3A_337 = arith.addi %add3A_336, %iota3A : vector<16xi32>
      %swap3A_338 = arith.constant 3 : i32
      %swap3A_339 = arith.index_cast %swap3A_338 : i32 to index
      %swap3A_340 = arith.constant 96 : index
      %swap3A_341 = tpu.vector_load %arg8[%swap3A_339, %swap3A_340] {strides = array<i32>} : memref<5x128xi32, #tpu.memory_space<vmem>>, vector<1x16xi32>,
      %swap3A_342 = vector.shape_cast %swap3A_341 : vector<1x16xi32> to vector<16xi32>
      %swap3A_343 = vector.shape_cast %add3A_337 : vector<16xi32> to vector<1x16xi32>
      tpu.vector_store %arg8[%swap3A_339, %swap3A_340], %swap3A_343 {strides = array<i32>} : memref<5x128xi32, #tpu.memory_space<vmem>>, vector<1x16xi32>,
      %add3A_344 = arith.constant 112 : i32
      %add3A_345 = arith.addi %min3A_274, %add3A_344 : i32
      %add3A_346 = vector.broadcast %add3A_345 : i32 to vector<16xi32>
      %add3A_347 = arith.addi %add3A_346, %iota3A : vector<16xi32>
      %swap3A_348 = arith.constant 3 : i32
      %swap3A_349 = arith.index_cast %swap3A_348 : i32 to index
      %swap3A_350 = arith.constant 112 : index
      %swap3A_351 = tpu.vector_load %arg8[%swap3A_349, %swap3A_350] {strides = array<i32>} : memref<5x128xi32, #tpu.memory_space<vmem>>, vector<1x16xi32>,
      %swap3A_352 = vector.shape_cast %swap3A_351 : vector<1x16xi32> to vector<16xi32>
      %swap3A_353 = vector.shape_cast %add3A_347 : vector<16xi32> to vector<1x16xi32>
      tpu.vector_store %arg8[%swap3A_349, %swap3A_350], %swap3A_353 {strides = array<i32>} : memref<5x128xi32, #tpu.memory_space<vmem>>, vector<1x16xi32>,
      %dma_start3A_354 = arith.constant 3 : i32
      %dma_start3A_355 = arith.constant 0 : i32
      %dma_start3A_356 = tpu.memref_slice %arg8[%dma_start3A_354, %dma_start3A_355] : memref<5x128xi32, #tpu.memory_space<vmem>> -> memref<1x128xi32, #tpu.memory_space<vmem>>
      %dma_start3A_357 = tpu.memref_squeeze %dma_start3A_356 : memref<1x128xi32, #tpu.memory_space<vmem>> -> memref<128xi32, #tpu.memory_space<vmem>>
      %dma_start3A_358 = arith.constant 0 : i32
      %dma_start3A_359 = arith.constant 0 : i32
      %dma_start3A_360 = tpu.memref_slice %arg12[%dma_start3A_358, %dma_start3A_359] : memref<10000x128xf32, #tpu.memory_space<vmem_shared>> -> memref<10000x128xf32, #tpu.memory_space<vmem_shared>>
      tpu.enqueue_indirect_dma source(%arg6 : memref<128x128xf32, #tpu.memory_space<vmem>>) target(%dma_start3A_360 : memref<10000x128xf32, #tpu.memory_space<vmem_shared>>) offsets(%dma_start3A_357 : memref<128xi32, #tpu.memory_space<vmem>>) semaphore(%arg16 : memref<!tpu.dma_semaphore, #tpu.memory_space<semaphore_mem>>)
      %dma_start3A_361 = arith.constant 3 : i32
      %dma_start3A_362 = arith.constant 0 : i32
      %dma_start3A_363 = tpu.memref_slice %arg8[%dma_start3A_361, %dma_start3A_362] : memref<5x128xi32, #tpu.memory_space<vmem>> -> memref<1x128xi32, #tpu.memory_space<vmem>>
      %dma_start3A_364 = tpu.memref_squeeze %dma_start3A_363 : memref<1x128xi32, #tpu.memory_space<vmem>> -> memref<128xi32, #tpu.memory_space<vmem>>
      %dma_start3A_365 = arith.constant 0 : i32
      %dma_start3A_366 = arith.constant 0 : i32
      %dma_start3A_367 = tpu.memref_slice %arg13[%dma_start3A_365, %dma_start3A_366] : memref<10000x16xf32, #tpu.memory_space<vmem_shared>> -> memref<10000x16xf32, #tpu.memory_space<vmem_shared>>
      tpu.enqueue_indirect_dma source(%arg11 : memref<128x16xf32, #tpu.memory_space<vmem>>) target(%dma_start3A_367 : memref<10000x16xf32, #tpu.memory_space<vmem_shared>>) offsets(%dma_start3A_364 : memref<128xi32, #tpu.memory_space<vmem>>) semaphore(%arg17 : memref<!tpu.dma_semaphore, #tpu.memory_space<semaphore_mem>>)
    } else {
    }
    %add3A_32 = arith.constant 64 : i32
    %add3A_33 = arith.addi %arg1, %add3A_32 : i32
    %lt3A_34 = arith.constant 79 : i32
    %lt3A_35 = arith.cmpi slt, %add3A_33, %lt3A_34 : i32
    %convert_element_type3A_36 = arith.extui %lt3A_35 : i1 to i32
    %cond3A_37 = arith.constant 0 : i32
    %cond3A_38 = arith.cmpi ne, %convert_element_type3A_36, %cond3A_37 : i32
    scf.if %cond3A_38 {
      %mul3A_272 = arith.constant 128 : i32
      %mul3A_273 = arith.muli %add3A_33, %mul3A_272 : i32
      %min3A = arith.constant 9872 : i32
      %min3A_274 = arith.minsi %mul3A_273, %min3A : i32
      %add3A_275 = arith.constant 0 : i32
      %add3A_276 = arith.addi %min3A_274, %add3A_275 : i32
      %add3A_277 = vector.broadcast %add3A_276 : i32 to vector<16xi32>
      %add3A_278 = arith.addi %add3A_277, %iota3A : vector<16xi32>
      %swap3A = arith.constant 4 : i32
      %swap3A_279 = arith.index_cast %swap3A : i32 to index
      %swap3A_280 = arith.constant 0 : index
      %swap3A_281 = tpu.vector_load %arg8[%swap3A_279, %swap3A_280] {strides = array<i32>} : memref<5x128xi32, #tpu.memory_space<vmem>>, vector<1x16xi32>,
      %swap3A_282 = vector.shape_cast %swap3A_281 : vector<1x16xi32> to vector<16xi32>
      %swap3A_283 = vector.shape_cast %add3A_278 : vector<16xi32> to vector<1x16xi32>
      tpu.vector_store %arg8[%swap3A_279, %swap3A_280], %swap3A_283 {strides = array<i32>} : memref<5x128xi32, #tpu.memory_space<vmem>>, vector<1x16xi32>,
      %add3A_284 = arith.constant 16 : i32
      %add3A_285 = arith.addi %min3A_274, %add3A_284 : i32
      %add3A_286 = vector.broadcast %add3A_285 : i32 to vector<16xi32>
      %add3A_287 = arith.addi %add3A_286, %iota3A : vector<16xi32>
      %swap3A_288 = arith.constant 4 : i32
      %swap3A_289 = arith.index_cast %swap3A_288 : i32 to index
      %swap3A_290 = arith.constant 16 : index
      %swap3A_291 = tpu.vector_load %arg8[%swap3A_289, %swap3A_290] {strides = array<i32>} : memref<5x128xi32, #tpu.memory_space<vmem>>, vector<1x16xi32>,
      %swap3A_292 = vector.shape_cast %swap3A_291 : vector<1x16xi32> to vector<16xi32>
      %swap3A_293 = vector.shape_cast %add3A_287 : vector<16xi32> to vector<1x16xi32>
      tpu.vector_store %arg8[%swap3A_289, %swap3A_290], %swap3A_293 {strides = array<i32>} : memref<5x128xi32, #tpu.memory_space<vmem>>, vector<1x16xi32>,
      %add3A_294 = arith.constant 32 : i32
      %add3A_295 = arith.addi %min3A_274, %add3A_294 : i32
      %add3A_296 = vector.broadcast %add3A_295 : i32 to vector<16xi32>
      %add3A_297 = arith.addi %add3A_296, %iota3A : vector<16xi32>
      %swap3A_298 = arith.constant 4 : i32
      %swap3A_299 = arith.index_cast %swap3A_298 : i32 to index
      %swap3A_300 = arith.constant 32 : index
      %swap3A_301 = tpu.vector_load %arg8[%swap3A_299, %swap3A_300] {strides = array<i32>} : memref<5x128xi32, #tpu.memory_space<vmem>>, vector<1x16xi32>,
      %swap3A_302 = vector.shape_cast %swap3A_301 : vector<1x16xi32> to vector<16xi32>
      %swap3A_303 = vector.shape_cast %add3A_297 : vector<16xi32> to vector<1x16xi32>
      tpu.vector_store %arg8[%swap3A_299, %swap3A_300], %swap3A_303 {strides = array<i32>} : memref<5x128xi32, #tpu.memory_space<vmem>>, vector<1x16xi32>,
      %add3A_304 = arith.constant 48 : i32
      %add3A_305 = arith.addi %min3A_274, %add3A_304 : i32
      %add3A_306 = vector.broadcast %add3A_305 : i32 to vector<16xi32>
      %add3A_307 = arith.addi %add3A_306, %iota3A : vector<16xi32>
      %swap3A_308 = arith.constant 4 : i32
      %swap3A_309 = arith.index_cast %swap3A_308 : i32 to index
      %swap3A_310 = arith.constant 48 : index
      %swap3A_311 = tpu.vector_load %arg8[%swap3A_309, %swap3A_310] {strides = array<i32>} : memref<5x128xi32, #tpu.memory_space<vmem>>, vector<1x16xi32>,
      %swap3A_312 = vector.shape_cast %swap3A_311 : vector<1x16xi32> to vector<16xi32>
      %swap3A_313 = vector.shape_cast %add3A_307 : vector<16xi32> to vector<1x16xi32>
      tpu.vector_store %arg8[%swap3A_309, %swap3A_310], %swap3A_313 {strides = array<i32>} : memref<5x128xi32, #tpu.memory_space<vmem>>, vector<1x16xi32>,
      %add3A_314 = arith.constant 64 : i32
      %add3A_315 = arith.addi %min3A_274, %add3A_314 : i32
      %add3A_316 = vector.broadcast %add3A_315 : i32 to vector<16xi32>
      %add3A_317 = arith.addi %add3A_316, %iota3A : vector<16xi32>
      %swap3A_318 = arith.constant 4 : i32
      %swap3A_319 = arith.index_cast %swap3A_318 : i32 to index
      %swap3A_320 = arith.constant 64 : index
      %swap3A_321 = tpu.vector_load %arg8[%swap3A_319, %swap3A_320] {strides = array<i32>} : memref<5x128xi32, #tpu.memory_space<vmem>>, vector<1x16xi32>,
      %swap3A_322 = vector.shape_cast %swap3A_321 : vector<1x16xi32> to vector<16xi32>
      %swap3A_323 = vector.shape_cast %add3A_317 : vector<16xi32> to vector<1x16xi32>
      tpu.vector_store %arg8[%swap3A_319, %swap3A_320], %swap3A_323 {strides = array<i32>} : memref<5x128xi32, #tpu.memory_space<vmem>>, vector<1x16xi32>,
      %add3A_324 = arith.constant 80 : i32
      %add3A_325 = arith.addi %min3A_274, %add3A_324 : i32
      %add3A_326 = vector.broadcast %add3A_325 : i32 to vector<16xi32>
      %add3A_327 = arith.addi %add3A_326, %iota3A : vector<16xi32>
      %swap3A_328 = arith.constant 4 : i32
      %swap3A_329 = arith.index_cast %swap3A_328 : i32 to index
      %swap3A_330 = arith.constant 80 : index
      %swap3A_331 = tpu.vector_load %arg8[%swap3A_329, %swap3A_330] {strides = array<i32>} : memref<5x128xi32, #tpu.memory_space<vmem>>, vector<1x16xi32>,
      %swap3A_332 = vector.shape_cast %swap3A_331 : vector<1x16xi32> to vector<16xi32>
      %swap3A_333 = vector.shape_cast %add3A_327 : vector<16xi32> to vector<1x16xi32>
      tpu.vector_store %arg8[%swap3A_329, %swap3A_330], %swap3A_333 {strides = array<i32>} : memref<5x128xi32, #tpu.memory_space<vmem>>, vector<1x16xi32>,
      %add3A_334 = arith.constant 96 : i32
      %add3A_335 = arith.addi %min3A_274, %add3A_334 : i32
      %add3A_336 = vector.broadcast %add3A_335 : i32 to vector<16xi32>
      %add3A_337 = arith.addi %add3A_336, %iota3A : vector<16xi32>
      %swap3A_338 = arith.constant 4 : i32
      %swap3A_339 = arith.index_cast %swap3A_338 : i32 to index
      %swap3A_340 = arith.constant 96 : index
      %swap3A_341 = tpu.vector_load %arg8[%swap3A_339, %swap3A_340] {strides = array<i32>} : memref<5x128xi32, #tpu.memory_space<vmem>>, vector<1x16xi32>,
      %swap3A_342 = vector.shape_cast %swap3A_341 : vector<1x16xi32> to vector<16xi32>
      %swap3A_343 = vector.shape_cast %add3A_337 : vector<16xi32> to vector<1x16xi32>
      tpu.vector_store %arg8[%swap3A_339, %swap3A_340], %swap3A_343 {strides = array<i32>} : memref<5x128xi32, #tpu.memory_space<vmem>>, vector<1x16xi32>,
      %add3A_344 = arith.constant 112 : i32
      %add3A_345 = arith.addi %min3A_274, %add3A_344 : i32
      %add3A_346 = vector.broadcast %add3A_345 : i32 to vector<16xi32>
      %add3A_347 = arith.addi %add3A_346, %iota3A : vector<16xi32>
      %swap3A_348 = arith.constant 4 : i32
      %swap3A_349 = arith.index_cast %swap3A_348 : i32 to index
      %swap3A_350 = arith.constant 112 : index
      %swap3A_351 = tpu.vector_load %arg8[%swap3A_349, %swap3A_350] {strides = array<i32>} : memref<5x128xi32, #tpu.memory_space<vmem>>, vector<1x16xi32>,
      %swap3A_352 = vector.shape_cast %swap3A_351 : vector<1x16xi32> to vector<16xi32>
      %swap3A_353 = vector.shape_cast %add3A_347 : vector<16xi32> to vector<1x16xi32>
      tpu.vector_store %arg8[%swap3A_349, %swap3A_350], %swap3A_353 {strides = array<i32>} : memref<5x128xi32, #tpu.memory_space<vmem>>, vector<1x16xi32>,
      %dma_start3A_354 = arith.constant 4 : i32
      %dma_start3A_355 = arith.constant 0 : i32
      %dma_start3A_356 = tpu.memref_slice %arg8[%dma_start3A_354, %dma_start3A_355] : memref<5x128xi32, #tpu.memory_space<vmem>> -> memref<1x128xi32, #tpu.memory_space<vmem>>
      %dma_start3A_357 = tpu.memref_squeeze %dma_start3A_356 : memref<1x128xi32, #tpu.memory_space<vmem>> -> memref<128xi32, #tpu.memory_space<vmem>>
      %dma_start3A_358 = arith.constant 0 : i32
      %dma_start3A_359 = arith.constant 0 : i32
      %dma_start3A_360 = tpu.memref_slice %arg12[%dma_start3A_358, %dma_start3A_359] : memref<10000x128xf32, #tpu.memory_space<vmem_shared>> -> memref<10000x128xf32, #tpu.memory_space<vmem_shared>>
      tpu.enqueue_indirect_dma source(%arg6 : memref<128x128xf32, #tpu.memory_space<vmem>>) target(%dma_start3A_360 : memref<10000x128xf32, #tpu.memory_space<vmem_shared>>) offsets(%dma_start3A_357 : memref<128xi32, #tpu.memory_space<vmem>>) semaphore(%arg16 : memref<!tpu.dma_semaphore, #tpu.memory_space<semaphore_mem>>)
      %dma_start3A_361 = arith.constant 4 : i32
      %dma_start3A_362 = arith.constant 0 : i32
      %dma_start3A_363 = tpu.memref_slice %arg8[%dma_start3A_361, %dma_start3A_362] : memref<5x128xi32, #tpu.memory_space<vmem>> -> memref<1x128xi32, #tpu.memory_space<vmem>>
      %dma_start3A_364 = tpu.memref_squeeze %dma_start3A_363 : memref<1x128xi32, #tpu.memory_space<vmem>> -> memref<128xi32, #tpu.memory_space<vmem>>
      %dma_start3A_365 = arith.constant 0 : i32
      %dma_start3A_366 = arith.constant 0 : i32
      %dma_start3A_367 = tpu.memref_slice %arg13[%dma_start3A_365, %dma_start3A_366] : memref<10000x16xf32, #tpu.memory_space<vmem_shared>> -> memref<10000x16xf32, #tpu.memory_space<vmem_shared>>
      tpu.enqueue_indirect_dma source(%arg11 : memref<128x16xf32, #tpu.memory_space<vmem>>) target(%dma_start3A_367 : memref<10000x16xf32, #tpu.memory_space<vmem_shared>>) offsets(%dma_start3A_364 : memref<128xi32, #tpu.memory_space<vmem>>) semaphore(%arg17 : memref<!tpu.dma_semaphore, #tpu.memory_space<semaphore_mem>>)
    } else {
    }
    %add3A_39 = arith.constant 0 : i32
    %add3A_40 = arith.addi %arg1, %add3A_39 : i32
    %lt3A_41 = arith.constant 79 : i32
    %lt3A_42 = arith.cmpi slt, %add3A_40, %lt3A_41 : i32
    %convert_element_type3A_43 = arith.extui %lt3A_42 : i1 to i32
    %cond3A_44 = arith.constant 0 : i32
    %cond3A_45 = arith.cmpi ne, %convert_element_type3A_43, %cond3A_44 : i32
    scf.if %cond3A_45 {
      %dma_wait3A_272 = arith.constant 0 : i32
      %dma_wait3A_273 = arith.constant 0 : i32
      %dma_wait3A_274 = tpu.memref_slice %arg8[%dma_wait3A_272, %dma_wait3A_273] : memref<5x128xi32, #tpu.memory_space<vmem>> -> memref<1x128xi32, #tpu.memory_space<vmem>>
      %dma_wait3A_275 = tpu.memref_squeeze %dma_wait3A_274 : memref<1x128xi32, #tpu.memory_space<vmem>> -> memref<128xi32, #tpu.memory_space<vmem>>
      %dma_wait3A_276 = arith.constant 0 : i32
      %dma_wait3A_277 = arith.constant 0 : i32
      %dma_wait3A_278 = tpu.memref_slice %arg12[%dma_wait3A_276, %dma_wait3A_277] : memref<10000x128xf32, #tpu.memory_space<vmem_shared>> -> memref<10000x128xf32, #tpu.memory_space<vmem_shared>>
      tpu.wait_indirect_dma semaphore(%arg16 : memref<!tpu.dma_semaphore, #tpu.memory_space<semaphore_mem>>) src(%arg6 : memref<128x128xf32, #tpu.memory_space<vmem>>) dst(%dma_wait3A_278 : memref<10000x128xf32, #tpu.memory_space<vmem_shared>>)
      %dma_wait3A_279 = arith.constant 0 : i32
      %dma_wait3A_280 = arith.constant 0 : i32
      %dma_wait3A_281 = tpu.memref_slice %arg8[%dma_wait3A_279, %dma_wait3A_280] : memref<5x128xi32, #tpu.memory_space<vmem>> -> memref<1x128xi32, #tpu.memory_space<vmem>>
      %dma_wait3A_282 = tpu.memref_squeeze %dma_wait3A_281 : memref<1x128xi32, #tpu.memory_space<vmem>> -> memref<128xi32, #tpu.memory_space<vmem>>
      %dma_wait3A_283 = arith.constant 0 : i32
      %dma_wait3A_284 = arith.constant 0 : i32
      %dma_wait3A_285 = tpu.memref_slice %arg13[%dma_wait3A_283, %dma_wait3A_284] : memref<10000x16xf32, #tpu.memory_space<vmem_shared>> -> memref<10000x16xf32, #tpu.memory_space<vmem_shared>>
      tpu.wait_indirect_dma semaphore(%arg17 : memref<!tpu.dma_semaphore, #tpu.memory_space<semaphore_mem>>) src(%arg11 : memref<128x16xf32, #tpu.memory_space<vmem>>) dst(%dma_wait3A_285 : memref<10000x16xf32, #tpu.memory_space<vmem_shared>>)
    } else {
    }
    %add3A_46 = arith.constant 16 : i32
    %add3A_47 = arith.addi %arg1, %add3A_46 : i32
    %lt3A_48 = arith.constant 79 : i32
    %lt3A_49 = arith.cmpi slt, %add3A_47, %lt3A_48 : i32
    %convert_element_type3A_50 = arith.extui %lt3A_49 : i1 to i32
    %cond3A_51 = arith.constant 0 : i32
    %cond3A_52 = arith.cmpi ne, %convert_element_type3A_50, %cond3A_51 : i32
    scf.if %cond3A_52 {
      %dma_wait3A_272 = arith.constant 1 : i32
      %dma_wait3A_273 = arith.constant 0 : i32
      %dma_wait3A_274 = tpu.memref_slice %arg8[%dma_wait3A_272, %dma_wait3A_273] : memref<5x128xi32, #tpu.memory_space<vmem>> -> memref<1x128xi32, #tpu.memory_space<vmem>>
      %dma_wait3A_275 = tpu.memref_squeeze %dma_wait3A_274 : memref<1x128xi32, #tpu.memory_space<vmem>> -> memref<128xi32, #tpu.memory_space<vmem>>
      %dma_wait3A_276 = arith.constant 0 : i32
      %dma_wait3A_277 = arith.constant 0 : i32
      %dma_wait3A_278 = tpu.memref_slice %arg12[%dma_wait3A_276, %dma_wait3A_277] : memref<10000x128xf32, #tpu.memory_space<vmem_shared>> -> memref<10000x128xf32, #tpu.memory_space<vmem_shared>>
      tpu.wait_indirect_dma semaphore(%arg16 : memref<!tpu.dma_semaphore, #tpu.memory_space<semaphore_mem>>) src(%arg6 : memref<128x128xf32, #tpu.memory_space<vmem>>) dst(%dma_wait3A_278 : memref<10000x128xf32, #tpu.memory_space<vmem_shared>>)
      %dma_wait3A_279 = arith.constant 1 : i32
      %dma_wait3A_280 = arith.constant 0 : i32
      %dma_wait3A_281 = tpu.memref_slice %arg8[%dma_wait3A_279, %dma_wait3A_280] : memref<5x128xi32, #tpu.memory_space<vmem>> -> memref<1x128xi32, #tpu.memory_space<vmem>>
      %dma_wait3A_282 = tpu.memref_squeeze %dma_wait3A_281 : memref<1x128xi32, #tpu.memory_space<vmem>> -> memref<128xi32, #tpu.memory_space<vmem>>
      %dma_wait3A_283 = arith.constant 0 : i32
      %dma_wait3A_284 = arith.constant 0 : i32
      %dma_wait3A_285 = tpu.memref_slice %arg13[%dma_wait3A_283, %dma_wait3A_284] : memref<10000x16xf32, #tpu.memory_space<vmem_shared>> -> memref<10000x16xf32, #tpu.memory_space<vmem_shared>>
      tpu.wait_indirect_dma semaphore(%arg17 : memref<!tpu.dma_semaphore, #tpu.memory_space<semaphore_mem>>) src(%arg11 : memref<128x16xf32, #tpu.memory_space<vmem>>) dst(%dma_wait3A_285 : memref<10000x16xf32, #tpu.memory_space<vmem_shared>>)
    } else {
    }
    %add3A_53 = arith.constant 32 : i32
    %add3A_54 = arith.addi %arg1, %add3A_53 : i32
    %lt3A_55 = arith.constant 79 : i32
    %lt3A_56 = arith.cmpi slt, %add3A_54, %lt3A_55 : i32
    %convert_element_type3A_57 = arith.extui %lt3A_56 : i1 to i32
    %cond3A_58 = arith.constant 0 : i32
    %cond3A_59 = arith.cmpi ne, %convert_element_type3A_57, %cond3A_58 : i32
    scf.if %cond3A_59 {
      %dma_wait3A_272 = arith.constant 2 : i32
      %dma_wait3A_273 = arith.constant 0 : i32
      %dma_wait3A_274 = tpu.memref_slice %arg8[%dma_wait3A_272, %dma_wait3A_273] : memref<5x128xi32, #tpu.memory_space<vmem>> -> memref<1x128xi32, #tpu.memory_space<vmem>>
      %dma_wait3A_275 = tpu.memref_squeeze %dma_wait3A_274 : memref<1x128xi32, #tpu.memory_space<vmem>> -> memref<128xi32, #tpu.memory_space<vmem>>
      %dma_wait3A_276 = arith.constant 0 : i32
      %dma_wait3A_277 = arith.constant 0 : i32
      %dma_wait3A_278 = tpu.memref_slice %arg12[%dma_wait3A_276, %dma_wait3A_277] : memref<10000x128xf32, #tpu.memory_space<vmem_shared>> -> memref<10000x128xf32, #tpu.memory_space<vmem_shared>>
      tpu.wait_indirect_dma semaphore(%arg16 : memref<!tpu.dma_semaphore, #tpu.memory_space<semaphore_mem>>) src(%arg6 : memref<128x128xf32, #tpu.memory_space<vmem>>) dst(%dma_wait3A_278 : memref<10000x128xf32, #tpu.memory_space<vmem_shared>>)
      %dma_wait3A_279 = arith.constant 2 : i32
      %dma_wait3A_280 = arith.constant 0 : i32
      %dma_wait3A_281 = tpu.memref_slice %arg8[%dma_wait3A_279, %dma_wait3A_280] : memref<5x128xi32, #tpu.memory_space<vmem>> -> memref<1x128xi32, #tpu.memory_space<vmem>>
      %dma_wait3A_282 = tpu.memref_squeeze %dma_wait3A_281 : memref<1x128xi32, #tpu.memory_space<vmem>> -> memref<128xi32, #tpu.memory_space<vmem>>
      %dma_wait3A_283 = arith.constant 0 : i32
      %dma_wait3A_284 = arith.constant 0 : i32
      %dma_wait3A_285 = tpu.memref_slice %arg13[%dma_wait3A_283, %dma_wait3A_284] : memref<10000x16xf32, #tpu.memory_space<vmem_shared>> -> memref<10000x16xf32, #tpu.memory_space<vmem_shared>>
      tpu.wait_indirect_dma semaphore(%arg17 : memref<!tpu.dma_semaphore, #tpu.memory_space<semaphore_mem>>) src(%arg11 : memref<128x16xf32, #tpu.memory_space<vmem>>) dst(%dma_wait3A_285 : memref<10000x16xf32, #tpu.memory_space<vmem_shared>>)
    } else {
    }
    %add3A_60 = arith.constant 48 : i32
    %add3A_61 = arith.addi %arg1, %add3A_60 : i32
    %lt3A_62 = arith.constant 79 : i32
    %lt3A_63 = arith.cmpi slt, %add3A_61, %lt3A_62 : i32
    %convert_element_type3A_64 = arith.extui %lt3A_63 : i1 to i32
    %cond3A_65 = arith.constant 0 : i32
    %cond3A_66 = arith.cmpi ne, %convert_element_type3A_64, %cond3A_65 : i32
    scf.if %cond3A_66 {
      %dma_wait3A_272 = arith.constant 3 : i32
      %dma_wait3A_273 = arith.constant 0 : i32
      %dma_wait3A_274 = tpu.memref_slice %arg8[%dma_wait3A_272, %dma_wait3A_273] : memref<5x128xi32, #tpu.memory_space<vmem>> -> memref<1x128xi32, #tpu.memory_space<vmem>>
      %dma_wait3A_275 = tpu.memref_squeeze %dma_wait3A_274 : memref<1x128xi32, #tpu.memory_space<vmem>> -> memref<128xi32, #tpu.memory_space<vmem>>
      %dma_wait3A_276 = arith.constant 0 : i32
      %dma_wait3A_277 = arith.constant 0 : i32
      %dma_wait3A_278 = tpu.memref_slice %arg12[%dma_wait3A_276, %dma_wait3A_277] : memref<10000x128xf32, #tpu.memory_space<vmem_shared>> -> memref<10000x128xf32, #tpu.memory_space<vmem_shared>>
      tpu.wait_indirect_dma semaphore(%arg16 : memref<!tpu.dma_semaphore, #tpu.memory_space<semaphore_mem>>) src(%arg6 : memref<128x128xf32, #tpu.memory_space<vmem>>) dst(%dma_wait3A_278 : memref<10000x128xf32, #tpu.memory_space<vmem_shared>>)
      %dma_wait3A_279 = arith.constant 3 : i32
      %dma_wait3A_280 = arith.constant 0 : i32
      %dma_wait3A_281 = tpu.memref_slice %arg8[%dma_wait3A_279, %dma_wait3A_280] : memref<5x128xi32, #tpu.memory_space<vmem>> -> memref<1x128xi32, #tpu.memory_space<vmem>>
      %dma_wait3A_282 = tpu.memref_squeeze %dma_wait3A_281 : memref<1x128xi32, #tpu.memory_space<vmem>> -> memref<128xi32, #tpu.memory_space<vmem>>
      %dma_wait3A_283 = arith.constant 0 : i32
      %dma_wait3A_284 = arith.constant 0 : i32
      %dma_wait3A_285 = tpu.memref_slice %arg13[%dma_wait3A_283, %dma_wait3A_284] : memref<10000x16xf32, #tpu.memory_space<vmem_shared>> -> memref<10000x16xf32, #tpu.memory_space<vmem_shared>>
      tpu.wait_indirect_dma semaphore(%arg17 : memref<!tpu.dma_semaphore, #tpu.memory_space<semaphore_mem>>) src(%arg11 : memref<128x16xf32, #tpu.memory_space<vmem>>) dst(%dma_wait3A_285 : memref<10000x16xf32, #tpu.memory_space<vmem_shared>>)
    } else {
    }
    %add3A_67 = arith.constant 64 : i32
    %add3A_68 = arith.addi %arg1, %add3A_67 : i32
    %lt3A_69 = arith.constant 79 : i32
    %lt3A_70 = arith.cmpi slt, %add3A_68, %lt3A_69 : i32
    %convert_element_type3A_71 = arith.extui %lt3A_70 : i1 to i32
    %cond3A_72 = arith.constant 0 : i32
    %cond3A_73 = arith.cmpi ne, %convert_element_type3A_71, %cond3A_72 : i32
    scf.if %cond3A_73 {
      %dma_wait3A_272 = arith.constant 4 : i32
      %dma_wait3A_273 = arith.constant 0 : i32
      %dma_wait3A_274 = tpu.memref_slice %arg8[%dma_wait3A_272, %dma_wait3A_273] : memref<5x128xi32, #tpu.memory_space<vmem>> -> memref<1x128xi32, #tpu.memory_space<vmem>>
      %dma_wait3A_275 = tpu.memref_squeeze %dma_wait3A_274 : memref<1x128xi32, #tpu.memory_space<vmem>> -> memref<128xi32, #tpu.memory_space<vmem>>
      %dma_wait3A_276 = arith.constant 0 : i32
      %dma_wait3A_277 = arith.constant 0 : i32
      %dma_wait3A_278 = tpu.memref_slice %arg12[%dma_wait3A_276, %dma_wait3A_277] : memref<10000x128xf32, #tpu.memory_space<vmem_shared>> -> memref<10000x128xf32, #tpu.memory_space<vmem_shared>>
      tpu.wait_indirect_dma semaphore(%arg16 : memref<!tpu.dma_semaphore, #tpu.memory_space<semaphore_mem>>) src(%arg6 : memref<128x128xf32, #tpu.memory_space<vmem>>) dst(%dma_wait3A_278 : memref<10000x128xf32, #tpu.memory_space<vmem_shared>>)
      %dma_wait3A_279 = arith.constant 4 : i32
      %dma_wait3A_280 = arith.constant 0 : i32
      %dma_wait3A_281 = tpu.memref_slice %arg8[%dma_wait3A_279, %dma_wait3A_280] : memref<5x128xi32, #tpu.memory_space<vmem>> -> memref<1x128xi32, #tpu.memory_space<vmem>>
      %dma_wait3A_282 = tpu.memref_squeeze %dma_wait3A_281 : memref<1x128xi32, #tpu.memory_space<vmem>> -> memref<128xi32, #tpu.memory_space<vmem>>
      %dma_wait3A_283 = arith.constant 0 : i32
      %dma_wait3A_284 = arith.constant 0 : i32
      %dma_wait3A_285 = tpu.memref_slice %arg13[%dma_wait3A_283, %dma_wait3A_284] : memref<10000x16xf32, #tpu.memory_space<vmem_shared>> -> memref<10000x16xf32, #tpu.memory_space<vmem_shared>>
      tpu.wait_indirect_dma semaphore(%arg17 : memref<!tpu.dma_semaphore, #tpu.memory_space<semaphore_mem>>) src(%arg11 : memref<128x16xf32, #tpu.memory_space<vmem>>) dst(%dma_wait3A_285 : memref<10000x16xf32, #tpu.memory_space<vmem_shared>>)
    } else {
    }
    %barrier3A = arith.constant 0 : index
    tpu.barrier barrier_id(%barrier3A)
    %mul3A_74 = arith.constant 4 : i32
    %mul3A_75 = arith.muli %add3A, %mul3A_74 : i32
    %dma_start3A = arith.constant 0 : i32
    %dma_start3A_76 = arith.constant 0 : i32
    %dma_start3A_77 = tpu.memref_slice %arg8[%dma_start3A, %dma_start3A_76] : memref<5x128xi32, #tpu.memory_space<vmem>> -> memref<4x128xi32, #tpu.memory_space<vmem>>
    %dma_start3A_78 = arith.constant 0 : i32
    %dma_start3A_79 = tpu.memref_slice %arg3[%mul3A_75, %dma_start3A_78] : memref<2500x128xi32, #tpu.memory_space<hbm>> -> memref<4x128xi32, #tpu.memory_space<hbm>>
    %dma_start3A_80 = arith.constant 0 : i32
    %dma_start3A_81 = arith.constant 0 : i32
    %dma_start3A_82 = tpu.memref_slice %arg8[%dma_start3A_80, %dma_start3A_81] : memref<5x128xi32, #tpu.memory_space<vmem>> -> memref<4x128xi32, #tpu.memory_space<vmem>>
    %dma_start3A_83 = arith.constant 0 : i32
    %dma_start3A_84 = tpu.memref_slice %arg3[%mul3A_75, %dma_start3A_83] : memref<2500x128xi32, #tpu.memory_space<hbm>> -> memref<4x128xi32, #tpu.memory_space<hbm>>
    tpu.enqueue_dma source(%dma_start3A_84 : memref<4x128xi32, #tpu.memory_space<hbm>>) target(%dma_start3A_82 : memref<4x128xi32, #tpu.memory_space<vmem>>) target_semaphore(%arg18 : memref<!tpu.dma_semaphore, #tpu.memory_space<semaphore_mem>>)
    %mul3A_85 = arith.constant 512 : i32
    %mul3A_86 = arith.muli %add3A, %mul3A_85 : i32
    %add3A_87 = arith.constant 0 : i32
    %add3A_88 = arith.addi %mul3A_86, %add3A_87 : i32
    %dma_start3A_89 = arith.constant 0 : i32
    %dma_start3A_90 = tpu.memref_slice %arg2[%add3A_88, %dma_start3A_89] : memref<320000x128xf32, #tpu.memory_space<hbm>> -> memref<128x128xf32, #tpu.memory_space<hbm>>
    %dma_start3A_91 = arith.constant 0 : i32
    %dma_start3A_92 = tpu.memref_slice %arg2[%add3A_88, %dma_start3A_91] : memref<320000x128xf32, #tpu.memory_space<hbm>> -> memref<128x128xf32, #tpu.memory_space<hbm>>
    tpu.enqueue_dma source(%dma_start3A_92 : memref<128x128xf32, #tpu.memory_space<hbm>>) target(%arg6 : memref<128x128xf32, #tpu.memory_space<vmem>>) target_semaphore(%arg14 : memref<!tpu.dma_semaphore, #tpu.memory_space<semaphore_mem>>)
    %scan3A_93 = arith.constant 0 : i32
    %scan3A_94 = arith.constant 0 : i32
    %scan3A_95 = arith.constant 10 : i32
    %scan3A_96 = arith.addi %scan3A_94, %scan3A_95 : i32
    %scan3A_97 = arith.constant 1 : i32
    %scan3A_98 = scf.for %scan3A_272 = %scan3A_94 to %scan3A_96 step %scan3A_97 iter_args(%scan3A_273 = %scan3A_93) -> (i32)  : i32 {
      %mul3A_274 = arith.constant 2 : i32
      %mul3A_275 = arith.muli %mul3A_274, %scan3A_272 : i32
      %mul3A_276 = arith.constant 32 : i32
      %mul3A_277 = arith.muli %mul3A_275, %mul3A_276 : i32
      %add3A_278 = arith.addi %add3A, %mul3A_277 : i32
      %add3A_279 = arith.constant 1 : i32
      %add3A_280 = arith.addi %mul3A_275, %add3A_279 : i32
      %mul3A_281 = arith.constant 32 : i32
      %mul3A_282 = arith.muli %add3A_280, %mul3A_281 : i32
      %add3A_283 = arith.addi %add3A, %mul3A_282 : i32
      %add3A_284 = arith.constant 2 : i32
      %add3A_285 = arith.addi %mul3A_275, %add3A_284 : i32
      %mul3A_286 = arith.constant 32 : i32
      %mul3A_287 = arith.muli %add3A_285, %mul3A_286 : i32
      %add3A_288 = arith.addi %add3A, %mul3A_287 : i32
      %lt3A_289 = arith.constant 625 : i32
      %lt3A_290 = arith.cmpi slt, %add3A_278, %lt3A_289 : i32
      %convert_element_type3A_291 = arith.extui %lt3A_290 : i1 to i32
      %cond3A_292 = arith.constant 0 : i32
      %cond3A_293 = arith.cmpi ne, %convert_element_type3A_291, %cond3A_292 : i32
      scf.if %cond3A_293 {
        %mul3A_300 = arith.constant 4 : i32
        %mul3A_301 = arith.muli %add3A_278, %mul3A_300 : i32
        %dma_wait3A_302 = arith.constant 0 : i32
        %dma_wait3A_303 = arith.constant 0 : i32
        %dma_wait3A_304 = tpu.memref_slice %arg8[%dma_wait3A_302, %dma_wait3A_303] : memref<5x128xi32, #tpu.memory_space<vmem>> -> memref<4x128xi32, #tpu.memory_space<vmem>>
        %dma_wait3A_305 = arith.constant 0 : i32
        %dma_wait3A_306 = tpu.memref_slice %arg3[%mul3A_301, %dma_wait3A_305] : memref<2500x128xi32, #tpu.memory_space<hbm>> -> memref<4x128xi32, #tpu.memory_space<hbm>>
        %dma_wait3A_307 = arith.constant 0 : i32
        %dma_wait3A_308 = arith.constant 0 : i32
        %dma_wait3A_309 = tpu.memref_slice %arg8[%dma_wait3A_307, %dma_wait3A_308] : memref<5x128xi32, #tpu.memory_space<vmem>> -> memref<4x128xi32, #tpu.memory_space<vmem>>
        %dma_wait3A_310 = arith.constant 0 : i32
        %dma_wait3A_311 = tpu.memref_slice %arg3[%mul3A_301, %dma_wait3A_310] : memref<2500x128xi32, #tpu.memory_space<hbm>> -> memref<4x128xi32, #tpu.memory_space<hbm>>
        tpu.wait_dma2 semaphore(%arg18 : memref<!tpu.dma_semaphore, #tpu.memory_space<semaphore_mem>>) src(%dma_wait3A_311 : memref<4x128xi32, #tpu.memory_space<hbm>>) dst(%dma_wait3A_309 : memref<4x128xi32, #tpu.memory_space<vmem>>)
        %ge3A_312 = arith.constant 32 : i32
        %ge3A_313 = arith.cmpi sge, %add3A_278, %ge3A_312 : i32
        %convert_element_type3A_314 = arith.extui %ge3A_313 : i1 to i32
        %cond3A_315 = arith.constant 0 : i32
        %cond3A_316 = arith.cmpi ne, %convert_element_type3A_314, %cond3A_315 : i32
        scf.if %cond3A_316 {
          %dma_wait3A_462 = arith.constant 3 : i32
          %dma_wait3A_463 = arith.constant 0 : i32
          %dma_wait3A_464 = tpu.memref_slice %arg9[%dma_wait3A_462, %dma_wait3A_463] : memref<5x128xi32, #tpu.memory_space<vmem>> -> memref<1x128xi32, #tpu.memory_space<vmem>>
          %dma_wait3A_465 = tpu.memref_squeeze %dma_wait3A_464 : memref<1x128xi32, #tpu.memory_space<vmem>> -> memref<128xi32, #tpu.memory_space<vmem>>
          %dma_wait3A_466 = arith.constant 0 : i32
          %dma_wait3A_467 = arith.constant 0 : i32
          %dma_wait3A_468 = tpu.memref_slice %arg12[%dma_wait3A_466, %dma_wait3A_467] : memref<10000x128xf32, #tpu.memory_space<vmem_shared>> -> memref<10000x128xf32, #tpu.memory_space<vmem_shared>>
          tpu.wait_indirect_dma semaphore(%arg16 : memref<!tpu.dma_semaphore, #tpu.memory_space<semaphore_mem>>) src(%arg7 : memref<128x128xf32, #tpu.memory_space<vmem>>) dst(%dma_wait3A_468 : memref<10000x128xf32, #tpu.memory_space<vmem_shared>>)
          %dma_wait3A_469 = arith.constant 0 : i32
          %dma_wait3A_470 = arith.constant 0 : i32
          %dma_wait3A_471 = tpu.memref_slice %arg9[%dma_wait3A_469, %dma_wait3A_470] : memref<5x128xi32, #tpu.memory_space<vmem>> -> memref<1x128xi32, #tpu.memory_space<vmem>>
          %dma_wait3A_472 = tpu.memref_squeeze %dma_wait3A_471 : memref<1x128xi32, #tpu.memory_space<vmem>> -> memref<128xi32, #tpu.memory_space<vmem>>
          %dma_wait3A_473 = arith.constant 0 : i32
          %dma_wait3A_474 = arith.constant 0 : i32
          %dma_wait3A_475 = tpu.memref_slice %arg13[%dma_wait3A_473, %dma_wait3A_474] : memref<10000x16xf32, #tpu.memory_space<vmem_shared>> -> memref<10000x16xf32, #tpu.memory_space<vmem_shared>>
          tpu.wait_indirect_dma semaphore(%arg17 : memref<!tpu.dma_semaphore, #tpu.memory_space<semaphore_mem>>) src(%arg10 : memref<128x16xf32, #tpu.memory_space<vmem>>) dst(%dma_wait3A_475 : memref<10000x16xf32, #tpu.memory_space<vmem_shared>>)
          %dma_wait3A_476 = arith.constant 1 : i32
          %dma_wait3A_477 = arith.constant 0 : i32
          %dma_wait3A_478 = tpu.memref_slice %arg9[%dma_wait3A_476, %dma_wait3A_477] : memref<5x128xi32, #tpu.memory_space<vmem>> -> memref<1x128xi32, #tpu.memory_space<vmem>>
          %dma_wait3A_479 = tpu.memref_squeeze %dma_wait3A_478 : memref<1x128xi32, #tpu.memory_space<vmem>> -> memref<128xi32, #tpu.memory_space<vmem>>
          %dma_wait3A_480 = arith.constant 0 : i32
          %dma_wait3A_481 = arith.constant 0 : i32
          %dma_wait3A_482 = tpu.memref_slice %arg13[%dma_wait3A_480, %dma_wait3A_481] : memref<10000x16xf32, #tpu.memory_space<vmem_shared>> -> memref<10000x16xf32, #tpu.memory_space<vmem_shared>>
          tpu.wait_indirect_dma semaphore(%arg17 : memref<!tpu.dma_semaphore, #tpu.memory_space<semaphore_mem>>) src(%arg10 : memref<128x16xf32, #tpu.memory_space<vmem>>) dst(%dma_wait3A_482 : memref<10000x16xf32, #tpu.memory_space<vmem_shared>>)
          %dma_wait3A_483 = arith.constant 2 : i32
          %dma_wait3A_484 = arith.constant 0 : i32
          %dma_wait3A_485 = tpu.memref_slice %arg9[%dma_wait3A_483, %dma_wait3A_484] : memref<5x128xi32, #tpu.memory_space<vmem>> -> memref<1x128xi32, #tpu.memory_space<vmem>>
          %dma_wait3A_486 = tpu.memref_squeeze %dma_wait3A_485 : memref<1x128xi32, #tpu.memory_space<vmem>> -> memref<128xi32, #tpu.memory_space<vmem>>
          %dma_wait3A_487 = arith.constant 0 : i32
          %dma_wait3A_488 = arith.constant 0 : i32
          %dma_wait3A_489 = tpu.memref_slice %arg13[%dma_wait3A_487, %dma_wait3A_488] : memref<10000x16xf32, #tpu.memory_space<vmem_shared>> -> memref<10000x16xf32, #tpu.memory_space<vmem_shared>>
          tpu.wait_indirect_dma semaphore(%arg17 : memref<!tpu.dma_semaphore, #tpu.memory_space<semaphore_mem>>) src(%arg10 : memref<128x16xf32, #tpu.memory_space<vmem>>) dst(%dma_wait3A_489 : memref<10000x16xf32, #tpu.memory_space<vmem_shared>>)
          %dma_wait3A_490 = arith.constant 3 : i32
          %dma_wait3A_491 = arith.constant 0 : i32
          %dma_wait3A_492 = tpu.memref_slice %arg9[%dma_wait3A_490, %dma_wait3A_491] : memref<5x128xi32, #tpu.memory_space<vmem>> -> memref<1x128xi32, #tpu.memory_space<vmem>>
          %dma_wait3A_493 = tpu.memref_squeeze %dma_wait3A_492 : memref<1x128xi32, #tpu.memory_space<vmem>> -> memref<128xi32, #tpu.memory_space<vmem>>
          %dma_wait3A_494 = arith.constant 0 : i32
          %dma_wait3A_495 = arith.constant 0 : i32
          %dma_wait3A_496 = tpu.memref_slice %arg13[%dma_wait3A_494, %dma_wait3A_495] : memref<10000x16xf32, #tpu.memory_space<vmem_shared>> -> memref<10000x16xf32, #tpu.memory_space<vmem_shared>>
          tpu.wait_indirect_dma semaphore(%arg17 : memref<!tpu.dma_semaphore, #tpu.memory_space<semaphore_mem>>) src(%arg10 : memref<128x16xf32, #tpu.memory_space<vmem>>) dst(%dma_wait3A_496 : memref<10000x16xf32, #tpu.memory_space<vmem_shared>>)
        } else {
        }
        %lt3A_317 = arith.constant 625 : i32
        %lt3A_318 = arith.cmpi slt, %add3A_283, %lt3A_317 : i32
        %convert_element_type3A_319 = arith.extui %lt3A_318 : i1 to i32
        %cond3A_320 = arith.constant 0 : i32
        %cond3A_321 = arith.cmpi ne, %convert_element_type3A_319, %cond3A_320 : i32
        scf.if %cond3A_321 {
          %mul3A_462 = arith.constant 4 : i32
          %mul3A_463 = arith.muli %add3A_283, %mul3A_462 : i32
          %dma_start3A_464 = arith.constant 0 : i32
          %dma_start3A_465 = arith.constant 0 : i32
          %dma_start3A_466 = tpu.memref_slice %arg9[%dma_start3A_464, %dma_start3A_465] : memref<5x128xi32, #tpu.memory_space<vmem>> -> memref<4x128xi32, #tpu.memory_space<vmem>>
          %dma_start3A_467 = arith.constant 0 : i32
          %dma_start3A_468 = tpu.memref_slice %arg3[%mul3A_463, %dma_start3A_467] : memref<2500x128xi32, #tpu.memory_space<hbm>> -> memref<4x128xi32, #tpu.memory_space<hbm>>
          %dma_start3A_469 = arith.constant 0 : i32
          %dma_start3A_470 = arith.constant 0 : i32
          %dma_start3A_471 = tpu.memref_slice %arg9[%dma_start3A_469, %dma_start3A_470] : memref<5x128xi32, #tpu.memory_space<vmem>> -> memref<4x128xi32, #tpu.memory_space<vmem>>
          %dma_start3A_472 = arith.constant 0 : i32
          %dma_start3A_473 = tpu.memref_slice %arg3[%mul3A_463, %dma_start3A_472] : memref<2500x128xi32, #tpu.memory_space<hbm>> -> memref<4x128xi32, #tpu.memory_space<hbm>>
          tpu.enqueue_dma source(%dma_start3A_473 : memref<4x128xi32, #tpu.memory_space<hbm>>) target(%dma_start3A_471 : memref<4x128xi32, #tpu.memory_space<vmem>>) target_semaphore(%arg19 : memref<!tpu.dma_semaphore, #tpu.memory_space<semaphore_mem>>)
        } else {
        }
        %mul3A_322 = arith.constant 512 : i32
        %mul3A_323 = arith.muli %add3A_278, %mul3A_322 : i32
        %add3A_324 = arith.constant 128 : i32
        %add3A_325 = arith.addi %mul3A_323, %add3A_324 : i32
        %dma_start3A_326 = arith.constant 0 : i32
        %dma_start3A_327 = tpu.memref_slice %arg2[%add3A_325, %dma_start3A_326] : memref<320000x128xf32, #tpu.memory_space<hbm>> -> memref<128x128xf32, #tpu.memory_space<hbm>>
        %dma_start3A_328 = arith.constant 0 : i32
        %dma_start3A_329 = tpu.memref_slice %arg2[%add3A_325, %dma_start3A_328] : memref<320000x128xf32, #tpu.memory_space<hbm>> -> memref<128x128xf32, #tpu.memory_space<hbm>>
        tpu.enqueue_dma source(%dma_start3A_329 : memref<128x128xf32, #tpu.memory_space<hbm>>) target(%arg7 : memref<128x128xf32, #tpu.memory_space<vmem>>) target_semaphore(%arg15 : memref<!tpu.dma_semaphore, #tpu.memory_space<semaphore_mem>>)
        %mul3A_330 = arith.constant 512 : i32
        %mul3A_331 = arith.muli %add3A_278, %mul3A_330 : i32
        %add3A_332 = arith.constant 0 : i32
        %add3A_333 = arith.addi %mul3A_331, %add3A_332 : i32
        %dma_wait3A_334 = arith.constant 0 : i32
        %dma_wait3A_335 = tpu.memref_slice %arg2[%add3A_333, %dma_wait3A_334] : memref<320000x128xf32, #tpu.memory_space<hbm>> -> memref<128x128xf32, #tpu.memory_space<hbm>>
        %dma_wait3A_336 = arith.constant 0 : i32
        %dma_wait3A_337 = tpu.memref_slice %arg2[%add3A_333, %dma_wait3A_336] : memref<320000x128xf32, #tpu.memory_space<hbm>> -> memref<128x128xf32, #tpu.memory_space<hbm>>
        tpu.wait_dma2 semaphore(%arg14 : memref<!tpu.dma_semaphore, #tpu.memory_space<semaphore_mem>>) src(%dma_wait3A_337 : memref<128x128xf32, #tpu.memory_space<hbm>>) dst(%arg6 : memref<128x128xf32, #tpu.memory_space<vmem>>)
        %dma_start3A_338 = arith.constant 0 : i32
        %dma_start3A_339 = arith.constant 0 : i32
        %dma_start3A_340 = tpu.memref_slice %arg8[%dma_start3A_338, %dma_start3A_339] : memref<5x128xi32, #tpu.memory_space<vmem>> -> memref<1x128xi32, #tpu.memory_space<vmem>>
        %dma_start3A_341 = tpu.memref_squeeze %dma_start3A_340 : memref<1x128xi32, #tpu.memory_space<vmem>> -> memref<128xi32, #tpu.memory_space<vmem>>
        %dma_start3A_342 = arith.constant 0 : i32
        %dma_start3A_343 = arith.constant 0 : i32
        %dma_start3A_344 = tpu.memref_slice %arg12[%dma_start3A_342, %dma_start3A_343] : memref<10000x128xf32, #tpu.memory_space<vmem_shared>> -> memref<10000x128xf32, #tpu.memory_space<vmem_shared>>
        tpu.enqueue_indirect_dma source(%arg6 : memref<128x128xf32, #tpu.memory_space<vmem>>) target(%dma_start3A_344 : memref<10000x128xf32, #tpu.memory_space<vmem_shared>>) offsets(%dma_start3A_341 : memref<128xi32, #tpu.memory_space<vmem>>) semaphore(%arg16 : memref<!tpu.dma_semaphore, #tpu.memory_space<semaphore_mem>>) {add = true}
        %dma_start3A_345 = arith.constant 0 : i32
        %dma_start3A_346 = arith.constant 0 : i32
        %dma_start3A_347 = tpu.memref_slice %arg8[%dma_start3A_345, %dma_start3A_346] : memref<5x128xi32, #tpu.memory_space<vmem>> -> memref<1x128xi32, #tpu.memory_space<vmem>>
        %dma_start3A_348 = tpu.memref_squeeze %dma_start3A_347 : memref<1x128xi32, #tpu.memory_space<vmem>> -> memref<128xi32, #tpu.memory_space<vmem>>
        %dma_start3A_349 = arith.constant 0 : i32
        %dma_start3A_350 = arith.constant 0 : i32
        %dma_start3A_351 = tpu.memref_slice %arg13[%dma_start3A_349, %dma_start3A_350] : memref<10000x16xf32, #tpu.memory_space<vmem_shared>> -> memref<10000x16xf32, #tpu.memory_space<vmem_shared>>
        tpu.enqueue_indirect_dma source(%arg10 : memref<128x16xf32, #tpu.memory_space<vmem>>) target(%dma_start3A_351 : memref<10000x16xf32, #tpu.memory_space<vmem_shared>>) offsets(%dma_start3A_348 : memref<128xi32, #tpu.memory_space<vmem>>) semaphore(%arg17 : memref<!tpu.dma_semaphore, #tpu.memory_space<semaphore_mem>>) {add = true}
        %dma_wait3A_352 = arith.constant 0 : i32
        %dma_wait3A_353 = arith.constant 0 : i32
        %dma_wait3A_354 = tpu.memref_slice %arg8[%dma_wait3A_352, %dma_wait3A_353] : memref<5x128xi32, #tpu.memory_space<vmem>> -> memref<1x128xi32, #tpu.memory_space<vmem>>
        %dma_wait3A_355 = tpu.memref_squeeze %dma_wait3A_354 : memref<1x128xi32, #tpu.memory_space<vmem>> -> memref<128xi32, #tpu.memory_space<vmem>>
        %dma_wait3A_356 = arith.constant 0 : i32
        %dma_wait3A_357 = arith.constant 0 : i32
        %dma_wait3A_358 = tpu.memref_slice %arg12[%dma_wait3A_356, %dma_wait3A_357] : memref<10000x128xf32, #tpu.memory_space<vmem_shared>> -> memref<10000x128xf32, #tpu.memory_space<vmem_shared>>
        tpu.wait_indirect_dma semaphore(%arg16 : memref<!tpu.dma_semaphore, #tpu.memory_space<semaphore_mem>>) src(%arg6 : memref<128x128xf32, #tpu.memory_space<vmem>>) dst(%dma_wait3A_358 : memref<10000x128xf32, #tpu.memory_space<vmem_shared>>)
        %mul3A_359 = arith.constant 512 : i32
        %mul3A_360 = arith.muli %add3A_278, %mul3A_359 : i32
        %add3A_361 = arith.constant 256 : i32
        %add3A_362 = arith.addi %mul3A_360, %add3A_361 : i32
        %dma_start3A_363 = arith.constant 0 : i32
        %dma_start3A_364 = tpu.memref_slice %arg2[%add3A_362, %dma_start3A_363] : memref<320000x128xf32, #tpu.memory_space<hbm>> -> memref<128x128xf32, #tpu.memory_space<hbm>>
        %dma_start3A_365 = arith.constant 0 : i32
        %dma_start3A_366 = tpu.memref_slice %arg2[%add3A_362, %dma_start3A_365] : memref<320000x128xf32, #tpu.memory_space<hbm>> -> memref<128x128xf32, #tpu.memory_space<hbm>>
        tpu.enqueue_dma source(%dma_start3A_366 : memref<128x128xf32, #tpu.memory_space<hbm>>) target(%arg6 : memref<128x128xf32, #tpu.memory_space<vmem>>) target_semaphore(%arg14 : memref<!tpu.dma_semaphore, #tpu.memory_space<semaphore_mem>>)
        %mul3A_367 = arith.constant 512 : i32
        %mul3A_368 = arith.muli %add3A_278, %mul3A_367 : i32
        %add3A_369 = arith.constant 128 : i32
        %add3A_370 = arith.addi %mul3A_368, %add3A_369 : i32
        %dma_wait3A_371 = arith.constant 0 : i32
        %dma_wait3A_372 = tpu.memref_slice %arg2[%add3A_370, %dma_wait3A_371] : memref<320000x128xf32, #tpu.memory_space<hbm>> -> memref<128x128xf32, #tpu.memory_space<hbm>>
        %dma_wait3A_373 = arith.constant 0 : i32
        %dma_wait3A_374 = tpu.memref_slice %arg2[%add3A_370, %dma_wait3A_373] : memref<320000x128xf32, #tpu.memory_space<hbm>> -> memref<128x128xf32, #tpu.memory_space<hbm>>
        tpu.wait_dma2 semaphore(%arg15 : memref<!tpu.dma_semaphore, #tpu.memory_space<semaphore_mem>>) src(%dma_wait3A_374 : memref<128x128xf32, #tpu.memory_space<hbm>>) dst(%arg7 : memref<128x128xf32, #tpu.memory_space<vmem>>)
        %dma_start3A_375 = arith.constant 1 : i32
        %dma_start3A_376 = arith.constant 0 : i32
        %dma_start3A_377 = tpu.memref_slice %arg8[%dma_start3A_375, %dma_start3A_376] : memref<5x128xi32, #tpu.memory_space<vmem>> -> memref<1x128xi32, #tpu.memory_space<vmem>>
        %dma_start3A_378 = tpu.memref_squeeze %dma_start3A_377 : memref<1x128xi32, #tpu.memory_space<vmem>> -> memref<128xi32, #tpu.memory_space<vmem>>
        %dma_start3A_379 = arith.constant 0 : i32
        %dma_start3A_380 = arith.constant 0 : i32
        %dma_start3A_381 = tpu.memref_slice %arg12[%dma_start3A_379, %dma_start3A_380] : memref<10000x128xf32, #tpu.memory_space<vmem_shared>> -> memref<10000x128xf32, #tpu.memory_space<vmem_shared>>
        tpu.enqueue_indirect_dma source(%arg7 : memref<128x128xf32, #tpu.memory_space<vmem>>) target(%dma_start3A_381 : memref<10000x128xf32, #tpu.memory_space<vmem_shared>>) offsets(%dma_start3A_378 : memref<128xi32, #tpu.memory_space<vmem>>) semaphore(%arg16 : memref<!tpu.dma_semaphore, #tpu.memory_space<semaphore_mem>>) {add = true}
        %dma_start3A_382 = arith.constant 1 : i32
        %dma_start3A_383 = arith.constant 0 : i32
        %dma_start3A_384 = tpu.memref_slice %arg8[%dma_start3A_382, %dma_start3A_383] : memref<5x128xi32, #tpu.memory_space<vmem>> -> memref<1x128xi32, #tpu.memory_space<vmem>>
        %dma_start3A_385 = tpu.memref_squeeze %dma_start3A_384 : memref<1x128xi32, #tpu.memory_space<vmem>> -> memref<128xi32, #tpu.memory_space<vmem>>
        %dma_start3A_386 = arith.constant 0 : i32
        %dma_start3A_387 = arith.constant 0 : i32
        %dma_start3A_388 = tpu.memref_slice %arg13[%dma_start3A_386, %dma_start3A_387] : memref<10000x16xf32, #tpu.memory_space<vmem_shared>> -> memref<10000x16xf32, #tpu.memory_space<vmem_shared>>
        tpu.enqueue_indirect_dma source(%arg10 : memref<128x16xf32, #tpu.memory_space<vmem>>) target(%dma_start3A_388 : memref<10000x16xf32, #tpu.memory_space<vmem_shared>>) offsets(%dma_start3A_385 : memref<128xi32, #tpu.memory_space<vmem>>) semaphore(%arg17 : memref<!tpu.dma_semaphore, #tpu.memory_space<semaphore_mem>>) {add = true}
        %dma_wait3A_389 = arith.constant 1 : i32
        %dma_wait3A_390 = arith.constant 0 : i32
        %dma_wait3A_391 = tpu.memref_slice %arg8[%dma_wait3A_389, %dma_wait3A_390] : memref<5x128xi32, #tpu.memory_space<vmem>> -> memref<1x128xi32, #tpu.memory_space<vmem>>
        %dma_wait3A_392 = tpu.memref_squeeze %dma_wait3A_391 : memref<1x128xi32, #tpu.memory_space<vmem>> -> memref<128xi32, #tpu.memory_space<vmem>>
        %dma_wait3A_393 = arith.constant 0 : i32
        %dma_wait3A_394 = arith.constant 0 : i32
        %dma_wait3A_395 = tpu.memref_slice %arg12[%dma_wait3A_393, %dma_wait3A_394] : memref<10000x128xf32, #tpu.memory_space<vmem_shared>> -> memref<10000x128xf32, #tpu.memory_space<vmem_shared>>
        tpu.wait_indirect_dma semaphore(%arg16 : memref<!tpu.dma_semaphore, #tpu.memory_space<semaphore_mem>>) src(%arg7 : memref<128x128xf32, #tpu.memory_space<vmem>>) dst(%dma_wait3A_395 : memref<10000x128xf32, #tpu.memory_space<vmem_shared>>)
        %mul3A_396 = arith.constant 512 : i32
        %mul3A_397 = arith.muli %add3A_278, %mul3A_396 : i32
        %add3A_398 = arith.constant 384 : i32
        %add3A_399 = arith.addi %mul3A_397, %add3A_398 : i32
        %dma_start3A_400 = arith.constant 0 : i32
        %dma_start3A_401 = tpu.memref_slice %arg2[%add3A_399, %dma_start3A_400] : memref<320000x128xf32, #tpu.memory_space<hbm>> -> memref<128x128xf32, #tpu.memory_space<hbm>>
        %dma_start3A_402 = arith.constant 0 : i32
        %dma_start3A_403 = tpu.memref_slice %arg2[%add3A_399, %dma_start3A_402] : memref<320000x128xf32, #tpu.memory_space<hbm>> -> memref<128x128xf32, #tpu.memory_space<hbm>>
        tpu.enqueue_dma source(%dma_start3A_403 : memref<128x128xf32, #tpu.memory_space<hbm>>) target(%arg7 : memref<128x128xf32, #tpu.memory_space<vmem>>) target_semaphore(%arg15 : memref<!tpu.dma_semaphore, #tpu.memory_space<semaphore_mem>>)
        %mul3A_404 = arith.constant 512 : i32
        %mul3A_405 = arith.muli %add3A_278, %mul3A_404 : i32
        %add3A_406 = arith.constant 256 : i32
        %add3A_407 = arith.addi %mul3A_405, %add3A_406 : i32
        %dma_wait3A_408 = arith.constant 0 : i32
        %dma_wait3A_409 = tpu.memref_slice %arg2[%add3A_407, %dma_wait3A_408] : memref<320000x128xf32, #tpu.memory_space<hbm>> -> memref<128x128xf32, #tpu.memory_space<hbm>>
        %dma_wait3A_410 = arith.constant 0 : i32
        %dma_wait3A_411 = tpu.memref_slice %arg2[%add3A_407, %dma_wait3A_410] : memref<320000x128xf32, #tpu.memory_space<hbm>> -> memref<128x128xf32, #tpu.memory_space<hbm>>
        tpu.wait_dma2 semaphore(%arg14 : memref<!tpu.dma_semaphore, #tpu.memory_space<semaphore_mem>>) src(%dma_wait3A_411 : memref<128x128xf32, #tpu.memory_space<hbm>>) dst(%arg6 : memref<128x128xf32, #tpu.memory_space<vmem>>)
        %dma_start3A_412 = arith.constant 2 : i32
        %dma_start3A_413 = arith.constant 0 : i32
        %dma_start3A_414 = tpu.memref_slice %arg8[%dma_start3A_412, %dma_start3A_413] : memref<5x128xi32, #tpu.memory_space<vmem>> -> memref<1x128xi32, #tpu.memory_space<vmem>>
        %dma_start3A_415 = tpu.memref_squeeze %dma_start3A_414 : memref<1x128xi32, #tpu.memory_space<vmem>> -> memref<128xi32, #tpu.memory_space<vmem>>
        %dma_start3A_416 = arith.constant 0 : i32
        %dma_start3A_417 = arith.constant 0 : i32
        %dma_start3A_418 = tpu.memref_slice %arg12[%dma_start3A_416, %dma_start3A_417] : memref<10000x128xf32, #tpu.memory_space<vmem_shared>> -> memref<10000x128xf32, #tpu.memory_space<vmem_shared>>
        tpu.enqueue_indirect_dma source(%arg6 : memref<128x128xf32, #tpu.memory_space<vmem>>) target(%dma_start3A_418 : memref<10000x128xf32, #tpu.memory_space<vmem_shared>>) offsets(%dma_start3A_415 : memref<128xi32, #tpu.memory_space<vmem>>) semaphore(%arg16 : memref<!tpu.dma_semaphore, #tpu.memory_space<semaphore_mem>>) {add = true}
        %dma_start3A_419 = arith.constant 2 : i32
        %dma_start3A_420 = arith.constant 0 : i32
        %dma_start3A_421 = tpu.memref_slice %arg8[%dma_start3A_419, %dma_start3A_420] : memref<5x128xi32, #tpu.memory_space<vmem>> -> memref<1x128xi32, #tpu.memory_space<vmem>>
        %dma_start3A_422 = tpu.memref_squeeze %dma_start3A_421 : memref<1x128xi32, #tpu.memory_space<vmem>> -> memref<128xi32, #tpu.memory_space<vmem>>
        %dma_start3A_423 = arith.constant 0 : i32
        %dma_start3A_424 = arith.constant 0 : i32
        %dma_start3A_425 = tpu.memref_slice %arg13[%dma_start3A_423, %dma_start3A_424] : memref<10000x16xf32, #tpu.memory_space<vmem_shared>> -> memref<10000x16xf32, #tpu.memory_space<vmem_shared>>
        tpu.enqueue_indirect_dma source(%arg10 : memref<128x16xf32, #tpu.memory_space<vmem>>) target(%dma_start3A_425 : memref<10000x16xf32, #tpu.memory_space<vmem_shared>>) offsets(%dma_start3A_422 : memref<128xi32, #tpu.memory_space<vmem>>) semaphore(%arg17 : memref<!tpu.dma_semaphore, #tpu.memory_space<semaphore_mem>>) {add = true}
        %dma_wait3A_426 = arith.constant 2 : i32
        %dma_wait3A_427 = arith.constant 0 : i32
        %dma_wait3A_428 = tpu.memref_slice %arg8[%dma_wait3A_426, %dma_wait3A_427] : memref<5x128xi32, #tpu.memory_space<vmem>> -> memref<1x128xi32, #tpu.memory_space<vmem>>
        %dma_wait3A_429 = tpu.memref_squeeze %dma_wait3A_428 : memref<1x128xi32, #tpu.memory_space<vmem>> -> memref<128xi32, #tpu.memory_space<vmem>>
        %dma_wait3A_430 = arith.constant 0 : i32
        %dma_wait3A_431 = arith.constant 0 : i32
        %dma_wait3A_432 = tpu.memref_slice %arg12[%dma_wait3A_430, %dma_wait3A_431] : memref<10000x128xf32, #tpu.memory_space<vmem_shared>> -> memref<10000x128xf32, #tpu.memory_space<vmem_shared>>
        tpu.wait_indirect_dma semaphore(%arg16 : memref<!tpu.dma_semaphore, #tpu.memory_space<semaphore_mem>>) src(%arg6 : memref<128x128xf32, #tpu.memory_space<vmem>>) dst(%dma_wait3A_432 : memref<10000x128xf32, #tpu.memory_space<vmem_shared>>)
        %add3A_433 = arith.constant 32 : i32
        %add3A_434 = arith.addi %add3A_278, %add3A_433 : i32
        %lt3A_435 = arith.constant 625 : i32
        %lt3A_436 = arith.cmpi slt, %add3A_434, %lt3A_435 : i32
        %convert_element_type3A_437 = arith.extui %lt3A_436 : i1 to i32
        %cond3A_438 = arith.constant 0 : i32
        %cond3A_439 = arith.cmpi ne, %convert_element_type3A_437, %cond3A_438 : i32
        scf.if %cond3A_439 {
          %add3A_462 = arith.constant 32 : i32
          %add3A_463 = arith.addi %add3A_278, %add3A_462 : i32
          %mul3A_464 = arith.constant 512 : i32
          %mul3A_465 = arith.muli %add3A_463, %mul3A_464 : i32
          %add3A_466 = arith.constant 0 : i32
          %add3A_467 = arith.addi %mul3A_465, %add3A_466 : i32
          %dma_start3A_468 = arith.constant 0 : i32
          %dma_start3A_469 = tpu.memref_slice %arg2[%add3A_467, %dma_start3A_468] : memref<320000x128xf32, #tpu.memory_space<hbm>> -> memref<128x128xf32, #tpu.memory_space<hbm>>
          %dma_start3A_470 = arith.constant 0 : i32
          %dma_start3A_471 = tpu.memref_slice %arg2[%add3A_467, %dma_start3A_470] : memref<320000x128xf32, #tpu.memory_space<hbm>> -> memref<128x128xf32, #tpu.memory_space<hbm>>
          tpu.enqueue_dma source(%dma_start3A_471 : memref<128x128xf32, #tpu.memory_space<hbm>>) target(%arg6 : memref<128x128xf32, #tpu.memory_space<vmem>>) target_semaphore(%arg14 : memref<!tpu.dma_semaphore, #tpu.memory_space<semaphore_mem>>)
        } else {
        }
        %mul3A_440 = arith.constant 512 : i32
        %mul3A_441 = arith.muli %add3A_278, %mul3A_440 : i32
        %add3A_442 = arith.constant 384 : i32
        %add3A_443 = arith.addi %mul3A_441, %add3A_442 : i32
        %dma_wait3A_444 = arith.constant 0 : i32
        %dma_wait3A_445 = tpu.memref_slice %arg2[%add3A_443, %dma_wait3A_444] : memref<320000x128xf32, #tpu.memory_space<hbm>> -> memref<128x128xf32, #tpu.memory_space<hbm>>
        %dma_wait3A_446 = arith.constant 0 : i32
        %dma_wait3A_447 = tpu.memref_slice %arg2[%add3A_443, %dma_wait3A_446] : memref<320000x128xf32, #tpu.memory_space<hbm>> -> memref<128x128xf32, #tpu.memory_space<hbm>>
        tpu.wait_dma2 semaphore(%arg15 : memref<!tpu.dma_semaphore, #tpu.memory_space<semaphore_mem>>) src(%dma_wait3A_447 : memref<128x128xf32, #tpu.memory_space<hbm>>) dst(%arg7 : memref<128x128xf32, #tpu.memory_space<vmem>>)
        %dma_start3A_448 = arith.constant 3 : i32
        %dma_start3A_449 = arith.constant 0 : i32
        %dma_start3A_450 = tpu.memref_slice %arg8[%dma_start3A_448, %dma_start3A_449] : memref<5x128xi32, #tpu.memory_space<vmem>> -> memref<1x128xi32, #tpu.memory_space<vmem>>
        %dma_start3A_451 = tpu.memref_squeeze %dma_start3A_450 : memref<1x128xi32, #tpu.memory_space<vmem>> -> memref<128xi32, #tpu.memory_space<vmem>>
        %dma_start3A_452 = arith.constant 0 : i32
        %dma_start3A_453 = arith.constant 0 : i32
        %dma_start3A_454 = tpu.memref_slice %arg12[%dma_start3A_452, %dma_start3A_453] : memref<10000x128xf32, #tpu.memory_space<vmem_shared>> -> memref<10000x128xf32, #tpu.memory_space<vmem_shared>>
        tpu.enqueue_indirect_dma source(%arg7 : memref<128x128xf32, #tpu.memory_space<vmem>>) target(%dma_start3A_454 : memref<10000x128xf32, #tpu.memory_space<vmem_shared>>) offsets(%dma_start3A_451 : memref<128xi32, #tpu.memory_space<vmem>>) semaphore(%arg16 : memref<!tpu.dma_semaphore, #tpu.memory_space<semaphore_mem>>) {add = true}
        %dma_start3A_455 = arith.constant 3 : i32
        %dma_start3A_456 = arith.constant 0 : i32
        %dma_start3A_457 = tpu.memref_slice %arg8[%dma_start3A_455, %dma_start3A_456] : memref<5x128xi32, #tpu.memory_space<vmem>> -> memref<1x128xi32, #tpu.memory_space<vmem>>
        %dma_start3A_458 = tpu.memref_squeeze %dma_start3A_457 : memref<1x128xi32, #tpu.memory_space<vmem>> -> memref<128xi32, #tpu.memory_space<vmem>>
        %dma_start3A_459 = arith.constant 0 : i32
        %dma_start3A_460 = arith.constant 0 : i32
        %dma_start3A_461 = tpu.memref_slice %arg13[%dma_start3A_459, %dma_start3A_460] : memref<10000x16xf32, #tpu.memory_space<vmem_shared>> -> memref<10000x16xf32, #tpu.memory_space<vmem_shared>>
        tpu.enqueue_indirect_dma source(%arg10 : memref<128x16xf32, #tpu.memory_space<vmem>>) target(%dma_start3A_461 : memref<10000x16xf32, #tpu.memory_space<vmem_shared>>) offsets(%dma_start3A_458 : memref<128xi32, #tpu.memory_space<vmem>>) semaphore(%arg17 : memref<!tpu.dma_semaphore, #tpu.memory_space<semaphore_mem>>) {add = true}
      } else {
      }
      %lt3A_294 = arith.constant 625 : i32
      %lt3A_295 = arith.cmpi slt, %add3A_283, %lt3A_294 : i32
      %convert_element_type3A_296 = arith.extui %lt3A_295 : i1 to i32
      %cond3A_297 = arith.constant 0 : i32
      %cond3A_298 = arith.cmpi ne, %convert_element_type3A_296, %cond3A_297 : i32
      scf.if %cond3A_298 {
        %mul3A_300 = arith.constant 4 : i32
        %mul3A_301 = arith.muli %add3A_283, %mul3A_300 : i32
        %dma_wait3A_302 = arith.constant 0 : i32
        %dma_wait3A_303 = arith.constant 0 : i32
        %dma_wait3A_304 = tpu.memref_slice %arg9[%dma_wait3A_302, %dma_wait3A_303] : memref<5x128xi32, #tpu.memory_space<vmem>> -> memref<4x128xi32, #tpu.memory_space<vmem>>
        %dma_wait3A_305 = arith.constant 0 : i32
        %dma_wait3A_306 = tpu.memref_slice %arg3[%mul3A_301, %dma_wait3A_305] : memref<2500x128xi32, #tpu.memory_space<hbm>> -> memref<4x128xi32, #tpu.memory_space<hbm>>
        %dma_wait3A_307 = arith.constant 0 : i32
        %dma_wait3A_308 = arith.constant 0 : i32
        %dma_wait3A_309 = tpu.memref_slice %arg9[%dma_wait3A_307, %dma_wait3A_308] : memref<5x128xi32, #tpu.memory_space<vmem>> -> memref<4x128xi32, #tpu.memory_space<vmem>>
        %dma_wait3A_310 = arith.constant 0 : i32
        %dma_wait3A_311 = tpu.memref_slice %arg3[%mul3A_301, %dma_wait3A_310] : memref<2500x128xi32, #tpu.memory_space<hbm>> -> memref<4x128xi32, #tpu.memory_space<hbm>>
        tpu.wait_dma2 semaphore(%arg19 : memref<!tpu.dma_semaphore, #tpu.memory_space<semaphore_mem>>) src(%dma_wait3A_311 : memref<4x128xi32, #tpu.memory_space<hbm>>) dst(%dma_wait3A_309 : memref<4x128xi32, #tpu.memory_space<vmem>>)
        %ge3A_312 = arith.constant 32 : i32
        %ge3A_313 = arith.cmpi sge, %add3A_283, %ge3A_312 : i32
        %convert_element_type3A_314 = arith.extui %ge3A_313 : i1 to i32
        %cond3A_315 = arith.constant 0 : i32
        %cond3A_316 = arith.cmpi ne, %convert_element_type3A_314, %cond3A_315 : i32
        scf.if %cond3A_316 {
          %dma_wait3A_462 = arith.constant 3 : i32
          %dma_wait3A_463 = arith.constant 0 : i32
          %dma_wait3A_464 = tpu.memref_slice %arg8[%dma_wait3A_462, %dma_wait3A_463] : memref<5x128xi32, #tpu.memory_space<vmem>> -> memref<1x128xi32, #tpu.memory_space<vmem>>
          %dma_wait3A_465 = tpu.memref_squeeze %dma_wait3A_464 : memref<1x128xi32, #tpu.memory_space<vmem>> -> memref<128xi32, #tpu.memory_space<vmem>>
          %dma_wait3A_466 = arith.constant 0 : i32
          %dma_wait3A_467 = arith.constant 0 : i32
          %dma_wait3A_468 = tpu.memref_slice %arg12[%dma_wait3A_466, %dma_wait3A_467] : memref<10000x128xf32, #tpu.memory_space<vmem_shared>> -> memref<10000x128xf32, #tpu.memory_space<vmem_shared>>
          tpu.wait_indirect_dma semaphore(%arg16 : memref<!tpu.dma_semaphore, #tpu.memory_space<semaphore_mem>>) src(%arg7 : memref<128x128xf32, #tpu.memory_space<vmem>>) dst(%dma_wait3A_468 : memref<10000x128xf32, #tpu.memory_space<vmem_shared>>)
          %dma_wait3A_469 = arith.constant 0 : i32
          %dma_wait3A_470 = arith.constant 0 : i32
          %dma_wait3A_471 = tpu.memref_slice %arg8[%dma_wait3A_469, %dma_wait3A_470] : memref<5x128xi32, #tpu.memory_space<vmem>> -> memref<1x128xi32, #tpu.memory_space<vmem>>
          %dma_wait3A_472 = tpu.memref_squeeze %dma_wait3A_471 : memref<1x128xi32, #tpu.memory_space<vmem>> -> memref<128xi32, #tpu.memory_space<vmem>>
          %dma_wait3A_473 = arith.constant 0 : i32
          %dma_wait3A_474 = arith.constant 0 : i32
          %dma_wait3A_475 = tpu.memref_slice %arg13[%dma_wait3A_473, %dma_wait3A_474] : memref<10000x16xf32, #tpu.memory_space<vmem_shared>> -> memref<10000x16xf32, #tpu.memory_space<vmem_shared>>
          tpu.wait_indirect_dma semaphore(%arg17 : memref<!tpu.dma_semaphore, #tpu.memory_space<semaphore_mem>>) src(%arg10 : memref<128x16xf32, #tpu.memory_space<vmem>>) dst(%dma_wait3A_475 : memref<10000x16xf32, #tpu.memory_space<vmem_shared>>)
          %dma_wait3A_476 = arith.constant 1 : i32
          %dma_wait3A_477 = arith.constant 0 : i32
          %dma_wait3A_478 = tpu.memref_slice %arg8[%dma_wait3A_476, %dma_wait3A_477] : memref<5x128xi32, #tpu.memory_space<vmem>> -> memref<1x128xi32, #tpu.memory_space<vmem>>
          %dma_wait3A_479 = tpu.memref_squeeze %dma_wait3A_478 : memref<1x128xi32, #tpu.memory_space<vmem>> -> memref<128xi32, #tpu.memory_space<vmem>>
          %dma_wait3A_480 = arith.constant 0 : i32
          %dma_wait3A_481 = arith.constant 0 : i32
          %dma_wait3A_482 = tpu.memref_slice %arg13[%dma_wait3A_480, %dma_wait3A_481] : memref<10000x16xf32, #tpu.memory_space<vmem_shared>> -> memref<10000x16xf32, #tpu.memory_space<vmem_shared>>
          tpu.wait_indirect_dma semaphore(%arg17 : memref<!tpu.dma_semaphore, #tpu.memory_space<semaphore_mem>>) src(%arg10 : memref<128x16xf32, #tpu.memory_space<vmem>>) dst(%dma_wait3A_482 : memref<10000x16xf32, #tpu.memory_space<vmem_shared>>)
          %dma_wait3A_483 = arith.constant 2 : i32
          %dma_wait3A_484 = arith.constant 0 : i32
          %dma_wait3A_485 = tpu.memref_slice %arg8[%dma_wait3A_483, %dma_wait3A_484] : memref<5x128xi32, #tpu.memory_space<vmem>> -> memref<1x128xi32, #tpu.memory_space<vmem>>
          %dma_wait3A_486 = tpu.memref_squeeze %dma_wait3A_485 : memref<1x128xi32, #tpu.memory_space<vmem>> -> memref<128xi32, #tpu.memory_space<vmem>>
          %dma_wait3A_487 = arith.constant 0 : i32
          %dma_wait3A_488 = arith.constant 0 : i32
          %dma_wait3A_489 = tpu.memref_slice %arg13[%dma_wait3A_487, %dma_wait3A_488] : memref<10000x16xf32, #tpu.memory_space<vmem_shared>> -> memref<10000x16xf32, #tpu.memory_space<vmem_shared>>
          tpu.wait_indirect_dma semaphore(%arg17 : memref<!tpu.dma_semaphore, #tpu.memory_space<semaphore_mem>>) src(%arg10 : memref<128x16xf32, #tpu.memory_space<vmem>>) dst(%dma_wait3A_489 : memref<10000x16xf32, #tpu.memory_space<vmem_shared>>)
          %dma_wait3A_490 = arith.constant 3 : i32
          %dma_wait3A_491 = arith.constant 0 : i32
          %dma_wait3A_492 = tpu.memref_slice %arg8[%dma_wait3A_490, %dma_wait3A_491] : memref<5x128xi32, #tpu.memory_space<vmem>> -> memref<1x128xi32, #tpu.memory_space<vmem>>
          %dma_wait3A_493 = tpu.memref_squeeze %dma_wait3A_492 : memref<1x128xi32, #tpu.memory_space<vmem>> -> memref<128xi32, #tpu.memory_space<vmem>>
          %dma_wait3A_494 = arith.constant 0 : i32
          %dma_wait3A_495 = arith.constant 0 : i32
          %dma_wait3A_496 = tpu.memref_slice %arg13[%dma_wait3A_494, %dma_wait3A_495] : memref<10000x16xf32, #tpu.memory_space<vmem_shared>> -> memref<10000x16xf32, #tpu.memory_space<vmem_shared>>
          tpu.wait_indirect_dma semaphore(%arg17 : memref<!tpu.dma_semaphore, #tpu.memory_space<semaphore_mem>>) src(%arg10 : memref<128x16xf32, #tpu.memory_space<vmem>>) dst(%dma_wait3A_496 : memref<10000x16xf32, #tpu.memory_space<vmem_shared>>)
        } else {
        }
        %lt3A_317 = arith.constant 625 : i32
        %lt3A_318 = arith.cmpi slt, %add3A_288, %lt3A_317 : i32
        %convert_element_type3A_319 = arith.extui %lt3A_318 : i1 to i32
        %cond3A_320 = arith.constant 0 : i32
        %cond3A_321 = arith.cmpi ne, %convert_element_type3A_319, %cond3A_320 : i32
        scf.if %cond3A_321 {
          %mul3A_462 = arith.constant 4 : i32
          %mul3A_463 = arith.muli %add3A_288, %mul3A_462 : i32
          %dma_start3A_464 = arith.constant 0 : i32
          %dma_start3A_465 = arith.constant 0 : i32
          %dma_start3A_466 = tpu.memref_slice %arg8[%dma_start3A_464, %dma_start3A_465] : memref<5x128xi32, #tpu.memory_space<vmem>> -> memref<4x128xi32, #tpu.memory_space<vmem>>
          %dma_start3A_467 = arith.constant 0 : i32
          %dma_start3A_468 = tpu.memref_slice %arg3[%mul3A_463, %dma_start3A_467] : memref<2500x128xi32, #tpu.memory_space<hbm>> -> memref<4x128xi32, #tpu.memory_space<hbm>>
          %dma_start3A_469 = arith.constant 0 : i32
          %dma_start3A_470 = arith.constant 0 : i32
          %dma_start3A_471 = tpu.memref_slice %arg8[%dma_start3A_469, %dma_start3A_470] : memref<5x128xi32, #tpu.memory_space<vmem>> -> memref<4x128xi32, #tpu.memory_space<vmem>>
          %dma_start3A_472 = arith.constant 0 : i32
          %dma_start3A_473 = tpu.memref_slice %arg3[%mul3A_463, %dma_start3A_472] : memref<2500x128xi32, #tpu.memory_space<hbm>> -> memref<4x128xi32, #tpu.memory_space<hbm>>
          tpu.enqueue_dma source(%dma_start3A_473 : memref<4x128xi32, #tpu.memory_space<hbm>>) target(%dma_start3A_471 : memref<4x128xi32, #tpu.memory_space<vmem>>) target_semaphore(%arg18 : memref<!tpu.dma_semaphore, #tpu.memory_space<semaphore_mem>>)
        } else {
        }
        %mul3A_322 = arith.constant 512 : i32
        %mul3A_323 = arith.muli %add3A_283, %mul3A_322 : i32
        %add3A_324 = arith.constant 128 : i32
        %add3A_325 = arith.addi %mul3A_323, %add3A_324 : i32
        %dma_start3A_326 = arith.constant 0 : i32
        %dma_start3A_327 = tpu.memref_slice %arg2[%add3A_325, %dma_start3A_326] : memref<320000x128xf32, #tpu.memory_space<hbm>> -> memref<128x128xf32, #tpu.memory_space<hbm>>
        %dma_start3A_328 = arith.constant 0 : i32
        %dma_start3A_329 = tpu.memref_slice %arg2[%add3A_325, %dma_start3A_328] : memref<320000x128xf32, #tpu.memory_space<hbm>> -> memref<128x128xf32, #tpu.memory_space<hbm>>
        tpu.enqueue_dma source(%dma_start3A_329 : memref<128x128xf32, #tpu.memory_space<hbm>>) target(%arg7 : memref<128x128xf32, #tpu.memory_space<vmem>>) target_semaphore(%arg15 : memref<!tpu.dma_semaphore, #tpu.memory_space<semaphore_mem>>)
        %mul3A_330 = arith.constant 512 : i32
        %mul3A_331 = arith.muli %add3A_283, %mul3A_330 : i32
        %add3A_332 = arith.constant 0 : i32
        %add3A_333 = arith.addi %mul3A_331, %add3A_332 : i32
        %dma_wait3A_334 = arith.constant 0 : i32
        %dma_wait3A_335 = tpu.memref_slice %arg2[%add3A_333, %dma_wait3A_334] : memref<320000x128xf32, #tpu.memory_space<hbm>> -> memref<128x128xf32, #tpu.memory_space<hbm>>
        %dma_wait3A_336 = arith.constant 0 : i32
        %dma_wait3A_337 = tpu.memref_slice %arg2[%add3A_333, %dma_wait3A_336] : memref<320000x128xf32, #tpu.memory_space<hbm>> -> memref<128x128xf32, #tpu.memory_space<hbm>>
        tpu.wait_dma2 semaphore(%arg14 : memref<!tpu.dma_semaphore, #tpu.memory_space<semaphore_mem>>) src(%dma_wait3A_337 : memref<128x128xf32, #tpu.memory_space<hbm>>) dst(%arg6 : memref<128x128xf32, #tpu.memory_space<vmem>>)
        %dma_start3A_338 = arith.constant 0 : i32
        %dma_start3A_339 = arith.constant 0 : i32
        %dma_start3A_340 = tpu.memref_slice %arg9[%dma_start3A_338, %dma_start3A_339] : memref<5x128xi32, #tpu.memory_space<vmem>> -> memref<1x128xi32, #tpu.memory_space<vmem>>
        %dma_start3A_341 = tpu.memref_squeeze %dma_start3A_340 : memref<1x128xi32, #tpu.memory_space<vmem>> -> memref<128xi32, #tpu.memory_space<vmem>>
        %dma_start3A_342 = arith.constant 0 : i32
        %dma_start3A_343 = arith.constant 0 : i32
        %dma_start3A_344 = tpu.memref_slice %arg12[%dma_start3A_342, %dma_start3A_343] : memref<10000x128xf32, #tpu.memory_space<vmem_shared>> -> memref<10000x128xf32, #tpu.memory_space<vmem_shared>>
        tpu.enqueue_indirect_dma source(%arg6 : memref<128x128xf32, #tpu.memory_space<vmem>>) target(%dma_start3A_344 : memref<10000x128xf32, #tpu.memory_space<vmem_shared>>) offsets(%dma_start3A_341 : memref<128xi32, #tpu.memory_space<vmem>>) semaphore(%arg16 : memref<!tpu.dma_semaphore, #tpu.memory_space<semaphore_mem>>) {add = true}
        %dma_start3A_345 = arith.constant 0 : i32
        %dma_start3A_346 = arith.constant 0 : i32
        %dma_start3A_347 = tpu.memref_slice %arg9[%dma_start3A_345, %dma_start3A_346] : memref<5x128xi32, #tpu.memory_space<vmem>> -> memref<1x128xi32, #tpu.memory_space<vmem>>
        %dma_start3A_348 = tpu.memref_squeeze %dma_start3A_347 : memref<1x128xi32, #tpu.memory_space<vmem>> -> memref<128xi32, #tpu.memory_space<vmem>>
        %dma_start3A_349 = arith.constant 0 : i32
        %dma_start3A_350 = arith.constant 0 : i32
        %dma_start3A_351 = tpu.memref_slice %arg13[%dma_start3A_349, %dma_start3A_350] : memref<10000x16xf32, #tpu.memory_space<vmem_shared>> -> memref<10000x16xf32, #tpu.memory_space<vmem_shared>>
        tpu.enqueue_indirect_dma source(%arg10 : memref<128x16xf32, #tpu.memory_space<vmem>>) target(%dma_start3A_351 : memref<10000x16xf32, #tpu.memory_space<vmem_shared>>) offsets(%dma_start3A_348 : memref<128xi32, #tpu.memory_space<vmem>>) semaphore(%arg17 : memref<!tpu.dma_semaphore, #tpu.memory_space<semaphore_mem>>) {add = true}
        %dma_wait3A_352 = arith.constant 0 : i32
        %dma_wait3A_353 = arith.constant 0 : i32
        %dma_wait3A_354 = tpu.memref_slice %arg9[%dma_wait3A_352, %dma_wait3A_353] : memref<5x128xi32, #tpu.memory_space<vmem>> -> memref<1x128xi32, #tpu.memory_space<vmem>>
        %dma_wait3A_355 = tpu.memref_squeeze %dma_wait3A_354 : memref<1x128xi32, #tpu.memory_space<vmem>> -> memref<128xi32, #tpu.memory_space<vmem>>
        %dma_wait3A_356 = arith.constant 0 : i32
        %dma_wait3A_357 = arith.constant 0 : i32
        %dma_wait3A_358 = tpu.memref_slice %arg12[%dma_wait3A_356, %dma_wait3A_357] : memref<10000x128xf32, #tpu.memory_space<vmem_shared>> -> memref<10000x128xf32, #tpu.memory_space<vmem_shared>>
        tpu.wait_indirect_dma semaphore(%arg16 : memref<!tpu.dma_semaphore, #tpu.memory_space<semaphore_mem>>) src(%arg6 : memref<128x128xf32, #tpu.memory_space<vmem>>) dst(%dma_wait3A_358 : memref<10000x128xf32, #tpu.memory_space<vmem_shared>>)
        %mul3A_359 = arith.constant 512 : i32
        %mul3A_360 = arith.muli %add3A_283, %mul3A_359 : i32
        %add3A_361 = arith.constant 256 : i32
        %add3A_362 = arith.addi %mul3A_360, %add3A_361 : i32
        %dma_start3A_363 = arith.constant 0 : i32
        %dma_start3A_364 = tpu.memref_slice %arg2[%add3A_362, %dma_start3A_363] : memref<320000x128xf32, #tpu.memory_space<hbm>> -> memref<128x128xf32, #tpu.memory_space<hbm>>
        %dma_start3A_365 = arith.constant 0 : i32
        %dma_start3A_366 = tpu.memref_slice %arg2[%add3A_362, %dma_start3A_365] : memref<320000x128xf32, #tpu.memory_space<hbm>> -> memref<128x128xf32, #tpu.memory_space<hbm>>
        tpu.enqueue_dma source(%dma_start3A_366 : memref<128x128xf32, #tpu.memory_space<hbm>>) target(%arg6 : memref<128x128xf32, #tpu.memory_space<vmem>>) target_semaphore(%arg14 : memref<!tpu.dma_semaphore, #tpu.memory_space<semaphore_mem>>)
        %mul3A_367 = arith.constant 512 : i32
        %mul3A_368 = arith.muli %add3A_283, %mul3A_367 : i32
        %add3A_369 = arith.constant 128 : i32
        %add3A_370 = arith.addi %mul3A_368, %add3A_369 : i32
        %dma_wait3A_371 = arith.constant 0 : i32
        %dma_wait3A_372 = tpu.memref_slice %arg2[%add3A_370, %dma_wait3A_371] : memref<320000x128xf32, #tpu.memory_space<hbm>> -> memref<128x128xf32, #tpu.memory_space<hbm>>
        %dma_wait3A_373 = arith.constant 0 : i32
        %dma_wait3A_374 = tpu.memref_slice %arg2[%add3A_370, %dma_wait3A_373] : memref<320000x128xf32, #tpu.memory_space<hbm>> -> memref<128x128xf32, #tpu.memory_space<hbm>>
        tpu.wait_dma2 semaphore(%arg15 : memref<!tpu.dma_semaphore, #tpu.memory_space<semaphore_mem>>) src(%dma_wait3A_374 : memref<128x128xf32, #tpu.memory_space<hbm>>) dst(%arg7 : memref<128x128xf32, #tpu.memory_space<vmem>>)
        %dma_start3A_375 = arith.constant 1 : i32
        %dma_start3A_376 = arith.constant 0 : i32
        %dma_start3A_377 = tpu.memref_slice %arg9[%dma_start3A_375, %dma_start3A_376] : memref<5x128xi32, #tpu.memory_space<vmem>> -> memref<1x128xi32, #tpu.memory_space<vmem>>
        %dma_start3A_378 = tpu.memref_squeeze %dma_start3A_377 : memref<1x128xi32, #tpu.memory_space<vmem>> -> memref<128xi32, #tpu.memory_space<vmem>>
        %dma_start3A_379 = arith.constant 0 : i32
        %dma_start3A_380 = arith.constant 0 : i32
        %dma_start3A_381 = tpu.memref_slice %arg12[%dma_start3A_379, %dma_start3A_380] : memref<10000x128xf32, #tpu.memory_space<vmem_shared>> -> memref<10000x128xf32, #tpu.memory_space<vmem_shared>>
        tpu.enqueue_indirect_dma source(%arg7 : memref<128x128xf32, #tpu.memory_space<vmem>>) target(%dma_start3A_381 : memref<10000x128xf32, #tpu.memory_space<vmem_shared>>) offsets(%dma_start3A_378 : memref<128xi32, #tpu.memory_space<vmem>>) semaphore(%arg16 : memref<!tpu.dma_semaphore, #tpu.memory_space<semaphore_mem>>) {add = true}
        %dma_start3A_382 = arith.constant 1 : i32
        %dma_start3A_383 = arith.constant 0 : i32
        %dma_start3A_384 = tpu.memref_slice %arg9[%dma_start3A_382, %dma_start3A_383] : memref<5x128xi32, #tpu.memory_space<vmem>> -> memref<1x128xi32, #tpu.memory_space<vmem>>
        %dma_start3A_385 = tpu.memref_squeeze %dma_start3A_384 : memref<1x128xi32, #tpu.memory_space<vmem>> -> memref<128xi32, #tpu.memory_space<vmem>>
        %dma_start3A_386 = arith.constant 0 : i32
        %dma_start3A_387 = arith.constant 0 : i32
        %dma_start3A_388 = tpu.memref_slice %arg13[%dma_start3A_386, %dma_start3A_387] : memref<10000x16xf32, #tpu.memory_space<vmem_shared>> -> memref<10000x16xf32, #tpu.memory_space<vmem_shared>>
        tpu.enqueue_indirect_dma source(%arg10 : memref<128x16xf32, #tpu.memory_space<vmem>>) target(%dma_start3A_388 : memref<10000x16xf32, #tpu.memory_space<vmem_shared>>) offsets(%dma_start3A_385 : memref<128xi32, #tpu.memory_space<vmem>>) semaphore(%arg17 : memref<!tpu.dma_semaphore, #tpu.memory_space<semaphore_mem>>) {add = true}
        %dma_wait3A_389 = arith.constant 1 : i32
        %dma_wait3A_390 = arith.constant 0 : i32
        %dma_wait3A_391 = tpu.memref_slice %arg9[%dma_wait3A_389, %dma_wait3A_390] : memref<5x128xi32, #tpu.memory_space<vmem>> -> memref<1x128xi32, #tpu.memory_space<vmem>>
        %dma_wait3A_392 = tpu.memref_squeeze %dma_wait3A_391 : memref<1x128xi32, #tpu.memory_space<vmem>> -> memref<128xi32, #tpu.memory_space<vmem>>
        %dma_wait3A_393 = arith.constant 0 : i32
        %dma_wait3A_394 = arith.constant 0 : i32
        %dma_wait3A_395 = tpu.memref_slice %arg12[%dma_wait3A_393, %dma_wait3A_394] : memref<10000x128xf32, #tpu.memory_space<vmem_shared>> -> memref<10000x128xf32, #tpu.memory_space<vmem_shared>>
        tpu.wait_indirect_dma semaphore(%arg16 : memref<!tpu.dma_semaphore, #tpu.memory_space<semaphore_mem>>) src(%arg7 : memref<128x128xf32, #tpu.memory_space<vmem>>) dst(%dma_wait3A_395 : memref<10000x128xf32, #tpu.memory_space<vmem_shared>>)
        %mul3A_396 = arith.constant 512 : i32
        %mul3A_397 = arith.muli %add3A_283, %mul3A_396 : i32
        %add3A_398 = arith.constant 384 : i32
        %add3A_399 = arith.addi %mul3A_397, %add3A_398 : i32
        %dma_start3A_400 = arith.constant 0 : i32
        %dma_start3A_401 = tpu.memref_slice %arg2[%add3A_399, %dma_start3A_400] : memref<320000x128xf32, #tpu.memory_space<hbm>> -> memref<128x128xf32, #tpu.memory_space<hbm>>
        %dma_start3A_402 = arith.constant 0 : i32
        %dma_start3A_403 = tpu.memref_slice %arg2[%add3A_399, %dma_start3A_402] : memref<320000x128xf32, #tpu.memory_space<hbm>> -> memref<128x128xf32, #tpu.memory_space<hbm>>
        tpu.enqueue_dma source(%dma_start3A_403 : memref<128x128xf32, #tpu.memory_space<hbm>>) target(%arg7 : memref<128x128xf32, #tpu.memory_space<vmem>>) target_semaphore(%arg15 : memref<!tpu.dma_semaphore, #tpu.memory_space<semaphore_mem>>)
        %mul3A_404 = arith.constant 512 : i32
        %mul3A_405 = arith.muli %add3A_283, %mul3A_404 : i32
        %add3A_406 = arith.constant 256 : i32
        %add3A_407 = arith.addi %mul3A_405, %add3A_406 : i32
        %dma_wait3A_408 = arith.constant 0 : i32
        %dma_wait3A_409 = tpu.memref_slice %arg2[%add3A_407, %dma_wait3A_408] : memref<320000x128xf32, #tpu.memory_space<hbm>> -> memref<128x128xf32, #tpu.memory_space<hbm>>
        %dma_wait3A_410 = arith.constant 0 : i32
        %dma_wait3A_411 = tpu.memref_slice %arg2[%add3A_407, %dma_wait3A_410] : memref<320000x128xf32, #tpu.memory_space<hbm>> -> memref<128x128xf32, #tpu.memory_space<hbm>>
        tpu.wait_dma2 semaphore(%arg14 : memref<!tpu.dma_semaphore, #tpu.memory_space<semaphore_mem>>) src(%dma_wait3A_411 : memref<128x128xf32, #tpu.memory_space<hbm>>) dst(%arg6 : memref<128x128xf32, #tpu.memory_space<vmem>>)
        %dma_start3A_412 = arith.constant 2 : i32
        %dma_start3A_413 = arith.constant 0 : i32
        %dma_start3A_414 = tpu.memref_slice %arg9[%dma_start3A_412, %dma_start3A_413] : memref<5x128xi32, #tpu.memory_space<vmem>> -> memref<1x128xi32, #tpu.memory_space<vmem>>
        %dma_start3A_415 = tpu.memref_squeeze %dma_start3A_414 : memref<1x128xi32, #tpu.memory_space<vmem>> -> memref<128xi32, #tpu.memory_space<vmem>>
        %dma_start3A_416 = arith.constant 0 : i32
        %dma_start3A_417 = arith.constant 0 : i32
        %dma_start3A_418 = tpu.memref_slice %arg12[%dma_start3A_416, %dma_start3A_417] : memref<10000x128xf32, #tpu.memory_space<vmem_shared>> -> memref<10000x128xf32, #tpu.memory_space<vmem_shared>>
        tpu.enqueue_indirect_dma source(%arg6 : memref<128x128xf32, #tpu.memory_space<vmem>>) target(%dma_start3A_418 : memref<10000x128xf32, #tpu.memory_space<vmem_shared>>) offsets(%dma_start3A_415 : memref<128xi32, #tpu.memory_space<vmem>>) semaphore(%arg16 : memref<!tpu.dma_semaphore, #tpu.memory_space<semaphore_mem>>) {add = true}
        %dma_start3A_419 = arith.constant 2 : i32
        %dma_start3A_420 = arith.constant 0 : i32
        %dma_start3A_421 = tpu.memref_slice %arg9[%dma_start3A_419, %dma_start3A_420] : memref<5x128xi32, #tpu.memory_space<vmem>> -> memref<1x128xi32, #tpu.memory_space<vmem>>
        %dma_start3A_422 = tpu.memref_squeeze %dma_start3A_421 : memref<1x128xi32, #tpu.memory_space<vmem>> -> memref<128xi32, #tpu.memory_space<vmem>>
        %dma_start3A_423 = arith.constant 0 : i32
        %dma_start3A_424 = arith.constant 0 : i32
        %dma_start3A_425 = tpu.memref_slice %arg13[%dma_start3A_423, %dma_start3A_424] : memref<10000x16xf32, #tpu.memory_space<vmem_shared>> -> memref<10000x16xf32, #tpu.memory_space<vmem_shared>>
        tpu.enqueue_indirect_dma source(%arg10 : memref<128x16xf32, #tpu.memory_space<vmem>>) target(%dma_start3A_425 : memref<10000x16xf32, #tpu.memory_space<vmem_shared>>) offsets(%dma_start3A_422 : memref<128xi32, #tpu.memory_space<vmem>>) semaphore(%arg17 : memref<!tpu.dma_semaphore, #tpu.memory_space<semaphore_mem>>) {add = true}
        %dma_wait3A_426 = arith.constant 2 : i32
        %dma_wait3A_427 = arith.constant 0 : i32
        %dma_wait3A_428 = tpu.memref_slice %arg9[%dma_wait3A_426, %dma_wait3A_427] : memref<5x128xi32, #tpu.memory_space<vmem>> -> memref<1x128xi32, #tpu.memory_space<vmem>>
        %dma_wait3A_429 = tpu.memref_squeeze %dma_wait3A_428 : memref<1x128xi32, #tpu.memory_space<vmem>> -> memref<128xi32, #tpu.memory_space<vmem>>
        %dma_wait3A_430 = arith.constant 0 : i32
        %dma_wait3A_431 = arith.constant 0 : i32
        %dma_wait3A_432 = tpu.memref_slice %arg12[%dma_wait3A_430, %dma_wait3A_431] : memref<10000x128xf32, #tpu.memory_space<vmem_shared>> -> memref<10000x128xf32, #tpu.memory_space<vmem_shared>>
        tpu.wait_indirect_dma semaphore(%arg16 : memref<!tpu.dma_semaphore, #tpu.memory_space<semaphore_mem>>) src(%arg6 : memref<128x128xf32, #tpu.memory_space<vmem>>) dst(%dma_wait3A_432 : memref<10000x128xf32, #tpu.memory_space<vmem_shared>>)
        %add3A_433 = arith.constant 32 : i32
        %add3A_434 = arith.addi %add3A_283, %add3A_433 : i32
        %lt3A_435 = arith.constant 625 : i32
        %lt3A_436 = arith.cmpi slt, %add3A_434, %lt3A_435 : i32
        %convert_element_type3A_437 = arith.extui %lt3A_436 : i1 to i32
        %cond3A_438 = arith.constant 0 : i32
        %cond3A_439 = arith.cmpi ne, %convert_element_type3A_437, %cond3A_438 : i32
        scf.if %cond3A_439 {
          %add3A_462 = arith.constant 32 : i32
          %add3A_463 = arith.addi %add3A_283, %add3A_462 : i32
          %mul3A_464 = arith.constant 512 : i32
          %mul3A_465 = arith.muli %add3A_463, %mul3A_464 : i32
          %add3A_466 = arith.constant 0 : i32
          %add3A_467 = arith.addi %mul3A_465, %add3A_466 : i32
          %dma_start3A_468 = arith.constant 0 : i32
          %dma_start3A_469 = tpu.memref_slice %arg2[%add3A_467, %dma_start3A_468] : memref<320000x128xf32, #tpu.memory_space<hbm>> -> memref<128x128xf32, #tpu.memory_space<hbm>>
          %dma_start3A_470 = arith.constant 0 : i32
          %dma_start3A_471 = tpu.memref_slice %arg2[%add3A_467, %dma_start3A_470] : memref<320000x128xf32, #tpu.memory_space<hbm>> -> memref<128x128xf32, #tpu.memory_space<hbm>>
          tpu.enqueue_dma source(%dma_start3A_471 : memref<128x128xf32, #tpu.memory_space<hbm>>) target(%arg6 : memref<128x128xf32, #tpu.memory_space<vmem>>) target_semaphore(%arg14 : memref<!tpu.dma_semaphore, #tpu.memory_space<semaphore_mem>>)
        } else {
        }
        %mul3A_440 = arith.constant 512 : i32
        %mul3A_441 = arith.muli %add3A_283, %mul3A_440 : i32
        %add3A_442 = arith.constant 384 : i32
        %add3A_443 = arith.addi %mul3A_441, %add3A_442 : i32
        %dma_wait3A_444 = arith.constant 0 : i32
        %dma_wait3A_445 = tpu.memref_slice %arg2[%add3A_443, %dma_wait3A_444] : memref<320000x128xf32, #tpu.memory_space<hbm>> -> memref<128x128xf32, #tpu.memory_space<hbm>>
        %dma_wait3A_446 = arith.constant 0 : i32
        %dma_wait3A_447 = tpu.memref_slice %arg2[%add3A_443, %dma_wait3A_446] : memref<320000x128xf32, #tpu.memory_space<hbm>> -> memref<128x128xf32, #tpu.memory_space<hbm>>
        tpu.wait_dma2 semaphore(%arg15 : memref<!tpu.dma_semaphore, #tpu.memory_space<semaphore_mem>>) src(%dma_wait3A_447 : memref<128x128xf32, #tpu.memory_space<hbm>>) dst(%arg7 : memref<128x128xf32, #tpu.memory_space<vmem>>)
        %dma_start3A_448 = arith.constant 3 : i32
        %dma_start3A_449 = arith.constant 0 : i32
        %dma_start3A_450 = tpu.memref_slice %arg9[%dma_start3A_448, %dma_start3A_449] : memref<5x128xi32, #tpu.memory_space<vmem>> -> memref<1x128xi32, #tpu.memory_space<vmem>>
        %dma_start3A_451 = tpu.memref_squeeze %dma_start3A_450 : memref<1x128xi32, #tpu.memory_space<vmem>> -> memref<128xi32, #tpu.memory_space<vmem>>
        %dma_start3A_452 = arith.constant 0 : i32
        %dma_start3A_453 = arith.constant 0 : i32
        %dma_start3A_454 = tpu.memref_slice %arg12[%dma_start3A_452, %dma_start3A_453] : memref<10000x128xf32, #tpu.memory_space<vmem_shared>> -> memref<10000x128xf32, #tpu.memory_space<vmem_shared>>
        tpu.enqueue_indirect_dma source(%arg7 : memref<128x128xf32, #tpu.memory_space<vmem>>) target(%dma_start3A_454 : memref<10000x128xf32, #tpu.memory_space<vmem_shared>>) offsets(%dma_start3A_451 : memref<128xi32, #tpu.memory_space<vmem>>) semaphore(%arg16 : memref<!tpu.dma_semaphore, #tpu.memory_space<semaphore_mem>>) {add = true}
        %dma_start3A_455 = arith.constant 3 : i32
        %dma_start3A_456 = arith.constant 0 : i32
        %dma_start3A_457 = tpu.memref_slice %arg9[%dma_start3A_455, %dma_start3A_456] : memref<5x128xi32, #tpu.memory_space<vmem>> -> memref<1x128xi32, #tpu.memory_space<vmem>>
        %dma_start3A_458 = tpu.memref_squeeze %dma_start3A_457 : memref<1x128xi32, #tpu.memory_space<vmem>> -> memref<128xi32, #tpu.memory_space<vmem>>
        %dma_start3A_459 = arith.constant 0 : i32
        %dma_start3A_460 = arith.constant 0 : i32
        %dma_start3A_461 = tpu.memref_slice %arg13[%dma_start3A_459, %dma_start3A_460] : memref<10000x16xf32, #tpu.memory_space<vmem_shared>> -> memref<10000x16xf32, #tpu.memory_space<vmem_shared>>
        tpu.enqueue_indirect_dma source(%arg10 : memref<128x16xf32, #tpu.memory_space<vmem>>) target(%dma_start3A_461 : memref<10000x16xf32, #tpu.memory_space<vmem_shared>>) offsets(%dma_start3A_458 : memref<128xi32, #tpu.memory_space<vmem>>) semaphore(%arg17 : memref<!tpu.dma_semaphore, #tpu.memory_space<semaphore_mem>>) {add = true}
      } else {
      }
      %scan3A_299 = arith.constant 0 : i32
      scf.yield %scan3A_299 : i32
    }
    %scan3A_99 = arith.constant 10 : i32
    %dma_wait3A = arith.constant 3 : i32
    %dma_wait3A_100 = arith.constant 0 : i32
    %dma_wait3A_101 = tpu.memref_slice %arg8[%dma_wait3A, %dma_wait3A_100] : memref<5x128xi32, #tpu.memory_space<vmem>> -> memref<1x128xi32, #tpu.memory_space<vmem>>
    %dma_wait3A_102 = tpu.memref_squeeze %dma_wait3A_101 : memref<1x128xi32, #tpu.memory_space<vmem>> -> memref<128xi32, #tpu.memory_space<vmem>>
    %dma_wait3A_103 = arith.constant 0 : i32
    %dma_wait3A_104 = arith.constant 0 : i32
    %dma_wait3A_105 = tpu.memref_slice %arg12[%dma_wait3A_103, %dma_wait3A_104] : memref<10000x128xf32, #tpu.memory_space<vmem_shared>> -> memref<10000x128xf32, #tpu.memory_space<vmem_shared>>
    tpu.wait_indirect_dma semaphore(%arg16 : memref<!tpu.dma_semaphore, #tpu.memory_space<semaphore_mem>>) src(%arg7 : memref<128x128xf32, #tpu.memory_space<vmem>>) dst(%dma_wait3A_105 : memref<10000x128xf32, #tpu.memory_space<vmem_shared>>)
    %dma_wait3A_106 = arith.constant 0 : i32
    %dma_wait3A_107 = arith.constant 0 : i32
    %dma_wait3A_108 = tpu.memref_slice %arg8[%dma_wait3A_106, %dma_wait3A_107] : memref<5x128xi32, #tpu.memory_space<vmem>> -> memref<1x128xi32, #tpu.memory_space<vmem>>
    %dma_wait3A_109 = tpu.memref_squeeze %dma_wait3A_108 : memref<1x128xi32, #tpu.memory_space<vmem>> -> memref<128xi32, #tpu.memory_space<vmem>>
    %dma_wait3A_110 = arith.constant 0 : i32
    %dma_wait3A_111 = arith.constant 0 : i32
    %dma_wait3A_112 = tpu.memref_slice %arg13[%dma_wait3A_110, %dma_wait3A_111] : memref<10000x16xf32, #tpu.memory_space<vmem_shared>> -> memref<10000x16xf32, #tpu.memory_space<vmem_shared>>
    tpu.wait_indirect_dma semaphore(%arg17 : memref<!tpu.dma_semaphore, #tpu.memory_space<semaphore_mem>>) src(%arg10 : memref<128x16xf32, #tpu.memory_space<vmem>>) dst(%dma_wait3A_112 : memref<10000x16xf32, #tpu.memory_space<vmem_shared>>)
    %dma_wait3A_113 = arith.constant 1 : i32
    %dma_wait3A_114 = arith.constant 0 : i32
    %dma_wait3A_115 = tpu.memref_slice %arg8[%dma_wait3A_113, %dma_wait3A_114] : memref<5x128xi32, #tpu.memory_space<vmem>> -> memref<1x128xi32, #tpu.memory_space<vmem>>
    %dma_wait3A_116 = tpu.memref_squeeze %dma_wait3A_115 : memref<1x128xi32, #tpu.memory_space<vmem>> -> memref<128xi32, #tpu.memory_space<vmem>>
    %dma_wait3A_117 = arith.constant 0 : i32
    %dma_wait3A_118 = arith.constant 0 : i32
    %dma_wait3A_119 = tpu.memref_slice %arg13[%dma_wait3A_117, %dma_wait3A_118] : memref<10000x16xf32, #tpu.memory_space<vmem_shared>> -> memref<10000x16xf32, #tpu.memory_space<vmem_shared>>
    tpu.wait_indirect_dma semaphore(%arg17 : memref<!tpu.dma_semaphore, #tpu.memory_space<semaphore_mem>>) src(%arg10 : memref<128x16xf32, #tpu.memory_space<vmem>>) dst(%dma_wait3A_119 : memref<10000x16xf32, #tpu.memory_space<vmem_shared>>)
    %dma_wait3A_120 = arith.constant 2 : i32
    %dma_wait3A_121 = arith.constant 0 : i32
    %dma_wait3A_122 = tpu.memref_slice %arg8[%dma_wait3A_120, %dma_wait3A_121] : memref<5x128xi32, #tpu.memory_space<vmem>> -> memref<1x128xi32, #tpu.memory_space<vmem>>
    %dma_wait3A_123 = tpu.memref_squeeze %dma_wait3A_122 : memref<1x128xi32, #tpu.memory_space<vmem>> -> memref<128xi32, #tpu.memory_space<vmem>>
    %dma_wait3A_124 = arith.constant 0 : i32
    %dma_wait3A_125 = arith.constant 0 : i32
    %dma_wait3A_126 = tpu.memref_slice %arg13[%dma_wait3A_124, %dma_wait3A_125] : memref<10000x16xf32, #tpu.memory_space<vmem_shared>> -> memref<10000x16xf32, #tpu.memory_space<vmem_shared>>
    tpu.wait_indirect_dma semaphore(%arg17 : memref<!tpu.dma_semaphore, #tpu.memory_space<semaphore_mem>>) src(%arg10 : memref<128x16xf32, #tpu.memory_space<vmem>>) dst(%dma_wait3A_126 : memref<10000x16xf32, #tpu.memory_space<vmem_shared>>)
    %dma_wait3A_127 = arith.constant 3 : i32
    %dma_wait3A_128 = arith.constant 0 : i32
    %dma_wait3A_129 = tpu.memref_slice %arg8[%dma_wait3A_127, %dma_wait3A_128] : memref<5x128xi32, #tpu.memory_space<vmem>> -> memref<1x128xi32, #tpu.memory_space<vmem>>
    %dma_wait3A_130 = tpu.memref_squeeze %dma_wait3A_129 : memref<1x128xi32, #tpu.memory_space<vmem>> -> memref<128xi32, #tpu.memory_space<vmem>>
    %dma_wait3A_131 = arith.constant 0 : i32
    %dma_wait3A_132 = arith.constant 0 : i32
    %dma_wait3A_133 = tpu.memref_slice %arg13[%dma_wait3A_131, %dma_wait3A_132] : memref<10000x16xf32, #tpu.memory_space<vmem_shared>> -> memref<10000x16xf32, #tpu.memory_space<vmem_shared>>
    tpu.wait_indirect_dma semaphore(%arg17 : memref<!tpu.dma_semaphore, #tpu.memory_space<semaphore_mem>>) src(%arg10 : memref<128x16xf32, #tpu.memory_space<vmem>>) dst(%dma_wait3A_133 : memref<10000x16xf32, #tpu.memory_space<vmem_shared>>)
    %barrier3A_134 = arith.constant 0 : index
    tpu.barrier barrier_id(%barrier3A_134)
    %add3A_135 = arith.constant 0 : i32
    %add3A_136 = arith.addi %arg1, %add3A_135 : i32
    %lt3A_137 = arith.constant 79 : i32
    %lt3A_138 = arith.cmpi slt, %add3A_136, %lt3A_137 : i32
    %convert_element_type3A_139 = arith.extui %lt3A_138 : i1 to i32
    %cond3A_140 = arith.constant 0 : i32
    %cond3A_141 = arith.cmpi ne, %convert_element_type3A_139, %cond3A_140 : i32
    scf.if %cond3A_141 {
      %mul3A_272 = arith.constant 128 : i32
      %mul3A_273 = arith.muli %add3A_136, %mul3A_272 : i32
      %min3A = arith.constant 9872 : i32
      %min3A_274 = arith.minsi %mul3A_273, %min3A : i32
      %add3A_275 = arith.constant 0 : i32
      %add3A_276 = arith.addi %min3A_274, %add3A_275 : i32
      %add3A_277 = vector.broadcast %add3A_276 : i32 to vector<16xi32>
      %add3A_278 = arith.addi %add3A_277, %iota3A : vector<16xi32>
      %swap3A = arith.constant 0 : i32
      %swap3A_279 = arith.index_cast %swap3A : i32 to index
      %swap3A_280 = arith.constant 0 : index
      %swap3A_281 = tpu.vector_load %arg8[%swap3A_279, %swap3A_280] {strides = array<i32>} : memref<5x128xi32, #tpu.memory_space<vmem>>, vector<1x16xi32>,
      %swap3A_282 = vector.shape_cast %swap3A_281 : vector<1x16xi32> to vector<16xi32>
      %swap3A_283 = vector.shape_cast %add3A_278 : vector<16xi32> to vector<1x16xi32>
      tpu.vector_store %arg8[%swap3A_279, %swap3A_280], %swap3A_283 {strides = array<i32>} : memref<5x128xi32, #tpu.memory_space<vmem>>, vector<1x16xi32>,
      %add3A_284 = arith.constant 16 : i32
      %add3A_285 = arith.addi %min3A_274, %add3A_284 : i32
      %add3A_286 = vector.broadcast %add3A_285 : i32 to vector<16xi32>
      %add3A_287 = arith.addi %add3A_286, %iota3A : vector<16xi32>
      %swap3A_288 = arith.constant 0 : i32
      %swap3A_289 = arith.index_cast %swap3A_288 : i32 to index
      %swap3A_290 = arith.constant 16 : index
      %swap3A_291 = tpu.vector_load %arg8[%swap3A_289, %swap3A_290] {strides = array<i32>} : memref<5x128xi32, #tpu.memory_space<vmem>>, vector<1x16xi32>,
      %swap3A_292 = vector.shape_cast %swap3A_291 : vector<1x16xi32> to vector<16xi32>
      %swap3A_293 = vector.shape_cast %add3A_287 : vector<16xi32> to vector<1x16xi32>
      tpu.vector_store %arg8[%swap3A_289, %swap3A_290], %swap3A_293 {strides = array<i32>} : memref<5x128xi32, #tpu.memory_space<vmem>>, vector<1x16xi32>,
      %add3A_294 = arith.constant 32 : i32
      %add3A_295 = arith.addi %min3A_274, %add3A_294 : i32
      %add3A_296 = vector.broadcast %add3A_295 : i32 to vector<16xi32>
      %add3A_297 = arith.addi %add3A_296, %iota3A : vector<16xi32>
      %swap3A_298 = arith.constant 0 : i32
      %swap3A_299 = arith.index_cast %swap3A_298 : i32 to index
      %swap3A_300 = arith.constant 32 : index
      %swap3A_301 = tpu.vector_load %arg8[%swap3A_299, %swap3A_300] {strides = array<i32>} : memref<5x128xi32, #tpu.memory_space<vmem>>, vector<1x16xi32>,
      %swap3A_302 = vector.shape_cast %swap3A_301 : vector<1x16xi32> to vector<16xi32>
      %swap3A_303 = vector.shape_cast %add3A_297 : vector<16xi32> to vector<1x16xi32>
      tpu.vector_store %arg8[%swap3A_299, %swap3A_300], %swap3A_303 {strides = array<i32>} : memref<5x128xi32, #tpu.memory_space<vmem>>, vector<1x16xi32>,
      %add3A_304 = arith.constant 48 : i32
      %add3A_305 = arith.addi %min3A_274, %add3A_304 : i32
      %add3A_306 = vector.broadcast %add3A_305 : i32 to vector<16xi32>
      %add3A_307 = arith.addi %add3A_306, %iota3A : vector<16xi32>
      %swap3A_308 = arith.constant 0 : i32
      %swap3A_309 = arith.index_cast %swap3A_308 : i32 to index
      %swap3A_310 = arith.constant 48 : index
      %swap3A_311 = tpu.vector_load %arg8[%swap3A_309, %swap3A_310] {strides = array<i32>} : memref<5x128xi32, #tpu.memory_space<vmem>>, vector<1x16xi32>,
      %swap3A_312 = vector.shape_cast %swap3A_311 : vector<1x16xi32> to vector<16xi32>
      %swap3A_313 = vector.shape_cast %add3A_307 : vector<16xi32> to vector<1x16xi32>
      tpu.vector_store %arg8[%swap3A_309, %swap3A_310], %swap3A_313 {strides = array<i32>} : memref<5x128xi32, #tpu.memory_space<vmem>>, vector<1x16xi32>,
      %add3A_314 = arith.constant 64 : i32
      %add3A_315 = arith.addi %min3A_274, %add3A_314 : i32
      %add3A_316 = vector.broadcast %add3A_315 : i32 to vector<16xi32>
      %add3A_317 = arith.addi %add3A_316, %iota3A : vector<16xi32>
      %swap3A_318 = arith.constant 0 : i32
      %swap3A_319 = arith.index_cast %swap3A_318 : i32 to index
      %swap3A_320 = arith.constant 64 : index
      %swap3A_321 = tpu.vector_load %arg8[%swap3A_319, %swap3A_320] {strides = array<i32>} : memref<5x128xi32, #tpu.memory_space<vmem>>, vector<1x16xi32>,
      %swap3A_322 = vector.shape_cast %swap3A_321 : vector<1x16xi32> to vector<16xi32>
      %swap3A_323 = vector.shape_cast %add3A_317 : vector<16xi32> to vector<1x16xi32>
      tpu.vector_store %arg8[%swap3A_319, %swap3A_320], %swap3A_323 {strides = array<i32>} : memref<5x128xi32, #tpu.memory_space<vmem>>, vector<1x16xi32>,
      %add3A_324 = arith.constant 80 : i32
      %add3A_325 = arith.addi %min3A_274, %add3A_324 : i32
      %add3A_326 = vector.broadcast %add3A_325 : i32 to vector<16xi32>
      %add3A_327 = arith.addi %add3A_326, %iota3A : vector<16xi32>
      %swap3A_328 = arith.constant 0 : i32
      %swap3A_329 = arith.index_cast %swap3A_328 : i32 to index
      %swap3A_330 = arith.constant 80 : index
      %swap3A_331 = tpu.vector_load %arg8[%swap3A_329, %swap3A_330] {strides = array<i32>} : memref<5x128xi32, #tpu.memory_space<vmem>>, vector<1x16xi32>,
      %swap3A_332 = vector.shape_cast %swap3A_331 : vector<1x16xi32> to vector<16xi32>
      %swap3A_333 = vector.shape_cast %add3A_327 : vector<16xi32> to vector<1x16xi32>
      tpu.vector_store %arg8[%swap3A_329, %swap3A_330], %swap3A_333 {strides = array<i32>} : memref<5x128xi32, #tpu.memory_space<vmem>>, vector<1x16xi32>,
      %add3A_334 = arith.constant 96 : i32
      %add3A_335 = arith.addi %min3A_274, %add3A_334 : i32
      %add3A_336 = vector.broadcast %add3A_335 : i32 to vector<16xi32>
      %add3A_337 = arith.addi %add3A_336, %iota3A : vector<16xi32>
      %swap3A_338 = arith.constant 0 : i32
      %swap3A_339 = arith.index_cast %swap3A_338 : i32 to index
      %swap3A_340 = arith.constant 96 : index
      %swap3A_341 = tpu.vector_load %arg8[%swap3A_339, %swap3A_340] {strides = array<i32>} : memref<5x128xi32, #tpu.memory_space<vmem>>, vector<1x16xi32>,
      %swap3A_342 = vector.shape_cast %swap3A_341 : vector<1x16xi32> to vector<16xi32>
      %swap3A_343 = vector.shape_cast %add3A_337 : vector<16xi32> to vector<1x16xi32>
      tpu.vector_store %arg8[%swap3A_339, %swap3A_340], %swap3A_343 {strides = array<i32>} : memref<5x128xi32, #tpu.memory_space<vmem>>, vector<1x16xi32>,
      %add3A_344 = arith.constant 112 : i32
      %add3A_345 = arith.addi %min3A_274, %add3A_344 : i32
      %add3A_346 = vector.broadcast %add3A_345 : i32 to vector<16xi32>
      %add3A_347 = arith.addi %add3A_346, %iota3A : vector<16xi32>
      %swap3A_348 = arith.constant 0 : i32
      %swap3A_349 = arith.index_cast %swap3A_348 : i32 to index
      %swap3A_350 = arith.constant 112 : index
      %swap3A_351 = tpu.vector_load %arg8[%swap3A_349, %swap3A_350] {strides = array<i32>} : memref<5x128xi32, #tpu.memory_space<vmem>>, vector<1x16xi32>,
      %swap3A_352 = vector.shape_cast %swap3A_351 : vector<1x16xi32> to vector<16xi32>
      %swap3A_353 = vector.shape_cast %add3A_347 : vector<16xi32> to vector<1x16xi32>
      tpu.vector_store %arg8[%swap3A_349, %swap3A_350], %swap3A_353 {strides = array<i32>} : memref<5x128xi32, #tpu.memory_space<vmem>>, vector<1x16xi32>,
    } else {
    }
    %add3A_142 = arith.constant 16 : i32
    %add3A_143 = arith.addi %arg1, %add3A_142 : i32
    %lt3A_144 = arith.constant 79 : i32
    %lt3A_145 = arith.cmpi slt, %add3A_143, %lt3A_144 : i32
    %convert_element_type3A_146 = arith.extui %lt3A_145 : i1 to i32
    %cond3A_147 = arith.constant 0 : i32
    %cond3A_148 = arith.cmpi ne, %convert_element_type3A_146, %cond3A_147 : i32
    scf.if %cond3A_148 {
      %mul3A_272 = arith.constant 128 : i32
      %mul3A_273 = arith.muli %add3A_143, %mul3A_272 : i32
      %min3A = arith.constant 9872 : i32
      %min3A_274 = arith.minsi %mul3A_273, %min3A : i32
      %add3A_275 = arith.constant 0 : i32
      %add3A_276 = arith.addi %min3A_274, %add3A_275 : i32
      %add3A_277 = vector.broadcast %add3A_276 : i32 to vector<16xi32>
      %add3A_278 = arith.addi %add3A_277, %iota3A : vector<16xi32>
      %swap3A = arith.constant 1 : i32
      %swap3A_279 = arith.index_cast %swap3A : i32 to index
      %swap3A_280 = arith.constant 0 : index
      %swap3A_281 = tpu.vector_load %arg8[%swap3A_279, %swap3A_280] {strides = array<i32>} : memref<5x128xi32, #tpu.memory_space<vmem>>, vector<1x16xi32>,
      %swap3A_282 = vector.shape_cast %swap3A_281 : vector<1x16xi32> to vector<16xi32>
      %swap3A_283 = vector.shape_cast %add3A_278 : vector<16xi32> to vector<1x16xi32>
      tpu.vector_store %arg8[%swap3A_279, %swap3A_280], %swap3A_283 {strides = array<i32>} : memref<5x128xi32, #tpu.memory_space<vmem>>, vector<1x16xi32>,
      %add3A_284 = arith.constant 16 : i32
      %add3A_285 = arith.addi %min3A_274, %add3A_284 : i32
      %add3A_286 = vector.broadcast %add3A_285 : i32 to vector<16xi32>
      %add3A_287 = arith.addi %add3A_286, %iota3A : vector<16xi32>
      %swap3A_288 = arith.constant 1 : i32
      %swap3A_289 = arith.index_cast %swap3A_288 : i32 to index
      %swap3A_290 = arith.constant 16 : index
      %swap3A_291 = tpu.vector_load %arg8[%swap3A_289, %swap3A_290] {strides = array<i32>} : memref<5x128xi32, #tpu.memory_space<vmem>>, vector<1x16xi32>,
      %swap3A_292 = vector.shape_cast %swap3A_291 : vector<1x16xi32> to vector<16xi32>
      %swap3A_293 = vector.shape_cast %add3A_287 : vector<16xi32> to vector<1x16xi32>
      tpu.vector_store %arg8[%swap3A_289, %swap3A_290], %swap3A_293 {strides = array<i32>} : memref<5x128xi32, #tpu.memory_space<vmem>>, vector<1x16xi32>,
      %add3A_294 = arith.constant 32 : i32
      %add3A_295 = arith.addi %min3A_274, %add3A_294 : i32
      %add3A_296 = vector.broadcast %add3A_295 : i32 to vector<16xi32>
      %add3A_297 = arith.addi %add3A_296, %iota3A : vector<16xi32>
      %swap3A_298 = arith.constant 1 : i32
      %swap3A_299 = arith.index_cast %swap3A_298 : i32 to index
      %swap3A_300 = arith.constant 32 : index
      %swap3A_301 = tpu.vector_load %arg8[%swap3A_299, %swap3A_300] {strides = array<i32>} : memref<5x128xi32, #tpu.memory_space<vmem>>, vector<1x16xi32>,
      %swap3A_302 = vector.shape_cast %swap3A_301 : vector<1x16xi32> to vector<16xi32>
      %swap3A_303 = vector.shape_cast %add3A_297 : vector<16xi32> to vector<1x16xi32>
      tpu.vector_store %arg8[%swap3A_299, %swap3A_300], %swap3A_303 {strides = array<i32>} : memref<5x128xi32, #tpu.memory_space<vmem>>, vector<1x16xi32>,
      %add3A_304 = arith.constant 48 : i32
      %add3A_305 = arith.addi %min3A_274, %add3A_304 : i32
      %add3A_306 = vector.broadcast %add3A_305 : i32 to vector<16xi32>
      %add3A_307 = arith.addi %add3A_306, %iota3A : vector<16xi32>
      %swap3A_308 = arith.constant 1 : i32
      %swap3A_309 = arith.index_cast %swap3A_308 : i32 to index
      %swap3A_310 = arith.constant 48 : index
      %swap3A_311 = tpu.vector_load %arg8[%swap3A_309, %swap3A_310] {strides = array<i32>} : memref<5x128xi32, #tpu.memory_space<vmem>>, vector<1x16xi32>,
      %swap3A_312 = vector.shape_cast %swap3A_311 : vector<1x16xi32> to vector<16xi32>
      %swap3A_313 = vector.shape_cast %add3A_307 : vector<16xi32> to vector<1x16xi32>
      tpu.vector_store %arg8[%swap3A_309, %swap3A_310], %swap3A_313 {strides = array<i32>} : memref<5x128xi32, #tpu.memory_space<vmem>>, vector<1x16xi32>,
      %add3A_314 = arith.constant 64 : i32
      %add3A_315 = arith.addi %min3A_274, %add3A_314 : i32
      %add3A_316 = vector.broadcast %add3A_315 : i32 to vector<16xi32>
      %add3A_317 = arith.addi %add3A_316, %iota3A : vector<16xi32>
      %swap3A_318 = arith.constant 1 : i32
      %swap3A_319 = arith.index_cast %swap3A_318 : i32 to index
      %swap3A_320 = arith.constant 64 : index
      %swap3A_321 = tpu.vector_load %arg8[%swap3A_319, %swap3A_320] {strides = array<i32>} : memref<5x128xi32, #tpu.memory_space<vmem>>, vector<1x16xi32>,
      %swap3A_322 = vector.shape_cast %swap3A_321 : vector<1x16xi32> to vector<16xi32>
      %swap3A_323 = vector.shape_cast %add3A_317 : vector<16xi32> to vector<1x16xi32>
      tpu.vector_store %arg8[%swap3A_319, %swap3A_320], %swap3A_323 {strides = array<i32>} : memref<5x128xi32, #tpu.memory_space<vmem>>, vector<1x16xi32>,
      %add3A_324 = arith.constant 80 : i32
      %add3A_325 = arith.addi %min3A_274, %add3A_324 : i32
      %add3A_326 = vector.broadcast %add3A_325 : i32 to vector<16xi32>
      %add3A_327 = arith.addi %add3A_326, %iota3A : vector<16xi32>
      %swap3A_328 = arith.constant 1 : i32
      %swap3A_329 = arith.index_cast %swap3A_328 : i32 to index
      %swap3A_330 = arith.constant 80 : index
      %swap3A_331 = tpu.vector_load %arg8[%swap3A_329, %swap3A_330] {strides = array<i32>} : memref<5x128xi32, #tpu.memory_space<vmem>>, vector<1x16xi32>,
      %swap3A_332 = vector.shape_cast %swap3A_331 : vector<1x16xi32> to vector<16xi32>
      %swap3A_333 = vector.shape_cast %add3A_327 : vector<16xi32> to vector<1x16xi32>
      tpu.vector_store %arg8[%swap3A_329, %swap3A_330], %swap3A_333 {strides = array<i32>} : memref<5x128xi32, #tpu.memory_space<vmem>>, vector<1x16xi32>,
      %add3A_334 = arith.constant 96 : i32
      %add3A_335 = arith.addi %min3A_274, %add3A_334 : i32
      %add3A_336 = vector.broadcast %add3A_335 : i32 to vector<16xi32>
      %add3A_337 = arith.addi %add3A_336, %iota3A : vector<16xi32>
      %swap3A_338 = arith.constant 1 : i32
      %swap3A_339 = arith.index_cast %swap3A_338 : i32 to index
      %swap3A_340 = arith.constant 96 : index
      %swap3A_341 = tpu.vector_load %arg8[%swap3A_339, %swap3A_340] {strides = array<i32>} : memref<5x128xi32, #tpu.memory_space<vmem>>, vector<1x16xi32>,
      %swap3A_342 = vector.shape_cast %swap3A_341 : vector<1x16xi32> to vector<16xi32>
      %swap3A_343 = vector.shape_cast %add3A_337 : vector<16xi32> to vector<1x16xi32>
      tpu.vector_store %arg8[%swap3A_339, %swap3A_340], %swap3A_343 {strides = array<i32>} : memref<5x128xi32, #tpu.memory_space<vmem>>, vector<1x16xi32>,
      %add3A_344 = arith.constant 112 : i32
      %add3A_345 = arith.addi %min3A_274, %add3A_344 : i32
      %add3A_346 = vector.broadcast %add3A_345 : i32 to vector<16xi32>
      %add3A_347 = arith.addi %add3A_346, %iota3A : vector<16xi32>
      %swap3A_348 = arith.constant 1 : i32
      %swap3A_349 = arith.index_cast %swap3A_348 : i32 to index
      %swap3A_350 = arith.constant 112 : index
      %swap3A_351 = tpu.vector_load %arg8[%swap3A_349, %swap3A_350] {strides = array<i32>} : memref<5x128xi32, #tpu.memory_space<vmem>>, vector<1x16xi32>,
      %swap3A_352 = vector.shape_cast %swap3A_351 : vector<1x16xi32> to vector<16xi32>
      %swap3A_353 = vector.shape_cast %add3A_347 : vector<16xi32> to vector<1x16xi32>
      tpu.vector_store %arg8[%swap3A_349, %swap3A_350], %swap3A_353 {strides = array<i32>} : memref<5x128xi32, #tpu.memory_space<vmem>>, vector<1x16xi32>,
    } else {
    }
    %add3A_149 = arith.constant 32 : i32
    %add3A_150 = arith.addi %arg1, %add3A_149 : i32
    %lt3A_151 = arith.constant 79 : i32
    %lt3A_152 = arith.cmpi slt, %add3A_150, %lt3A_151 : i32
    %convert_element_type3A_153 = arith.extui %lt3A_152 : i1 to i32
    %cond3A_154 = arith.constant 0 : i32
    %cond3A_155 = arith.cmpi ne, %convert_element_type3A_153, %cond3A_154 : i32
    scf.if %cond3A_155 {
      %mul3A_272 = arith.constant 128 : i32
      %mul3A_273 = arith.muli %add3A_150, %mul3A_272 : i32
      %min3A = arith.constant 9872 : i32
      %min3A_274 = arith.minsi %mul3A_273, %min3A : i32
      %add3A_275 = arith.constant 0 : i32
      %add3A_276 = arith.addi %min3A_274, %add3A_275 : i32
      %add3A_277 = vector.broadcast %add3A_276 : i32 to vector<16xi32>
      %add3A_278 = arith.addi %add3A_277, %iota3A : vector<16xi32>
      %swap3A = arith.constant 2 : i32
      %swap3A_279 = arith.index_cast %swap3A : i32 to index
      %swap3A_280 = arith.constant 0 : index
      %swap3A_281 = tpu.vector_load %arg8[%swap3A_279, %swap3A_280] {strides = array<i32>} : memref<5x128xi32, #tpu.memory_space<vmem>>, vector<1x16xi32>,
      %swap3A_282 = vector.shape_cast %swap3A_281 : vector<1x16xi32> to vector<16xi32>
      %swap3A_283 = vector.shape_cast %add3A_278 : vector<16xi32> to vector<1x16xi32>
      tpu.vector_store %arg8[%swap3A_279, %swap3A_280], %swap3A_283 {strides = array<i32>} : memref<5x128xi32, #tpu.memory_space<vmem>>, vector<1x16xi32>,
      %add3A_284 = arith.constant 16 : i32
      %add3A_285 = arith.addi %min3A_274, %add3A_284 : i32
      %add3A_286 = vector.broadcast %add3A_285 : i32 to vector<16xi32>
      %add3A_287 = arith.addi %add3A_286, %iota3A : vector<16xi32>
      %swap3A_288 = arith.constant 2 : i32
      %swap3A_289 = arith.index_cast %swap3A_288 : i32 to index
      %swap3A_290 = arith.constant 16 : index
      %swap3A_291 = tpu.vector_load %arg8[%swap3A_289, %swap3A_290] {strides = array<i32>} : memref<5x128xi32, #tpu.memory_space<vmem>>, vector<1x16xi32>,
      %swap3A_292 = vector.shape_cast %swap3A_291 : vector<1x16xi32> to vector<16xi32>
      %swap3A_293 = vector.shape_cast %add3A_287 : vector<16xi32> to vector<1x16xi32>
      tpu.vector_store %arg8[%swap3A_289, %swap3A_290], %swap3A_293 {strides = array<i32>} : memref<5x128xi32, #tpu.memory_space<vmem>>, vector<1x16xi32>,
      %add3A_294 = arith.constant 32 : i32
      %add3A_295 = arith.addi %min3A_274, %add3A_294 : i32
      %add3A_296 = vector.broadcast %add3A_295 : i32 to vector<16xi32>
      %add3A_297 = arith.addi %add3A_296, %iota3A : vector<16xi32>
      %swap3A_298 = arith.constant 2 : i32
      %swap3A_299 = arith.index_cast %swap3A_298 : i32 to index
      %swap3A_300 = arith.constant 32 : index
      %swap3A_301 = tpu.vector_load %arg8[%swap3A_299, %swap3A_300] {strides = array<i32>} : memref<5x128xi32, #tpu.memory_space<vmem>>, vector<1x16xi32>,
      %swap3A_302 = vector.shape_cast %swap3A_301 : vector<1x16xi32> to vector<16xi32>
      %swap3A_303 = vector.shape_cast %add3A_297 : vector<16xi32> to vector<1x16xi32>
      tpu.vector_store %arg8[%swap3A_299, %swap3A_300], %swap3A_303 {strides = array<i32>} : memref<5x128xi32, #tpu.memory_space<vmem>>, vector<1x16xi32>,
      %add3A_304 = arith.constant 48 : i32
      %add3A_305 = arith.addi %min3A_274, %add3A_304 : i32
      %add3A_306 = vector.broadcast %add3A_305 : i32 to vector<16xi32>
      %add3A_307 = arith.addi %add3A_306, %iota3A : vector<16xi32>
      %swap3A_308 = arith.constant 2 : i32
      %swap3A_309 = arith.index_cast %swap3A_308 : i32 to index
      %swap3A_310 = arith.constant 48 : index
      %swap3A_311 = tpu.vector_load %arg8[%swap3A_309, %swap3A_310] {strides = array<i32>} : memref<5x128xi32, #tpu.memory_space<vmem>>, vector<1x16xi32>,
      %swap3A_312 = vector.shape_cast %swap3A_311 : vector<1x16xi32> to vector<16xi32>
      %swap3A_313 = vector.shape_cast %add3A_307 : vector<16xi32> to vector<1x16xi32>
      tpu.vector_store %arg8[%swap3A_309, %swap3A_310], %swap3A_313 {strides = array<i32>} : memref<5x128xi32, #tpu.memory_space<vmem>>, vector<1x16xi32>,
      %add3A_314 = arith.constant 64 : i32
      %add3A_315 = arith.addi %min3A_274, %add3A_314 : i32
      %add3A_316 = vector.broadcast %add3A_315 : i32 to vector<16xi32>
      %add3A_317 = arith.addi %add3A_316, %iota3A : vector<16xi32>
      %swap3A_318 = arith.constant 2 : i32
      %swap3A_319 = arith.index_cast %swap3A_318 : i32 to index
      %swap3A_320 = arith.constant 64 : index
      %swap3A_321 = tpu.vector_load %arg8[%swap3A_319, %swap3A_320] {strides = array<i32>} : memref<5x128xi32, #tpu.memory_space<vmem>>, vector<1x16xi32>,
      %swap3A_322 = vector.shape_cast %swap3A_321 : vector<1x16xi32> to vector<16xi32>
      %swap3A_323 = vector.shape_cast %add3A_317 : vector<16xi32> to vector<1x16xi32>
      tpu.vector_store %arg8[%swap3A_319, %swap3A_320], %swap3A_323 {strides = array<i32>} : memref<5x128xi32, #tpu.memory_space<vmem>>, vector<1x16xi32>,
      %add3A_324 = arith.constant 80 : i32
      %add3A_325 = arith.addi %min3A_274, %add3A_324 : i32
      %add3A_326 = vector.broadcast %add3A_325 : i32 to vector<16xi32>
      %add3A_327 = arith.addi %add3A_326, %iota3A : vector<16xi32>
      %swap3A_328 = arith.constant 2 : i32
      %swap3A_329 = arith.index_cast %swap3A_328 : i32 to index
      %swap3A_330 = arith.constant 80 : index
      %swap3A_331 = tpu.vector_load %arg8[%swap3A_329, %swap3A_330] {strides = array<i32>} : memref<5x128xi32, #tpu.memory_space<vmem>>, vector<1x16xi32>,
      %swap3A_332 = vector.shape_cast %swap3A_331 : vector<1x16xi32> to vector<16xi32>
      %swap3A_333 = vector.shape_cast %add3A_327 : vector<16xi32> to vector<1x16xi32>
      tpu.vector_store %arg8[%swap3A_329, %swap3A_330], %swap3A_333 {strides = array<i32>} : memref<5x128xi32, #tpu.memory_space<vmem>>, vector<1x16xi32>,
      %add3A_334 = arith.constant 96 : i32
      %add3A_335 = arith.addi %min3A_274, %add3A_334 : i32
      %add3A_336 = vector.broadcast %add3A_335 : i32 to vector<16xi32>
      %add3A_337 = arith.addi %add3A_336, %iota3A : vector<16xi32>
      %swap3A_338 = arith.constant 2 : i32
      %swap3A_339 = arith.index_cast %swap3A_338 : i32 to index
      %swap3A_340 = arith.constant 96 : index
      %swap3A_341 = tpu.vector_load %arg8[%swap3A_339, %swap3A_340] {strides = array<i32>} : memref<5x128xi32, #tpu.memory_space<vmem>>, vector<1x16xi32>,
      %swap3A_342 = vector.shape_cast %swap3A_341 : vector<1x16xi32> to vector<16xi32>
      %swap3A_343 = vector.shape_cast %add3A_337 : vector<16xi32> to vector<1x16xi32>
      tpu.vector_store %arg8[%swap3A_339, %swap3A_340], %swap3A_343 {strides = array<i32>} : memref<5x128xi32, #tpu.memory_space<vmem>>, vector<1x16xi32>,
      %add3A_344 = arith.constant 112 : i32
      %add3A_345 = arith.addi %min3A_274, %add3A_344 : i32
      %add3A_346 = vector.broadcast %add3A_345 : i32 to vector<16xi32>
      %add3A_347 = arith.addi %add3A_346, %iota3A : vector<16xi32>
      %swap3A_348 = arith.constant 2 : i32
      %swap3A_349 = arith.index_cast %swap3A_348 : i32 to index
      %swap3A_350 = arith.constant 112 : index
      %swap3A_351 = tpu.vector_load %arg8[%swap3A_349, %swap3A_350] {strides = array<i32>} : memref<5x128xi32, #tpu.memory_space<vmem>>, vector<1x16xi32>,
      %swap3A_352 = vector.shape_cast %swap3A_351 : vector<1x16xi32> to vector<16xi32>
      %swap3A_353 = vector.shape_cast %add3A_347 : vector<16xi32> to vector<1x16xi32>
      tpu.vector_store %arg8[%swap3A_349, %swap3A_350], %swap3A_353 {strides = array<i32>} : memref<5x128xi32, #tpu.memory_space<vmem>>, vector<1x16xi32>,
    } else {
    }
    %add3A_156 = arith.constant 48 : i32
    %add3A_157 = arith.addi %arg1, %add3A_156 : i32
    %lt3A_158 = arith.constant 79 : i32
    %lt3A_159 = arith.cmpi slt, %add3A_157, %lt3A_158 : i32
    %convert_element_type3A_160 = arith.extui %lt3A_159 : i1 to i32
    %cond3A_161 = arith.constant 0 : i32
    %cond3A_162 = arith.cmpi ne, %convert_element_type3A_160, %cond3A_161 : i32
    scf.if %cond3A_162 {
      %mul3A_272 = arith.constant 128 : i32
      %mul3A_273 = arith.muli %add3A_157, %mul3A_272 : i32
      %min3A = arith.constant 9872 : i32
      %min3A_274 = arith.minsi %mul3A_273, %min3A : i32
      %add3A_275 = arith.constant 0 : i32
      %add3A_276 = arith.addi %min3A_274, %add3A_275 : i32
      %add3A_277 = vector.broadcast %add3A_276 : i32 to vector<16xi32>
      %add3A_278 = arith.addi %add3A_277, %iota3A : vector<16xi32>
      %swap3A = arith.constant 3 : i32
      %swap3A_279 = arith.index_cast %swap3A : i32 to index
      %swap3A_280 = arith.constant 0 : index
      %swap3A_281 = tpu.vector_load %arg8[%swap3A_279, %swap3A_280] {strides = array<i32>} : memref<5x128xi32, #tpu.memory_space<vmem>>, vector<1x16xi32>,
      %swap3A_282 = vector.shape_cast %swap3A_281 : vector<1x16xi32> to vector<16xi32>
      %swap3A_283 = vector.shape_cast %add3A_278 : vector<16xi32> to vector<1x16xi32>
      tpu.vector_store %arg8[%swap3A_279, %swap3A_280], %swap3A_283 {strides = array<i32>} : memref<5x128xi32, #tpu.memory_space<vmem>>, vector<1x16xi32>,
      %add3A_284 = arith.constant 16 : i32
      %add3A_285 = arith.addi %min3A_274, %add3A_284 : i32
      %add3A_286 = vector.broadcast %add3A_285 : i32 to vector<16xi32>
      %add3A_287 = arith.addi %add3A_286, %iota3A : vector<16xi32>
      %swap3A_288 = arith.constant 3 : i32
      %swap3A_289 = arith.index_cast %swap3A_288 : i32 to index
      %swap3A_290 = arith.constant 16 : index
      %swap3A_291 = tpu.vector_load %arg8[%swap3A_289, %swap3A_290] {strides = array<i32>} : memref<5x128xi32, #tpu.memory_space<vmem>>, vector<1x16xi32>,
      %swap3A_292 = vector.shape_cast %swap3A_291 : vector<1x16xi32> to vector<16xi32>
      %swap3A_293 = vector.shape_cast %add3A_287 : vector<16xi32> to vector<1x16xi32>
      tpu.vector_store %arg8[%swap3A_289, %swap3A_290], %swap3A_293 {strides = array<i32>} : memref<5x128xi32, #tpu.memory_space<vmem>>, vector<1x16xi32>,
      %add3A_294 = arith.constant 32 : i32
      %add3A_295 = arith.addi %min3A_274, %add3A_294 : i32
      %add3A_296 = vector.broadcast %add3A_295 : i32 to vector<16xi32>
      %add3A_297 = arith.addi %add3A_296, %iota3A : vector<16xi32>
      %swap3A_298 = arith.constant 3 : i32
      %swap3A_299 = arith.index_cast %swap3A_298 : i32 to index
      %swap3A_300 = arith.constant 32 : index
      %swap3A_301 = tpu.vector_load %arg8[%swap3A_299, %swap3A_300] {strides = array<i32>} : memref<5x128xi32, #tpu.memory_space<vmem>>, vector<1x16xi32>,
      %swap3A_302 = vector.shape_cast %swap3A_301 : vector<1x16xi32> to vector<16xi32>
      %swap3A_303 = vector.shape_cast %add3A_297 : vector<16xi32> to vector<1x16xi32>
      tpu.vector_store %arg8[%swap3A_299, %swap3A_300], %swap3A_303 {strides = array<i32>} : memref<5x128xi32, #tpu.memory_space<vmem>>, vector<1x16xi32>,
      %add3A_304 = arith.constant 48 : i32
      %add3A_305 = arith.addi %min3A_274, %add3A_304 : i32
      %add3A_306 = vector.broadcast %add3A_305 : i32 to vector<16xi32>
      %add3A_307 = arith.addi %add3A_306, %iota3A : vector<16xi32>
      %swap3A_308 = arith.constant 3 : i32
      %swap3A_309 = arith.index_cast %swap3A_308 : i32 to index
      %swap3A_310 = arith.constant 48 : index
      %swap3A_311 = tpu.vector_load %arg8[%swap3A_309, %swap3A_310] {strides = array<i32>} : memref<5x128xi32, #tpu.memory_space<vmem>>, vector<1x16xi32>,
      %swap3A_312 = vector.shape_cast %swap3A_311 : vector<1x16xi32> to vector<16xi32>
      %swap3A_313 = vector.shape_cast %add3A_307 : vector<16xi32> to vector<1x16xi32>
      tpu.vector_store %arg8[%swap3A_309, %swap3A_310], %swap3A_313 {strides = array<i32>} : memref<5x128xi32, #tpu.memory_space<vmem>>, vector<1x16xi32>,
      %add3A_314 = arith.constant 64 : i32
      %add3A_315 = arith.addi %min3A_274, %add3A_314 : i32
      %add3A_316 = vector.broadcast %add3A_315 : i32 to vector<16xi32>
      %add3A_317 = arith.addi %add3A_316, %iota3A : vector<16xi32>
      %swap3A_318 = arith.constant 3 : i32
      %swap3A_319 = arith.index_cast %swap3A_318 : i32 to index
      %swap3A_320 = arith.constant 64 : index
      %swap3A_321 = tpu.vector_load %arg8[%swap3A_319, %swap3A_320] {strides = array<i32>} : memref<5x128xi32, #tpu.memory_space<vmem>>, vector<1x16xi32>,
      %swap3A_322 = vector.shape_cast %swap3A_321 : vector<1x16xi32> to vector<16xi32>
      %swap3A_323 = vector.shape_cast %add3A_317 : vector<16xi32> to vector<1x16xi32>
      tpu.vector_store %arg8[%swap3A_319, %swap3A_320], %swap3A_323 {strides = array<i32>} : memref<5x128xi32, #tpu.memory_space<vmem>>, vector<1x16xi32>,
      %add3A_324 = arith.constant 80 : i32
      %add3A_325 = arith.addi %min3A_274, %add3A_324 : i32
      %add3A_326 = vector.broadcast %add3A_325 : i32 to vector<16xi32>
      %add3A_327 = arith.addi %add3A_326, %iota3A : vector<16xi32>
      %swap3A_328 = arith.constant 3 : i32
      %swap3A_329 = arith.index_cast %swap3A_328 : i32 to index
      %swap3A_330 = arith.constant 80 : index
      %swap3A_331 = tpu.vector_load %arg8[%swap3A_329, %swap3A_330] {strides = array<i32>} : memref<5x128xi32, #tpu.memory_space<vmem>>, vector<1x16xi32>,
      %swap3A_332 = vector.shape_cast %swap3A_331 : vector<1x16xi32> to vector<16xi32>
      %swap3A_333 = vector.shape_cast %add3A_327 : vector<16xi32> to vector<1x16xi32>
      tpu.vector_store %arg8[%swap3A_329, %swap3A_330], %swap3A_333 {strides = array<i32>} : memref<5x128xi32, #tpu.memory_space<vmem>>, vector<1x16xi32>,
      %add3A_334 = arith.constant 96 : i32
      %add3A_335 = arith.addi %min3A_274, %add3A_334 : i32
      %add3A_336 = vector.broadcast %add3A_335 : i32 to vector<16xi32>
      %add3A_337 = arith.addi %add3A_336, %iota3A : vector<16xi32>
      %swap3A_338 = arith.constant 3 : i32
      %swap3A_339 = arith.index_cast %swap3A_338 : i32 to index
      %swap3A_340 = arith.constant 96 : index
      %swap3A_341 = tpu.vector_load %arg8[%swap3A_339, %swap3A_340] {strides = array<i32>} : memref<5x128xi32, #tpu.memory_space<vmem>>, vector<1x16xi32>,
      %swap3A_342 = vector.shape_cast %swap3A_341 : vector<1x16xi32> to vector<16xi32>
      %swap3A_343 = vector.shape_cast %add3A_337 : vector<16xi32> to vector<1x16xi32>
      tpu.vector_store %arg8[%swap3A_339, %swap3A_340], %swap3A_343 {strides = array<i32>} : memref<5x128xi32, #tpu.memory_space<vmem>>, vector<1x16xi32>,
      %add3A_344 = arith.constant 112 : i32
      %add3A_345 = arith.addi %min3A_274, %add3A_344 : i32
      %add3A_346 = vector.broadcast %add3A_345 : i32 to vector<16xi32>
      %add3A_347 = arith.addi %add3A_346, %iota3A : vector<16xi32>
      %swap3A_348 = arith.constant 3 : i32
      %swap3A_349 = arith.index_cast %swap3A_348 : i32 to index
      %swap3A_350 = arith.constant 112 : index
      %swap3A_351 = tpu.vector_load %arg8[%swap3A_349, %swap3A_350] {strides = array<i32>} : memref<5x128xi32, #tpu.memory_space<vmem>>, vector<1x16xi32>,
      %swap3A_352 = vector.shape_cast %swap3A_351 : vector<1x16xi32> to vector<16xi32>
      %swap3A_353 = vector.shape_cast %add3A_347 : vector<16xi32> to vector<1x16xi32>
      tpu.vector_store %arg8[%swap3A_349, %swap3A_350], %swap3A_353 {strides = array<i32>} : memref<5x128xi32, #tpu.memory_space<vmem>>, vector<1x16xi32>,
    } else {
    }
    %add3A_163 = arith.constant 64 : i32
    %add3A_164 = arith.addi %arg1, %add3A_163 : i32
    %lt3A_165 = arith.constant 79 : i32
    %lt3A_166 = arith.cmpi slt, %add3A_164, %lt3A_165 : i32
    %convert_element_type3A_167 = arith.extui %lt3A_166 : i1 to i32
    %cond3A_168 = arith.constant 0 : i32
    %cond3A_169 = arith.cmpi ne, %convert_element_type3A_167, %cond3A_168 : i32
    scf.if %cond3A_169 {
      %mul3A_272 = arith.constant 128 : i32
      %mul3A_273 = arith.muli %add3A_164, %mul3A_272 : i32
      %min3A = arith.constant 9872 : i32
      %min3A_274 = arith.minsi %mul3A_273, %min3A : i32
      %add3A_275 = arith.constant 0 : i32
      %add3A_276 = arith.addi %min3A_274, %add3A_275 : i32
      %add3A_277 = vector.broadcast %add3A_276 : i32 to vector<16xi32>
      %add3A_278 = arith.addi %add3A_277, %iota3A : vector<16xi32>
      %swap3A = arith.constant 4 : i32
      %swap3A_279 = arith.index_cast %swap3A : i32 to index
      %swap3A_280 = arith.constant 0 : index
      %swap3A_281 = tpu.vector_load %arg8[%swap3A_279, %swap3A_280] {strides = array<i32>} : memref<5x128xi32, #tpu.memory_space<vmem>>, vector<1x16xi32>,
      %swap3A_282 = vector.shape_cast %swap3A_281 : vector<1x16xi32> to vector<16xi32>
      %swap3A_283 = vector.shape_cast %add3A_278 : vector<16xi32> to vector<1x16xi32>
      tpu.vector_store %arg8[%swap3A_279, %swap3A_280], %swap3A_283 {strides = array<i32>} : memref<5x128xi32, #tpu.memory_space<vmem>>, vector<1x16xi32>,
      %add3A_284 = arith.constant 16 : i32
      %add3A_285 = arith.addi %min3A_274, %add3A_284 : i32
      %add3A_286 = vector.broadcast %add3A_285 : i32 to vector<16xi32>
      %add3A_287 = arith.addi %add3A_286, %iota3A : vector<16xi32>
      %swap3A_288 = arith.constant 4 : i32
      %swap3A_289 = arith.index_cast %swap3A_288 : i32 to index
      %swap3A_290 = arith.constant 16 : index
      %swap3A_291 = tpu.vector_load %arg8[%swap3A_289, %swap3A_290] {strides = array<i32>} : memref<5x128xi32, #tpu.memory_space<vmem>>, vector<1x16xi32>,
      %swap3A_292 = vector.shape_cast %swap3A_291 : vector<1x16xi32> to vector<16xi32>
      %swap3A_293 = vector.shape_cast %add3A_287 : vector<16xi32> to vector<1x16xi32>
      tpu.vector_store %arg8[%swap3A_289, %swap3A_290], %swap3A_293 {strides = array<i32>} : memref<5x128xi32, #tpu.memory_space<vmem>>, vector<1x16xi32>,
      %add3A_294 = arith.constant 32 : i32
      %add3A_295 = arith.addi %min3A_274, %add3A_294 : i32
      %add3A_296 = vector.broadcast %add3A_295 : i32 to vector<16xi32>
      %add3A_297 = arith.addi %add3A_296, %iota3A : vector<16xi32>
      %swap3A_298 = arith.constant 4 : i32
      %swap3A_299 = arith.index_cast %swap3A_298 : i32 to index
      %swap3A_300 = arith.constant 32 : index
      %swap3A_301 = tpu.vector_load %arg8[%swap3A_299, %swap3A_300] {strides = array<i32>} : memref<5x128xi32, #tpu.memory_space<vmem>>, vector<1x16xi32>,
      %swap3A_302 = vector.shape_cast %swap3A_301 : vector<1x16xi32> to vector<16xi32>
      %swap3A_303 = vector.shape_cast %add3A_297 : vector<16xi32> to vector<1x16xi32>
      tpu.vector_store %arg8[%swap3A_299, %swap3A_300], %swap3A_303 {strides = array<i32>} : memref<5x128xi32, #tpu.memory_space<vmem>>, vector<1x16xi32>,
      %add3A_304 = arith.constant 48 : i32
      %add3A_305 = arith.addi %min3A_274, %add3A_304 : i32
      %add3A_306 = vector.broadcast %add3A_305 : i32 to vector<16xi32>
      %add3A_307 = arith.addi %add3A_306, %iota3A : vector<16xi32>
      %swap3A_308 = arith.constant 4 : i32
      %swap3A_309 = arith.index_cast %swap3A_308 : i32 to index
      %swap3A_310 = arith.constant 48 : index
      %swap3A_311 = tpu.vector_load %arg8[%swap3A_309, %swap3A_310] {strides = array<i32>} : memref<5x128xi32, #tpu.memory_space<vmem>>, vector<1x16xi32>,
      %swap3A_312 = vector.shape_cast %swap3A_311 : vector<1x16xi32> to vector<16xi32>
      %swap3A_313 = vector.shape_cast %add3A_307 : vector<16xi32> to vector<1x16xi32>
      tpu.vector_store %arg8[%swap3A_309, %swap3A_310], %swap3A_313 {strides = array<i32>} : memref<5x128xi32, #tpu.memory_space<vmem>>, vector<1x16xi32>,
      %add3A_314 = arith.constant 64 : i32
      %add3A_315 = arith.addi %min3A_274, %add3A_314 : i32
      %add3A_316 = vector.broadcast %add3A_315 : i32 to vector<16xi32>
      %add3A_317 = arith.addi %add3A_316, %iota3A : vector<16xi32>
      %swap3A_318 = arith.constant 4 : i32
      %swap3A_319 = arith.index_cast %swap3A_318 : i32 to index
      %swap3A_320 = arith.constant 64 : index
      %swap3A_321 = tpu.vector_load %arg8[%swap3A_319, %swap3A_320] {strides = array<i32>} : memref<5x128xi32, #tpu.memory_space<vmem>>, vector<1x16xi32>,
      %swap3A_322 = vector.shape_cast %swap3A_321 : vector<1x16xi32> to vector<16xi32>
      %swap3A_323 = vector.shape_cast %add3A_317 : vector<16xi32> to vector<1x16xi32>
      tpu.vector_store %arg8[%swap3A_319, %swap3A_320], %swap3A_323 {strides = array<i32>} : memref<5x128xi32, #tpu.memory_space<vmem>>, vector<1x16xi32>,
      %add3A_324 = arith.constant 80 : i32
      %add3A_325 = arith.addi %min3A_274, %add3A_324 : i32
      %add3A_326 = vector.broadcast %add3A_325 : i32 to vector<16xi32>
      %add3A_327 = arith.addi %add3A_326, %iota3A : vector<16xi32>
      %swap3A_328 = arith.constant 4 : i32
      %swap3A_329 = arith.index_cast %swap3A_328 : i32 to index
      %swap3A_330 = arith.constant 80 : index
      %swap3A_331 = tpu.vector_load %arg8[%swap3A_329, %swap3A_330] {strides = array<i32>} : memref<5x128xi32, #tpu.memory_space<vmem>>, vector<1x16xi32>,
      %swap3A_332 = vector.shape_cast %swap3A_331 : vector<1x16xi32> to vector<16xi32>
      %swap3A_333 = vector.shape_cast %add3A_327 : vector<16xi32> to vector<1x16xi32>
      tpu.vector_store %arg8[%swap3A_329, %swap3A_330], %swap3A_333 {strides = array<i32>} : memref<5x128xi32, #tpu.memory_space<vmem>>, vector<1x16xi32>,
      %add3A_334 = arith.constant 96 : i32
      %add3A_335 = arith.addi %min3A_274, %add3A_334 : i32
      %add3A_336 = vector.broadcast %add3A_335 : i32 to vector<16xi32>
      %add3A_337 = arith.addi %add3A_336, %iota3A : vector<16xi32>
      %swap3A_338 = arith.constant 4 : i32
      %swap3A_339 = arith.index_cast %swap3A_338 : i32 to index
      %swap3A_340 = arith.constant 96 : index
      %swap3A_341 = tpu.vector_load %arg8[%swap3A_339, %swap3A_340] {strides = array<i32>} : memref<5x128xi32, #tpu.memory_space<vmem>>, vector<1x16xi32>,
      %swap3A_342 = vector.shape_cast %swap3A_341 : vector<1x16xi32> to vector<16xi32>
      %swap3A_343 = vector.shape_cast %add3A_337 : vector<16xi32> to vector<1x16xi32>
      tpu.vector_store %arg8[%swap3A_339, %swap3A_340], %swap3A_343 {strides = array<i32>} : memref<5x128xi32, #tpu.memory_space<vmem>>, vector<1x16xi32>,
      %add3A_344 = arith.constant 112 : i32
      %add3A_345 = arith.addi %min3A_274, %add3A_344 : i32
      %add3A_346 = vector.broadcast %add3A_345 : i32 to vector<16xi32>
      %add3A_347 = arith.addi %add3A_346, %iota3A : vector<16xi32>
      %swap3A_348 = arith.constant 4 : i32
      %swap3A_349 = arith.index_cast %swap3A_348 : i32 to index
      %swap3A_350 = arith.constant 112 : index
      %swap3A_351 = tpu.vector_load %arg8[%swap3A_349, %swap3A_350] {strides = array<i32>} : memref<5x128xi32, #tpu.memory_space<vmem>>, vector<1x16xi32>,
      %swap3A_352 = vector.shape_cast %swap3A_351 : vector<1x16xi32> to vector<16xi32>
      %swap3A_353 = vector.shape_cast %add3A_347 : vector<16xi32> to vector<1x16xi32>
      tpu.vector_store %arg8[%swap3A_349, %swap3A_350], %swap3A_353 {strides = array<i32>} : memref<5x128xi32, #tpu.memory_space<vmem>>, vector<1x16xi32>,
    } else {
    }
    %add3A_170 = arith.constant 0 : i32
    %add3A_171 = arith.addi %arg1, %add3A_170 : i32
    %lt3A_172 = arith.constant 79 : i32
    %lt3A_173 = arith.cmpi slt, %add3A_171, %lt3A_172 : i32
    %convert_element_type3A_174 = arith.extui %lt3A_173 : i1 to i32
    %cond3A_175 = arith.constant 0 : i32
    %cond3A_176 = arith.cmpi ne, %convert_element_type3A_174, %cond3A_175 : i32
    scf.if %cond3A_176 {
      %mul3A_272 = arith.constant 128 : i32
      %mul3A_273 = arith.muli %add3A_171, %mul3A_272 : i32
      %min3A = arith.constant 9872 : i32
      %min3A_274 = arith.minsi %mul3A_273, %min3A : i32
      %dma_start3A_275 = arith.constant 0 : i32
      %dma_start3A_276 = arith.constant 0 : i32
      %dma_start3A_277 = tpu.memref_slice %arg8[%dma_start3A_275, %dma_start3A_276] : memref<5x128xi32, #tpu.memory_space<vmem>> -> memref<1x128xi32, #tpu.memory_space<vmem>>
      %dma_start3A_278 = tpu.memref_squeeze %dma_start3A_277 : memref<1x128xi32, #tpu.memory_space<vmem>> -> memref<128xi32, #tpu.memory_space<vmem>>
      %dma_start3A_279 = arith.constant 0 : i32
      %dma_start3A_280 = arith.constant 0 : i32
      %dma_start3A_281 = tpu.memref_slice %arg12[%dma_start3A_279, %dma_start3A_280] : memref<10000x128xf32, #tpu.memory_space<vmem_shared>> -> memref<10000x128xf32, #tpu.memory_space<vmem_shared>>
      tpu.enqueue_indirect_dma source(%dma_start3A_281 : memref<10000x128xf32, #tpu.memory_space<vmem_shared>>) target(%arg6 : memref<128x128xf32, #tpu.memory_space<vmem>>) offsets(%dma_start3A_278 : memref<128xi32, #tpu.memory_space<vmem>>) semaphore(%arg14 : memref<!tpu.dma_semaphore, #tpu.memory_space<semaphore_mem>>)
      %dma_start3A_282 = arith.constant 0 : i32
      %dma_start3A_283 = arith.constant 0 : i32
      %dma_start3A_284 = tpu.memref_slice %arg8[%dma_start3A_282, %dma_start3A_283] : memref<5x128xi32, #tpu.memory_space<vmem>> -> memref<1x128xi32, #tpu.memory_space<vmem>>
      %dma_start3A_285 = tpu.memref_squeeze %dma_start3A_284 : memref<1x128xi32, #tpu.memory_space<vmem>> -> memref<128xi32, #tpu.memory_space<vmem>>
      %dma_start3A_286 = arith.constant 0 : i32
      %dma_start3A_287 = arith.constant 0 : i32
      %dma_start3A_288 = tpu.memref_slice %arg13[%dma_start3A_286, %dma_start3A_287] : memref<10000x16xf32, #tpu.memory_space<vmem_shared>> -> memref<10000x16xf32, #tpu.memory_space<vmem_shared>>
      tpu.enqueue_indirect_dma source(%dma_start3A_288 : memref<10000x16xf32, #tpu.memory_space<vmem_shared>>) target(%arg11 : memref<128x16xf32, #tpu.memory_space<vmem>>) offsets(%dma_start3A_285 : memref<128xi32, #tpu.memory_space<vmem>>) semaphore(%arg18 : memref<!tpu.dma_semaphore, #tpu.memory_space<semaphore_mem>>)
      %dma_wait3A_289 = arith.constant 0 : i32
      %dma_wait3A_290 = arith.constant 0 : i32
      %dma_wait3A_291 = tpu.memref_slice %arg8[%dma_wait3A_289, %dma_wait3A_290] : memref<5x128xi32, #tpu.memory_space<vmem>> -> memref<1x128xi32, #tpu.memory_space<vmem>>
      %dma_wait3A_292 = tpu.memref_squeeze %dma_wait3A_291 : memref<1x128xi32, #tpu.memory_space<vmem>> -> memref<128xi32, #tpu.memory_space<vmem>>
      %dma_wait3A_293 = arith.constant 0 : i32
      %dma_wait3A_294 = arith.constant 0 : i32
      %dma_wait3A_295 = tpu.memref_slice %arg12[%dma_wait3A_293, %dma_wait3A_294] : memref<10000x128xf32, #tpu.memory_space<vmem_shared>> -> memref<10000x128xf32, #tpu.memory_space<vmem_shared>>
      tpu.wait_indirect_dma semaphore(%arg14 : memref<!tpu.dma_semaphore, #tpu.memory_space<semaphore_mem>>) src(%dma_wait3A_295 : memref<10000x128xf32, #tpu.memory_space<vmem_shared>>) dst(%arg6 : memref<128x128xf32, #tpu.memory_space<vmem>>)
      %dma_start3A_296 = arith.constant 0 : i32
      %dma_start3A_297 = tpu.memref_slice %arg4[%arg0, %min3A_274, %dma_start3A_296] : memref<2x10000x128xf32, #tpu.memory_space<hbm>> -> memref<1x128x128xf32, #tpu.memory_space<hbm>>
      %dma_start3A_298 = tpu.memref_squeeze %dma_start3A_297 : memref<1x128x128xf32, #tpu.memory_space<hbm>> -> memref<128x128xf32, #tpu.memory_space<hbm>>
      %dma_start3A_299 = arith.constant 0 : i32
      %dma_start3A_300 = tpu.memref_slice %arg4[%arg0, %min3A_274, %dma_start3A_299] : memref<2x10000x128xf32, #tpu.memory_space<hbm>> -> memref<1x128x128xf32, #tpu.memory_space<hbm>>
      %dma_start3A_301 = tpu.memref_squeeze %dma_start3A_300 : memref<1x128x128xf32, #tpu.memory_space<hbm>> -> memref<128x128xf32, #tpu.memory_space<hbm>>
      tpu.enqueue_dma source(%arg6 : memref<128x128xf32, #tpu.memory_space<vmem>>) target(%dma_start3A_301 : memref<128x128xf32, #tpu.memory_space<hbm>>) target_semaphore(%arg14 : memref<!tpu.dma_semaphore, #tpu.memory_space<semaphore_mem>>)
      %dma_wait3A_302 = arith.constant 0 : i32
      %dma_wait3A_303 = arith.constant 0 : i32
      %dma_wait3A_304 = tpu.memref_slice %arg8[%dma_wait3A_302, %dma_wait3A_303] : memref<5x128xi32, #tpu.memory_space<vmem>> -> memref<1x128xi32, #tpu.memory_space<vmem>>
      %dma_wait3A_305 = tpu.memref_squeeze %dma_wait3A_304 : memref<1x128xi32, #tpu.memory_space<vmem>> -> memref<128xi32, #tpu.memory_space<vmem>>
      %dma_wait3A_306 = arith.constant 0 : i32
      %dma_wait3A_307 = arith.constant 0 : i32
      %dma_wait3A_308 = tpu.memref_slice %arg13[%dma_wait3A_306, %dma_wait3A_307] : memref<10000x16xf32, #tpu.memory_space<vmem_shared>> -> memref<10000x16xf32, #tpu.memory_space<vmem_shared>>
      tpu.wait_indirect_dma semaphore(%arg18 : memref<!tpu.dma_semaphore, #tpu.memory_space<semaphore_mem>>) src(%dma_wait3A_308 : memref<10000x16xf32, #tpu.memory_space<vmem_shared>>) dst(%arg11 : memref<128x16xf32, #tpu.memory_space<vmem>>)
      %dma_start3A_309 = arith.constant 0 : i32
      %dma_start3A_310 = tpu.memref_slice %arg5[%arg0, %min3A_274, %dma_start3A_309] : memref<2x10000x16xf32, #tpu.memory_space<hbm>> -> memref<1x128x16xf32, #tpu.memory_space<hbm>>
      %dma_start3A_311 = tpu.memref_squeeze %dma_start3A_310 : memref<1x128x16xf32, #tpu.memory_space<hbm>> -> memref<128x16xf32, #tpu.memory_space<hbm>>
      %dma_start3A_312 = arith.constant 0 : i32
      %dma_start3A_313 = tpu.memref_slice %arg5[%arg0, %min3A_274, %dma_start3A_312] : memref<2x10000x16xf32, #tpu.memory_space<hbm>> -> memref<1x128x16xf32, #tpu.memory_space<hbm>>
      %dma_start3A_314 = tpu.memref_squeeze %dma_start3A_313 : memref<1x128x16xf32, #tpu.memory_space<hbm>> -> memref<128x16xf32, #tpu.memory_space<hbm>>
      tpu.enqueue_dma source(%arg11 : memref<128x16xf32, #tpu.memory_space<vmem>>) target(%dma_start3A_314 : memref<128x16xf32, #tpu.memory_space<hbm>>) target_semaphore(%arg18 : memref<!tpu.dma_semaphore, #tpu.memory_space<semaphore_mem>>)
    } else {
    }
    %add3A_177 = arith.constant 16 : i32
    %add3A_178 = arith.addi %arg1, %add3A_177 : i32
    %lt3A_179 = arith.constant 79 : i32
    %lt3A_180 = arith.cmpi slt, %add3A_178, %lt3A_179 : i32
    %convert_element_type3A_181 = arith.extui %lt3A_180 : i1 to i32
    %cond3A_182 = arith.constant 0 : i32
    %cond3A_183 = arith.cmpi ne, %convert_element_type3A_181, %cond3A_182 : i32
    scf.if %cond3A_183 {
      %mul3A_272 = arith.constant 128 : i32
      %mul3A_273 = arith.muli %add3A_178, %mul3A_272 : i32
      %min3A = arith.constant 9872 : i32
      %min3A_274 = arith.minsi %mul3A_273, %min3A : i32
      %dma_start3A_275 = arith.constant 1 : i32
      %dma_start3A_276 = arith.constant 0 : i32
      %dma_start3A_277 = tpu.memref_slice %arg8[%dma_start3A_275, %dma_start3A_276] : memref<5x128xi32, #tpu.memory_space<vmem>> -> memref<1x128xi32, #tpu.memory_space<vmem>>
      %dma_start3A_278 = tpu.memref_squeeze %dma_start3A_277 : memref<1x128xi32, #tpu.memory_space<vmem>> -> memref<128xi32, #tpu.memory_space<vmem>>
      %dma_start3A_279 = arith.constant 0 : i32
      %dma_start3A_280 = arith.constant 0 : i32
      %dma_start3A_281 = tpu.memref_slice %arg12[%dma_start3A_279, %dma_start3A_280] : memref<10000x128xf32, #tpu.memory_space<vmem_shared>> -> memref<10000x128xf32, #tpu.memory_space<vmem_shared>>
      tpu.enqueue_indirect_dma source(%dma_start3A_281 : memref<10000x128xf32, #tpu.memory_space<vmem_shared>>) target(%arg7 : memref<128x128xf32, #tpu.memory_space<vmem>>) offsets(%dma_start3A_278 : memref<128xi32, #tpu.memory_space<vmem>>) semaphore(%arg15 : memref<!tpu.dma_semaphore, #tpu.memory_space<semaphore_mem>>)
      %dma_start3A_282 = arith.constant 1 : i32
      %dma_start3A_283 = arith.constant 0 : i32
      %dma_start3A_284 = tpu.memref_slice %arg8[%dma_start3A_282, %dma_start3A_283] : memref<5x128xi32, #tpu.memory_space<vmem>> -> memref<1x128xi32, #tpu.memory_space<vmem>>
      %dma_start3A_285 = tpu.memref_squeeze %dma_start3A_284 : memref<1x128xi32, #tpu.memory_space<vmem>> -> memref<128xi32, #tpu.memory_space<vmem>>
      %dma_start3A_286 = arith.constant 0 : i32
      %dma_start3A_287 = arith.constant 0 : i32
      %dma_start3A_288 = tpu.memref_slice %arg13[%dma_start3A_286, %dma_start3A_287] : memref<10000x16xf32, #tpu.memory_space<vmem_shared>> -> memref<10000x16xf32, #tpu.memory_space<vmem_shared>>
      tpu.enqueue_indirect_dma source(%dma_start3A_288 : memref<10000x16xf32, #tpu.memory_space<vmem_shared>>) target(%arg10 : memref<128x16xf32, #tpu.memory_space<vmem>>) offsets(%dma_start3A_285 : memref<128xi32, #tpu.memory_space<vmem>>) semaphore(%arg19 : memref<!tpu.dma_semaphore, #tpu.memory_space<semaphore_mem>>)
      %dma_wait3A_289 = arith.constant 1 : i32
      %dma_wait3A_290 = arith.constant 0 : i32
      %dma_wait3A_291 = tpu.memref_slice %arg8[%dma_wait3A_289, %dma_wait3A_290] : memref<5x128xi32, #tpu.memory_space<vmem>> -> memref<1x128xi32, #tpu.memory_space<vmem>>
      %dma_wait3A_292 = tpu.memref_squeeze %dma_wait3A_291 : memref<1x128xi32, #tpu.memory_space<vmem>> -> memref<128xi32, #tpu.memory_space<vmem>>
      %dma_wait3A_293 = arith.constant 0 : i32
      %dma_wait3A_294 = arith.constant 0 : i32
      %dma_wait3A_295 = tpu.memref_slice %arg12[%dma_wait3A_293, %dma_wait3A_294] : memref<10000x128xf32, #tpu.memory_space<vmem_shared>> -> memref<10000x128xf32, #tpu.memory_space<vmem_shared>>
      tpu.wait_indirect_dma semaphore(%arg15 : memref<!tpu.dma_semaphore, #tpu.memory_space<semaphore_mem>>) src(%dma_wait3A_295 : memref<10000x128xf32, #tpu.memory_space<vmem_shared>>) dst(%arg7 : memref<128x128xf32, #tpu.memory_space<vmem>>)
      %dma_start3A_296 = arith.constant 0 : i32
      %dma_start3A_297 = tpu.memref_slice %arg4[%arg0, %min3A_274, %dma_start3A_296] : memref<2x10000x128xf32, #tpu.memory_space<hbm>> -> memref<1x128x128xf32, #tpu.memory_space<hbm>>
      %dma_start3A_298 = tpu.memref_squeeze %dma_start3A_297 : memref<1x128x128xf32, #tpu.memory_space<hbm>> -> memref<128x128xf32, #tpu.memory_space<hbm>>
      %dma_start3A_299 = arith.constant 0 : i32
      %dma_start3A_300 = tpu.memref_slice %arg4[%arg0, %min3A_274, %dma_start3A_299] : memref<2x10000x128xf32, #tpu.memory_space<hbm>> -> memref<1x128x128xf32, #tpu.memory_space<hbm>>
      %dma_start3A_301 = tpu.memref_squeeze %dma_start3A_300 : memref<1x128x128xf32, #tpu.memory_space<hbm>> -> memref<128x128xf32, #tpu.memory_space<hbm>>
      tpu.enqueue_dma source(%arg7 : memref<128x128xf32, #tpu.memory_space<vmem>>) target(%dma_start3A_301 : memref<128x128xf32, #tpu.memory_space<hbm>>) target_semaphore(%arg15 : memref<!tpu.dma_semaphore, #tpu.memory_space<semaphore_mem>>)
      %dma_wait3A_302 = arith.constant 1 : i32
      %dma_wait3A_303 = arith.constant 0 : i32
      %dma_wait3A_304 = tpu.memref_slice %arg8[%dma_wait3A_302, %dma_wait3A_303] : memref<5x128xi32, #tpu.memory_space<vmem>> -> memref<1x128xi32, #tpu.memory_space<vmem>>
      %dma_wait3A_305 = tpu.memref_squeeze %dma_wait3A_304 : memref<1x128xi32, #tpu.memory_space<vmem>> -> memref<128xi32, #tpu.memory_space<vmem>>
      %dma_wait3A_306 = arith.constant 0 : i32
      %dma_wait3A_307 = arith.constant 0 : i32
      %dma_wait3A_308 = tpu.memref_slice %arg13[%dma_wait3A_306, %dma_wait3A_307] : memref<10000x16xf32, #tpu.memory_space<vmem_shared>> -> memref<10000x16xf32, #tpu.memory_space<vmem_shared>>
      tpu.wait_indirect_dma semaphore(%arg19 : memref<!tpu.dma_semaphore, #tpu.memory_space<semaphore_mem>>) src(%dma_wait3A_308 : memref<10000x16xf32, #tpu.memory_space<vmem_shared>>) dst(%arg10 : memref<128x16xf32, #tpu.memory_space<vmem>>)
      %dma_start3A_309 = arith.constant 0 : i32
      %dma_start3A_310 = tpu.memref_slice %arg5[%arg0, %min3A_274, %dma_start3A_309] : memref<2x10000x16xf32, #tpu.memory_space<hbm>> -> memref<1x128x16xf32, #tpu.memory_space<hbm>>
      %dma_start3A_311 = tpu.memref_squeeze %dma_start3A_310 : memref<1x128x16xf32, #tpu.memory_space<hbm>> -> memref<128x16xf32, #tpu.memory_space<hbm>>
      %dma_start3A_312 = arith.constant 0 : i32
      %dma_start3A_313 = tpu.memref_slice %arg5[%arg0, %min3A_274, %dma_start3A_312] : memref<2x10000x16xf32, #tpu.memory_space<hbm>> -> memref<1x128x16xf32, #tpu.memory_space<hbm>>
      %dma_start3A_314 = tpu.memref_squeeze %dma_start3A_313 : memref<1x128x16xf32, #tpu.memory_space<hbm>> -> memref<128x16xf32, #tpu.memory_space<hbm>>
      tpu.enqueue_dma source(%arg10 : memref<128x16xf32, #tpu.memory_space<vmem>>) target(%dma_start3A_314 : memref<128x16xf32, #tpu.memory_space<hbm>>) target_semaphore(%arg19 : memref<!tpu.dma_semaphore, #tpu.memory_space<semaphore_mem>>)
    } else {
    }
    %add3A_184 = arith.constant 32 : i32
    %add3A_185 = arith.addi %arg1, %add3A_184 : i32
    %lt3A_186 = arith.constant 79 : i32
    %lt3A_187 = arith.cmpi slt, %add3A_185, %lt3A_186 : i32
    %convert_element_type3A_188 = arith.extui %lt3A_187 : i1 to i32
    %cond3A_189 = arith.constant 0 : i32
    %cond3A_190 = arith.cmpi ne, %convert_element_type3A_188, %cond3A_189 : i32
    scf.if %cond3A_190 {
      %mul3A_272 = arith.constant 128 : i32
      %mul3A_273 = arith.muli %add3A_185, %mul3A_272 : i32
      %min3A = arith.constant 9872 : i32
      %min3A_274 = arith.minsi %mul3A_273, %min3A : i32
      %add3A_275 = arith.constant 0 : i32
      %add3A_276 = arith.addi %arg1, %add3A_275 : i32
      %mul3A_277 = arith.constant 128 : i32
      %mul3A_278 = arith.muli %add3A_276, %mul3A_277 : i32
      %min3A_279 = arith.constant 9872 : i32
      %min3A_280 = arith.minsi %mul3A_278, %min3A_279 : i32
      %dma_wait3A_281 = arith.constant 0 : i32
      %dma_wait3A_282 = tpu.memref_slice %arg4[%arg0, %min3A_280, %dma_wait3A_281] : memref<2x10000x128xf32, #tpu.memory_space<hbm>> -> memref<1x128x128xf32, #tpu.memory_space<hbm>>
      %dma_wait3A_283 = tpu.memref_squeeze %dma_wait3A_282 : memref<1x128x128xf32, #tpu.memory_space<hbm>> -> memref<128x128xf32, #tpu.memory_space<hbm>>
      %dma_wait3A_284 = arith.constant 0 : i32
      %dma_wait3A_285 = tpu.memref_slice %arg4[%arg0, %min3A_280, %dma_wait3A_284] : memref<2x10000x128xf32, #tpu.memory_space<hbm>> -> memref<1x128x128xf32, #tpu.memory_space<hbm>>
      %dma_wait3A_286 = tpu.memref_squeeze %dma_wait3A_285 : memref<1x128x128xf32, #tpu.memory_space<hbm>> -> memref<128x128xf32, #tpu.memory_space<hbm>>
      tpu.wait_dma2 semaphore(%arg14 : memref<!tpu.dma_semaphore, #tpu.memory_space<semaphore_mem>>) src(%arg6 : memref<128x128xf32, #tpu.memory_space<vmem>>) dst(%dma_wait3A_286 : memref<128x128xf32, #tpu.memory_space<hbm>>)
      %dma_wait3A_287 = arith.constant 0 : i32
      %dma_wait3A_288 = tpu.memref_slice %arg5[%arg0, %min3A_280, %dma_wait3A_287] : memref<2x10000x16xf32, #tpu.memory_space<hbm>> -> memref<1x128x16xf32, #tpu.memory_space<hbm>>
      %dma_wait3A_289 = tpu.memref_squeeze %dma_wait3A_288 : memref<1x128x16xf32, #tpu.memory_space<hbm>> -> memref<128x16xf32, #tpu.memory_space<hbm>>
      %dma_wait3A_290 = arith.constant 0 : i32
      %dma_wait3A_291 = tpu.memref_slice %arg5[%arg0, %min3A_280, %dma_wait3A_290] : memref<2x10000x16xf32, #tpu.memory_space<hbm>> -> memref<1x128x16xf32, #tpu.memory_space<hbm>>
      %dma_wait3A_292 = tpu.memref_squeeze %dma_wait3A_291 : memref<1x128x16xf32, #tpu.memory_space<hbm>> -> memref<128x16xf32, #tpu.memory_space<hbm>>
      tpu.wait_dma2 semaphore(%arg18 : memref<!tpu.dma_semaphore, #tpu.memory_space<semaphore_mem>>) src(%arg11 : memref<128x16xf32, #tpu.memory_space<vmem>>) dst(%dma_wait3A_292 : memref<128x16xf32, #tpu.memory_space<hbm>>)
      %dma_start3A_293 = arith.constant 2 : i32
      %dma_start3A_294 = arith.constant 0 : i32
      %dma_start3A_295 = tpu.memref_slice %arg8[%dma_start3A_293, %dma_start3A_294] : memref<5x128xi32, #tpu.memory_space<vmem>> -> memref<1x128xi32, #tpu.memory_space<vmem>>
      %dma_start3A_296 = tpu.memref_squeeze %dma_start3A_295 : memref<1x128xi32, #tpu.memory_space<vmem>> -> memref<128xi32, #tpu.memory_space<vmem>>
      %dma_start3A_297 = arith.constant 0 : i32
      %dma_start3A_298 = arith.constant 0 : i32
      %dma_start3A_299 = tpu.memref_slice %arg12[%dma_start3A_297, %dma_start3A_298] : memref<10000x128xf32, #tpu.memory_space<vmem_shared>> -> memref<10000x128xf32, #tpu.memory_space<vmem_shared>>
      tpu.enqueue_indirect_dma source(%dma_start3A_299 : memref<10000x128xf32, #tpu.memory_space<vmem_shared>>) target(%arg6 : memref<128x128xf32, #tpu.memory_space<vmem>>) offsets(%dma_start3A_296 : memref<128xi32, #tpu.memory_space<vmem>>) semaphore(%arg14 : memref<!tpu.dma_semaphore, #tpu.memory_space<semaphore_mem>>)
      %dma_start3A_300 = arith.constant 2 : i32
      %dma_start3A_301 = arith.constant 0 : i32
      %dma_start3A_302 = tpu.memref_slice %arg8[%dma_start3A_300, %dma_start3A_301] : memref<5x128xi32, #tpu.memory_space<vmem>> -> memref<1x128xi32, #tpu.memory_space<vmem>>
      %dma_start3A_303 = tpu.memref_squeeze %dma_start3A_302 : memref<1x128xi32, #tpu.memory_space<vmem>> -> memref<128xi32, #tpu.memory_space<vmem>>
      %dma_start3A_304 = arith.constant 0 : i32
      %dma_start3A_305 = arith.constant 0 : i32
      %dma_start3A_306 = tpu.memref_slice %arg13[%dma_start3A_304, %dma_start3A_305] : memref<10000x16xf32, #tpu.memory_space<vmem_shared>> -> memref<10000x16xf32, #tpu.memory_space<vmem_shared>>
      tpu.enqueue_indirect_dma source(%dma_start3A_306 : memref<10000x16xf32, #tpu.memory_space<vmem_shared>>) target(%arg11 : memref<128x16xf32, #tpu.memory_space<vmem>>) offsets(%dma_start3A_303 : memref<128xi32, #tpu.memory_space<vmem>>) semaphore(%arg18 : memref<!tpu.dma_semaphore, #tpu.memory_space<semaphore_mem>>)
      %dma_wait3A_307 = arith.constant 2 : i32
      %dma_wait3A_308 = arith.constant 0 : i32
      %dma_wait3A_309 = tpu.memref_slice %arg8[%dma_wait3A_307, %dma_wait3A_308] : memref<5x128xi32, #tpu.memory_space<vmem>> -> memref<1x128xi32, #tpu.memory_space<vmem>>
      %dma_wait3A_310 = tpu.memref_squeeze %dma_wait3A_309 : memref<1x128xi32, #tpu.memory_space<vmem>> -> memref<128xi32, #tpu.memory_space<vmem>>
      %dma_wait3A_311 = arith.constant 0 : i32
      %dma_wait3A_312 = arith.constant 0 : i32
      %dma_wait3A_313 = tpu.memref_slice %arg12[%dma_wait3A_311, %dma_wait3A_312] : memref<10000x128xf32, #tpu.memory_space<vmem_shared>> -> memref<10000x128xf32, #tpu.memory_space<vmem_shared>>
      tpu.wait_indirect_dma semaphore(%arg14 : memref<!tpu.dma_semaphore, #tpu.memory_space<semaphore_mem>>) src(%dma_wait3A_313 : memref<10000x128xf32, #tpu.memory_space<vmem_shared>>) dst(%arg6 : memref<128x128xf32, #tpu.memory_space<vmem>>)
      %dma_start3A_314 = arith.constant 0 : i32
      %dma_start3A_315 = tpu.memref_slice %arg4[%arg0, %min3A_274, %dma_start3A_314] : memref<2x10000x128xf32, #tpu.memory_space<hbm>> -> memref<1x128x128xf32, #tpu.memory_space<hbm>>
      %dma_start3A_316 = tpu.memref_squeeze %dma_start3A_315 : memref<1x128x128xf32, #tpu.memory_space<hbm>> -> memref<128x128xf32, #tpu.memory_space<hbm>>
      %dma_start3A_317 = arith.constant 0 : i32
      %dma_start3A_318 = tpu.memref_slice %arg4[%arg0, %min3A_274, %dma_start3A_317] : memref<2x10000x128xf32, #tpu.memory_space<hbm>> -> memref<1x128x128xf32, #tpu.memory_space<hbm>>
      %dma_start3A_319 = tpu.memref_squeeze %dma_start3A_318 : memref<1x128x128xf32, #tpu.memory_space<hbm>> -> memref<128x128xf32, #tpu.memory_space<hbm>>
      tpu.enqueue_dma source(%arg6 : memref<128x128xf32, #tpu.memory_space<vmem>>) target(%dma_start3A_319 : memref<128x128xf32, #tpu.memory_space<hbm>>) target_semaphore(%arg14 : memref<!tpu.dma_semaphore, #tpu.memory_space<semaphore_mem>>)
      %dma_wait3A_320 = arith.constant 2 : i32
      %dma_wait3A_321 = arith.constant 0 : i32
      %dma_wait3A_322 = tpu.memref_slice %arg8[%dma_wait3A_320, %dma_wait3A_321] : memref<5x128xi32, #tpu.memory_space<vmem>> -> memref<1x128xi32, #tpu.memory_space<vmem>>
      %dma_wait3A_323 = tpu.memref_squeeze %dma_wait3A_322 : memref<1x128xi32, #tpu.memory_space<vmem>> -> memref<128xi32, #tpu.memory_space<vmem>>
      %dma_wait3A_324 = arith.constant 0 : i32
      %dma_wait3A_325 = arith.constant 0 : i32
      %dma_wait3A_326 = tpu.memref_slice %arg13[%dma_wait3A_324, %dma_wait3A_325] : memref<10000x16xf32, #tpu.memory_space<vmem_shared>> -> memref<10000x16xf32, #tpu.memory_space<vmem_shared>>
      tpu.wait_indirect_dma semaphore(%arg18 : memref<!tpu.dma_semaphore, #tpu.memory_space<semaphore_mem>>) src(%dma_wait3A_326 : memref<10000x16xf32, #tpu.memory_space<vmem_shared>>) dst(%arg11 : memref<128x16xf32, #tpu.memory_space<vmem>>)
      %dma_start3A_327 = arith.constant 0 : i32
      %dma_start3A_328 = tpu.memref_slice %arg5[%arg0, %min3A_274, %dma_start3A_327] : memref<2x10000x16xf32, #tpu.memory_space<hbm>> -> memref<1x128x16xf32, #tpu.memory_space<hbm>>
      %dma_start3A_329 = tpu.memref_squeeze %dma_start3A_328 : memref<1x128x16xf32, #tpu.memory_space<hbm>> -> memref<128x16xf32, #tpu.memory_space<hbm>>
      %dma_start3A_330 = arith.constant 0 : i32
      %dma_start3A_331 = tpu.memref_slice %arg5[%arg0, %min3A_274, %dma_start3A_330] : memref<2x10000x16xf32, #tpu.memory_space<hbm>> -> memref<1x128x16xf32, #tpu.memory_space<hbm>>
      %dma_start3A_332 = tpu.memref_squeeze %dma_start3A_331 : memref<1x128x16xf32, #tpu.memory_space<hbm>> -> memref<128x16xf32, #tpu.memory_space<hbm>>
      tpu.enqueue_dma source(%arg11 : memref<128x16xf32, #tpu.memory_space<vmem>>) target(%dma_start3A_332 : memref<128x16xf32, #tpu.memory_space<hbm>>) target_semaphore(%arg18 : memref<!tpu.dma_semaphore, #tpu.memory_space<semaphore_mem>>)
    } else {
    }
    %add3A_191 = arith.constant 48 : i32
    %add3A_192 = arith.addi %arg1, %add3A_191 : i32
    %lt3A_193 = arith.constant 79 : i32
    %lt3A_194 = arith.cmpi slt, %add3A_192, %lt3A_193 : i32
    %convert_element_type3A_195 = arith.extui %lt3A_194 : i1 to i32
    %cond3A_196 = arith.constant 0 : i32
    %cond3A_197 = arith.cmpi ne, %convert_element_type3A_195, %cond3A_196 : i32
    scf.if %cond3A_197 {
      %mul3A_272 = arith.constant 128 : i32
      %mul3A_273 = arith.muli %add3A_192, %mul3A_272 : i32
      %min3A = arith.constant 9872 : i32
      %min3A_274 = arith.minsi %mul3A_273, %min3A : i32
      %add3A_275 = arith.constant 16 : i32
      %add3A_276 = arith.addi %arg1, %add3A_275 : i32
      %mul3A_277 = arith.constant 128 : i32
      %mul3A_278 = arith.muli %add3A_276, %mul3A_277 : i32
      %min3A_279 = arith.constant 9872 : i32
      %min3A_280 = arith.minsi %mul3A_278, %min3A_279 : i32
      %dma_wait3A_281 = arith.constant 0 : i32
      %dma_wait3A_282 = tpu.memref_slice %arg4[%arg0, %min3A_280, %dma_wait3A_281] : memref<2x10000x128xf32, #tpu.memory_space<hbm>> -> memref<1x128x128xf32, #tpu.memory_space<hbm>>
      %dma_wait3A_283 = tpu.memref_squeeze %dma_wait3A_282 : memref<1x128x128xf32, #tpu.memory_space<hbm>> -> memref<128x128xf32, #tpu.memory_space<hbm>>
      %dma_wait3A_284 = arith.constant 0 : i32
      %dma_wait3A_285 = tpu.memref_slice %arg4[%arg0, %min3A_280, %dma_wait3A_284] : memref<2x10000x128xf32, #tpu.memory_space<hbm>> -> memref<1x128x128xf32, #tpu.memory_space<hbm>>
      %dma_wait3A_286 = tpu.memref_squeeze %dma_wait3A_285 : memref<1x128x128xf32, #tpu.memory_space<hbm>> -> memref<128x128xf32, #tpu.memory_space<hbm>>
      tpu.wait_dma2 semaphore(%arg15 : memref<!tpu.dma_semaphore, #tpu.memory_space<semaphore_mem>>) src(%arg7 : memref<128x128xf32, #tpu.memory_space<vmem>>) dst(%dma_wait3A_286 : memref<128x128xf32, #tpu.memory_space<hbm>>)
      %dma_wait3A_287 = arith.constant 0 : i32
      %dma_wait3A_288 = tpu.memref_slice %arg5[%arg0, %min3A_280, %dma_wait3A_287] : memref<2x10000x16xf32, #tpu.memory_space<hbm>> -> memref<1x128x16xf32, #tpu.memory_space<hbm>>
      %dma_wait3A_289 = tpu.memref_squeeze %dma_wait3A_288 : memref<1x128x16xf32, #tpu.memory_space<hbm>> -> memref<128x16xf32, #tpu.memory_space<hbm>>
      %dma_wait3A_290 = arith.constant 0 : i32
      %dma_wait3A_291 = tpu.memref_slice %arg5[%arg0, %min3A_280, %dma_wait3A_290] : memref<2x10000x16xf32, #tpu.memory_space<hbm>> -> memref<1x128x16xf32, #tpu.memory_space<hbm>>
      %dma_wait3A_292 = tpu.memref_squeeze %dma_wait3A_291 : memref<1x128x16xf32, #tpu.memory_space<hbm>> -> memref<128x16xf32, #tpu.memory_space<hbm>>
      tpu.wait_dma2 semaphore(%arg19 : memref<!tpu.dma_semaphore, #tpu.memory_space<semaphore_mem>>) src(%arg10 : memref<128x16xf32, #tpu.memory_space<vmem>>) dst(%dma_wait3A_292 : memref<128x16xf32, #tpu.memory_space<hbm>>)
      %dma_start3A_293 = arith.constant 3 : i32
      %dma_start3A_294 = arith.constant 0 : i32
      %dma_start3A_295 = tpu.memref_slice %arg8[%dma_start3A_293, %dma_start3A_294] : memref<5x128xi32, #tpu.memory_space<vmem>> -> memref<1x128xi32, #tpu.memory_space<vmem>>
      %dma_start3A_296 = tpu.memref_squeeze %dma_start3A_295 : memref<1x128xi32, #tpu.memory_space<vmem>> -> memref<128xi32, #tpu.memory_space<vmem>>
      %dma_start3A_297 = arith.constant 0 : i32
      %dma_start3A_298 = arith.constant 0 : i32
      %dma_start3A_299 = tpu.memref_slice %arg12[%dma_start3A_297, %dma_start3A_298] : memref<10000x128xf32, #tpu.memory_space<vmem_shared>> -> memref<10000x128xf32, #tpu.memory_space<vmem_shared>>
      tpu.enqueue_indirect_dma source(%dma_start3A_299 : memref<10000x128xf32, #tpu.memory_space<vmem_shared>>) target(%arg7 : memref<128x128xf32, #tpu.memory_space<vmem>>) offsets(%dma_start3A_296 : memref<128xi32, #tpu.memory_space<vmem>>) semaphore(%arg15 : memref<!tpu.dma_semaphore, #tpu.memory_space<semaphore_mem>>)
      %dma_start3A_300 = arith.constant 3 : i32
      %dma_start3A_301 = arith.constant 0 : i32
      %dma_start3A_302 = tpu.memref_slice %arg8[%dma_start3A_300, %dma_start3A_301] : memref<5x128xi32, #tpu.memory_space<vmem>> -> memref<1x128xi32, #tpu.memory_space<vmem>>
      %dma_start3A_303 = tpu.memref_squeeze %dma_start3A_302 : memref<1x128xi32, #tpu.memory_space<vmem>> -> memref<128xi32, #tpu.memory_space<vmem>>
      %dma_start3A_304 = arith.constant 0 : i32
      %dma_start3A_305 = arith.constant 0 : i32
      %dma_start3A_306 = tpu.memref_slice %arg13[%dma_start3A_304, %dma_start3A_305] : memref<10000x16xf32, #tpu.memory_space<vmem_shared>> -> memref<10000x16xf32, #tpu.memory_space<vmem_shared>>
      tpu.enqueue_indirect_dma source(%dma_start3A_306 : memref<10000x16xf32, #tpu.memory_space<vmem_shared>>) target(%arg10 : memref<128x16xf32, #tpu.memory_space<vmem>>) offsets(%dma_start3A_303 : memref<128xi32, #tpu.memory_space<vmem>>) semaphore(%arg19 : memref<!tpu.dma_semaphore, #tpu.memory_space<semaphore_mem>>)
      %dma_wait3A_307 = arith.constant 3 : i32
      %dma_wait3A_308 = arith.constant 0 : i32
      %dma_wait3A_309 = tpu.memref_slice %arg8[%dma_wait3A_307, %dma_wait3A_308] : memref<5x128xi32, #tpu.memory_space<vmem>> -> memref<1x128xi32, #tpu.memory_space<vmem>>
      %dma_wait3A_310 = tpu.memref_squeeze %dma_wait3A_309 : memref<1x128xi32, #tpu.memory_space<vmem>> -> memref<128xi32, #tpu.memory_space<vmem>>
      %dma_wait3A_311 = arith.constant 0 : i32
      %dma_wait3A_312 = arith.constant 0 : i32
      %dma_wait3A_313 = tpu.memref_slice %arg12[%dma_wait3A_311, %dma_wait3A_312] : memref<10000x128xf32, #tpu.memory_space<vmem_shared>> -> memref<10000x128xf32, #tpu.memory_space<vmem_shared>>
      tpu.wait_indirect_dma semaphore(%arg15 : memref<!tpu.dma_semaphore, #tpu.memory_space<semaphore_mem>>) src(%dma_wait3A_313 : memref<10000x128xf32, #tpu.memory_space<vmem_shared>>) dst(%arg7 : memref<128x128xf32, #tpu.memory_space<vmem>>)
      %dma_start3A_314 = arith.constant 0 : i32
      %dma_start3A_315 = tpu.memref_slice %arg4[%arg0, %min3A_274, %dma_start3A_314] : memref<2x10000x128xf32, #tpu.memory_space<hbm>> -> memref<1x128x128xf32, #tpu.memory_space<hbm>>
      %dma_start3A_316 = tpu.memref_squeeze %dma_start3A_315 : memref<1x128x128xf32, #tpu.memory_space<hbm>> -> memref<128x128xf32, #tpu.memory_space<hbm>>
      %dma_start3A_317 = arith.constant 0 : i32
      %dma_start3A_318 = tpu.memref_slice %arg4[%arg0, %min3A_274, %dma_start3A_317] : memref<2x10000x128xf32, #tpu.memory_space<hbm>> -> memref<1x128x128xf32, #tpu.memory_space<hbm>>
      %dma_start3A_319 = tpu.memref_squeeze %dma_start3A_318 : memref<1x128x128xf32, #tpu.memory_space<hbm>> -> memref<128x128xf32, #tpu.memory_space<hbm>>
      tpu.enqueue_dma source(%arg7 : memref<128x128xf32, #tpu.memory_space<vmem>>) target(%dma_start3A_319 : memref<128x128xf32, #tpu.memory_space<hbm>>) target_semaphore(%arg15 : memref<!tpu.dma_semaphore, #tpu.memory_space<semaphore_mem>>)
      %dma_wait3A_320 = arith.constant 3 : i32
      %dma_wait3A_321 = arith.constant 0 : i32
      %dma_wait3A_322 = tpu.memref_slice %arg8[%dma_wait3A_320, %dma_wait3A_321] : memref<5x128xi32, #tpu.memory_space<vmem>> -> memref<1x128xi32, #tpu.memory_space<vmem>>
      %dma_wait3A_323 = tpu.memref_squeeze %dma_wait3A_322 : memref<1x128xi32, #tpu.memory_space<vmem>> -> memref<128xi32, #tpu.memory_space<vmem>>
      %dma_wait3A_324 = arith.constant 0 : i32
      %dma_wait3A_325 = arith.constant 0 : i32
      %dma_wait3A_326 = tpu.memref_slice %arg13[%dma_wait3A_324, %dma_wait3A_325] : memref<10000x16xf32, #tpu.memory_space<vmem_shared>> -> memref<10000x16xf32, #tpu.memory_space<vmem_shared>>
      tpu.wait_indirect_dma semaphore(%arg19 : memref<!tpu.dma_semaphore, #tpu.memory_space<semaphore_mem>>) src(%dma_wait3A_326 : memref<10000x16xf32, #tpu.memory_space<vmem_shared>>) dst(%arg10 : memref<128x16xf32, #tpu.memory_space<vmem>>)
      %dma_start3A_327 = arith.constant 0 : i32
      %dma_start3A_328 = tpu.memref_slice %arg5[%arg0, %min3A_274, %dma_start3A_327] : memref<2x10000x16xf32, #tpu.memory_space<hbm>> -> memref<1x128x16xf32, #tpu.memory_space<hbm>>
      %dma_start3A_329 = tpu.memref_squeeze %dma_start3A_328 : memref<1x128x16xf32, #tpu.memory_space<hbm>> -> memref<128x16xf32, #tpu.memory_space<hbm>>
      %dma_start3A_330 = arith.constant 0 : i32
      %dma_start3A_331 = tpu.memref_slice %arg5[%arg0, %min3A_274, %dma_start3A_330] : memref<2x10000x16xf32, #tpu.memory_space<hbm>> -> memref<1x128x16xf32, #tpu.memory_space<hbm>>
      %dma_start3A_332 = tpu.memref_squeeze %dma_start3A_331 : memref<1x128x16xf32, #tpu.memory_space<hbm>> -> memref<128x16xf32, #tpu.memory_space<hbm>>
      tpu.enqueue_dma source(%arg10 : memref<128x16xf32, #tpu.memory_space<vmem>>) target(%dma_start3A_332 : memref<128x16xf32, #tpu.memory_space<hbm>>) target_semaphore(%arg19 : memref<!tpu.dma_semaphore, #tpu.memory_space<semaphore_mem>>)
    } else {
    }
    %add3A_198 = arith.constant 64 : i32
    %add3A_199 = arith.addi %arg1, %add3A_198 : i32
    %lt3A_200 = arith.constant 79 : i32
    %lt3A_201 = arith.cmpi slt, %add3A_199, %lt3A_200 : i32
    %convert_element_type3A_202 = arith.extui %lt3A_201 : i1 to i32
    %cond3A_203 = arith.constant 0 : i32
    %cond3A_204 = arith.cmpi ne, %convert_element_type3A_202, %cond3A_203 : i32
    scf.if %cond3A_204 {
      %mul3A_272 = arith.constant 128 : i32
      %mul3A_273 = arith.muli %add3A_199, %mul3A_272 : i32
      %min3A = arith.constant 9872 : i32
      %min3A_274 = arith.minsi %mul3A_273, %min3A : i32
      %add3A_275 = arith.constant 32 : i32
      %add3A_276 = arith.addi %arg1, %add3A_275 : i32
      %mul3A_277 = arith.constant 128 : i32
      %mul3A_278 = arith.muli %add3A_276, %mul3A_277 : i32
      %min3A_279 = arith.constant 9872 : i32
      %min3A_280 = arith.minsi %mul3A_278, %min3A_279 : i32
      %dma_wait3A_281 = arith.constant 0 : i32
      %dma_wait3A_282 = tpu.memref_slice %arg4[%arg0, %min3A_280, %dma_wait3A_281] : memref<2x10000x128xf32, #tpu.memory_space<hbm>> -> memref<1x128x128xf32, #tpu.memory_space<hbm>>
      %dma_wait3A_283 = tpu.memref_squeeze %dma_wait3A_282 : memref<1x128x128xf32, #tpu.memory_space<hbm>> -> memref<128x128xf32, #tpu.memory_space<hbm>>
      %dma_wait3A_284 = arith.constant 0 : i32
      %dma_wait3A_285 = tpu.memref_slice %arg4[%arg0, %min3A_280, %dma_wait3A_284] : memref<2x10000x128xf32, #tpu.memory_space<hbm>> -> memref<1x128x128xf32, #tpu.memory_space<hbm>>
      %dma_wait3A_286 = tpu.memref_squeeze %dma_wait3A_285 : memref<1x128x128xf32, #tpu.memory_space<hbm>> -> memref<128x128xf32, #tpu.memory_space<hbm>>
      tpu.wait_dma2 semaphore(%arg14 : memref<!tpu.dma_semaphore, #tpu.memory_space<semaphore_mem>>) src(%arg6 : memref<128x128xf32, #tpu.memory_space<vmem>>) dst(%dma_wait3A_286 : memref<128x128xf32, #tpu.memory_space<hbm>>)
      %dma_wait3A_287 = arith.constant 0 : i32
      %dma_wait3A_288 = tpu.memref_slice %arg5[%arg0, %min3A_280, %dma_wait3A_287] : memref<2x10000x16xf32, #tpu.memory_space<hbm>> -> memref<1x128x16xf32, #tpu.memory_space<hbm>>
      %dma_wait3A_289 = tpu.memref_squeeze %dma_wait3A_288 : memref<1x128x16xf32, #tpu.memory_space<hbm>> -> memref<128x16xf32, #tpu.memory_space<hbm>>
      %dma_wait3A_290 = arith.constant 0 : i32
      %dma_wait3A_291 = tpu.memref_slice %arg5[%arg0, %min3A_280, %dma_wait3A_290] : memref<2x10000x16xf32, #tpu.memory_space<hbm>> -> memref<1x128x16xf32, #tpu.memory_space<hbm>>
      %dma_wait3A_292 = tpu.memref_squeeze %dma_wait3A_291 : memref<1x128x16xf32, #tpu.memory_space<hbm>> -> memref<128x16xf32, #tpu.memory_space<hbm>>
      tpu.wait_dma2 semaphore(%arg18 : memref<!tpu.dma_semaphore, #tpu.memory_space<semaphore_mem>>) src(%arg11 : memref<128x16xf32, #tpu.memory_space<vmem>>) dst(%dma_wait3A_292 : memref<128x16xf32, #tpu.memory_space<hbm>>)
      %dma_start3A_293 = arith.constant 4 : i32
      %dma_start3A_294 = arith.constant 0 : i32
      %dma_start3A_295 = tpu.memref_slice %arg8[%dma_start3A_293, %dma_start3A_294] : memref<5x128xi32, #tpu.memory_space<vmem>> -> memref<1x128xi32, #tpu.memory_space<vmem>>
      %dma_start3A_296 = tpu.memref_squeeze %dma_start3A_295 : memref<1x128xi32, #tpu.memory_space<vmem>> -> memref<128xi32, #tpu.memory_space<vmem>>
      %dma_start3A_297 = arith.constant 0 : i32
      %dma_start3A_298 = arith.constant 0 : i32
      %dma_start3A_299 = tpu.memref_slice %arg12[%dma_start3A_297, %dma_start3A_298] : memref<10000x128xf32, #tpu.memory_space<vmem_shared>> -> memref<10000x128xf32, #tpu.memory_space<vmem_shared>>
      tpu.enqueue_indirect_dma source(%dma_start3A_299 : memref<10000x128xf32, #tpu.memory_space<vmem_shared>>) target(%arg6 : memref<128x128xf32, #tpu.memory_space<vmem>>) offsets(%dma_start3A_296 : memref<128xi32, #tpu.memory_space<vmem>>) semaphore(%arg14 : memref<!tpu.dma_semaphore, #tpu.memory_space<semaphore_mem>>)
      %dma_start3A_300 = arith.constant 4 : i32
      %dma_start3A_301 = arith.constant 0 : i32
      %dma_start3A_302 = tpu.memref_slice %arg8[%dma_start3A_300, %dma_start3A_301] : memref<5x128xi32, #tpu.memory_space<vmem>> -> memref<1x128xi32, #tpu.memory_space<vmem>>
      %dma_start3A_303 = tpu.memref_squeeze %dma_start3A_302 : memref<1x128xi32, #tpu.memory_space<vmem>> -> memref<128xi32, #tpu.memory_space<vmem>>
      %dma_start3A_304 = arith.constant 0 : i32
      %dma_start3A_305 = arith.constant 0 : i32
      %dma_start3A_306 = tpu.memref_slice %arg13[%dma_start3A_304, %dma_start3A_305] : memref<10000x16xf32, #tpu.memory_space<vmem_shared>> -> memref<10000x16xf32, #tpu.memory_space<vmem_shared>>
      tpu.enqueue_indirect_dma source(%dma_start3A_306 : memref<10000x16xf32, #tpu.memory_space<vmem_shared>>) target(%arg11 : memref<128x16xf32, #tpu.memory_space<vmem>>) offsets(%dma_start3A_303 : memref<128xi32, #tpu.memory_space<vmem>>) semaphore(%arg18 : memref<!tpu.dma_semaphore, #tpu.memory_space<semaphore_mem>>)
      %dma_wait3A_307 = arith.constant 4 : i32
      %dma_wait3A_308 = arith.constant 0 : i32
      %dma_wait3A_309 = tpu.memref_slice %arg8[%dma_wait3A_307, %dma_wait3A_308] : memref<5x128xi32, #tpu.memory_space<vmem>> -> memref<1x128xi32, #tpu.memory_space<vmem>>
      %dma_wait3A_310 = tpu.memref_squeeze %dma_wait3A_309 : memref<1x128xi32, #tpu.memory_space<vmem>> -> memref<128xi32, #tpu.memory_space<vmem>>
      %dma_wait3A_311 = arith.constant 0 : i32
      %dma_wait3A_312 = arith.constant 0 : i32
      %dma_wait3A_313 = tpu.memref_slice %arg12[%dma_wait3A_311, %dma_wait3A_312] : memref<10000x128xf32, #tpu.memory_space<vmem_shared>> -> memref<10000x128xf32, #tpu.memory_space<vmem_shared>>
      tpu.wait_indirect_dma semaphore(%arg14 : memref<!tpu.dma_semaphore, #tpu.memory_space<semaphore_mem>>) src(%dma_wait3A_313 : memref<10000x128xf32, #tpu.memory_space<vmem_shared>>) dst(%arg6 : memref<128x128xf32, #tpu.memory_space<vmem>>)
      %dma_start3A_314 = arith.constant 0 : i32
      %dma_start3A_315 = tpu.memref_slice %arg4[%arg0, %min3A_274, %dma_start3A_314] : memref<2x10000x128xf32, #tpu.memory_space<hbm>> -> memref<1x128x128xf32, #tpu.memory_space<hbm>>
      %dma_start3A_316 = tpu.memref_squeeze %dma_start3A_315 : memref<1x128x128xf32, #tpu.memory_space<hbm>> -> memref<128x128xf32, #tpu.memory_space<hbm>>
      %dma_start3A_317 = arith.constant 0 : i32
      %dma_start3A_318 = tpu.memref_slice %arg4[%arg0, %min3A_274, %dma_start3A_317] : memref<2x10000x128xf32, #tpu.memory_space<hbm>> -> memref<1x128x128xf32, #tpu.memory_space<hbm>>
      %dma_start3A_319 = tpu.memref_squeeze %dma_start3A_318 : memref<1x128x128xf32, #tpu.memory_space<hbm>> -> memref<128x128xf32, #tpu.memory_space<hbm>>
      tpu.enqueue_dma source(%arg6 : memref<128x128xf32, #tpu.memory_space<vmem>>) target(%dma_start3A_319 : memref<128x128xf32, #tpu.memory_space<hbm>>) target_semaphore(%arg14 : memref<!tpu.dma_semaphore, #tpu.memory_space<semaphore_mem>>)
      %dma_wait3A_320 = arith.constant 4 : i32
      %dma_wait3A_321 = arith.constant 0 : i32
      %dma_wait3A_322 = tpu.memref_slice %arg8[%dma_wait3A_320, %dma_wait3A_321] : memref<5x128xi32, #tpu.memory_space<vmem>> -> memref<1x128xi32, #tpu.memory_space<vmem>>
      %dma_wait3A_323 = tpu.memref_squeeze %dma_wait3A_322 : memref<1x128xi32, #tpu.memory_space<vmem>> -> memref<128xi32, #tpu.memory_space<vmem>>
      %dma_wait3A_324 = arith.constant 0 : i32
      %dma_wait3A_325 = arith.constant 0 : i32
      %dma_wait3A_326 = tpu.memref_slice %arg13[%dma_wait3A_324, %dma_wait3A_325] : memref<10000x16xf32, #tpu.memory_space<vmem_shared>> -> memref<10000x16xf32, #tpu.memory_space<vmem_shared>>
      tpu.wait_indirect_dma semaphore(%arg18 : memref<!tpu.dma_semaphore, #tpu.memory_space<semaphore_mem>>) src(%dma_wait3A_326 : memref<10000x16xf32, #tpu.memory_space<vmem_shared>>) dst(%arg11 : memref<128x16xf32, #tpu.memory_space<vmem>>)
      %dma_start3A_327 = arith.constant 0 : i32
      %dma_start3A_328 = tpu.memref_slice %arg5[%arg0, %min3A_274, %dma_start3A_327] : memref<2x10000x16xf32, #tpu.memory_space<hbm>> -> memref<1x128x16xf32, #tpu.memory_space<hbm>>
      %dma_start3A_329 = tpu.memref_squeeze %dma_start3A_328 : memref<1x128x16xf32, #tpu.memory_space<hbm>> -> memref<128x16xf32, #tpu.memory_space<hbm>>
      %dma_start3A_330 = arith.constant 0 : i32
      %dma_start3A_331 = tpu.memref_slice %arg5[%arg0, %min3A_274, %dma_start3A_330] : memref<2x10000x16xf32, #tpu.memory_space<hbm>> -> memref<1x128x16xf32, #tpu.memory_space<hbm>>
      %dma_start3A_332 = tpu.memref_squeeze %dma_start3A_331 : memref<1x128x16xf32, #tpu.memory_space<hbm>> -> memref<128x16xf32, #tpu.memory_space<hbm>>
      tpu.enqueue_dma source(%arg11 : memref<128x16xf32, #tpu.memory_space<vmem>>) target(%dma_start3A_332 : memref<128x16xf32, #tpu.memory_space<hbm>>) target_semaphore(%arg18 : memref<!tpu.dma_semaphore, #tpu.memory_space<semaphore_mem>>)
    } else {
    }
    %add3A_205 = arith.constant 0 : i32
    %add3A_206 = arith.addi %arg1, %add3A_205 : i32
    %lt3A_207 = arith.constant 79 : i32
    %lt3A_208 = arith.cmpi slt, %add3A_206, %lt3A_207 : i32
    %add3A_209 = arith.constant 32 : i32
    %add3A_210 = arith.addi %arg1, %add3A_209 : i32
    %ge3A = arith.constant 79 : i32
    %ge3A_211 = arith.cmpi sge, %add3A_210, %ge3A : i32
    %or3A = arith.constant false
    %or3A_212 = arith.ori %or3A, %ge3A_211 : i1
    %and3A = arith.andi %lt3A_208, %or3A_212 : i1
    %convert_element_type3A_213 = arith.extui %and3A : i1 to i32
    %cond3A_214 = arith.constant 0 : i32
    %cond3A_215 = arith.cmpi ne, %convert_element_type3A_213, %cond3A_214 : i32
    scf.if %cond3A_215 {
      %add3A_272 = arith.constant 0 : i32
      %add3A_273 = arith.addi %arg1, %add3A_272 : i32
      %mul3A_274 = arith.constant 128 : i32
      %mul3A_275 = arith.muli %add3A_273, %mul3A_274 : i32
      %min3A = arith.constant 9872 : i32
      %min3A_276 = arith.minsi %mul3A_275, %min3A : i32
      %dma_wait3A_277 = arith.constant 0 : i32
      %dma_wait3A_278 = tpu.memref_slice %arg4[%arg0, %min3A_276, %dma_wait3A_277] : memref<2x10000x128xf32, #tpu.memory_space<hbm>> -> memref<1x128x128xf32, #tpu.memory_space<hbm>>
      %dma_wait3A_279 = tpu.memref_squeeze %dma_wait3A_278 : memref<1x128x128xf32, #tpu.memory_space<hbm>> -> memref<128x128xf32, #tpu.memory_space<hbm>>
      %dma_wait3A_280 = arith.constant 0 : i32
      %dma_wait3A_281 = tpu.memref_slice %arg4[%arg0, %min3A_276, %dma_wait3A_280] : memref<2x10000x128xf32, #tpu.memory_space<hbm>> -> memref<1x128x128xf32, #tpu.memory_space<hbm>>
      %dma_wait3A_282 = tpu.memref_squeeze %dma_wait3A_281 : memref<1x128x128xf32, #tpu.memory_space<hbm>> -> memref<128x128xf32, #tpu.memory_space<hbm>>
      tpu.wait_dma2 semaphore(%arg14 : memref<!tpu.dma_semaphore, #tpu.memory_space<semaphore_mem>>) src(%arg6 : memref<128x128xf32, #tpu.memory_space<vmem>>) dst(%dma_wait3A_282 : memref<128x128xf32, #tpu.memory_space<hbm>>)
      %dma_wait3A_283 = arith.constant 0 : i32
      %dma_wait3A_284 = tpu.memref_slice %arg5[%arg0, %min3A_276, %dma_wait3A_283] : memref<2x10000x16xf32, #tpu.memory_space<hbm>> -> memref<1x128x16xf32, #tpu.memory_space<hbm>>
      %dma_wait3A_285 = tpu.memref_squeeze %dma_wait3A_284 : memref<1x128x16xf32, #tpu.memory_space<hbm>> -> memref<128x16xf32, #tpu.memory_space<hbm>>
      %dma_wait3A_286 = arith.constant 0 : i32
      %dma_wait3A_287 = tpu.memref_slice %arg5[%arg0, %min3A_276, %dma_wait3A_286] : memref<2x10000x16xf32, #tpu.memory_space<hbm>> -> memref<1x128x16xf32, #tpu.memory_space<hbm>>
      %dma_wait3A_288 = tpu.memref_squeeze %dma_wait3A_287 : memref<1x128x16xf32, #tpu.memory_space<hbm>> -> memref<128x16xf32, #tpu.memory_space<hbm>>
      tpu.wait_dma2 semaphore(%arg18 : memref<!tpu.dma_semaphore, #tpu.memory_space<semaphore_mem>>) src(%arg11 : memref<128x16xf32, #tpu.memory_space<vmem>>) dst(%dma_wait3A_288 : memref<128x16xf32, #tpu.memory_space<hbm>>)
    } else {
    }
    %add3A_216 = arith.constant 16 : i32
    %add3A_217 = arith.addi %arg1, %add3A_216 : i32
    %lt3A_218 = arith.constant 79 : i32
    %lt3A_219 = arith.cmpi slt, %add3A_217, %lt3A_218 : i32
    %add3A_220 = arith.constant 48 : i32
    %add3A_221 = arith.addi %arg1, %add3A_220 : i32
    %ge3A_222 = arith.constant 79 : i32
    %ge3A_223 = arith.cmpi sge, %add3A_221, %ge3A_222 : i32
    %or3A_224 = arith.constant false
    %or3A_225 = arith.ori %or3A_224, %ge3A_223 : i1
    %and3A_226 = arith.andi %lt3A_219, %or3A_225 : i1
    %convert_element_type3A_227 = arith.extui %and3A_226 : i1 to i32
    %cond3A_228 = arith.constant 0 : i32
    %cond3A_229 = arith.cmpi ne, %convert_element_type3A_227, %cond3A_228 : i32
    scf.if %cond3A_229 {
      %add3A_272 = arith.constant 16 : i32
      %add3A_273 = arith.addi %arg1, %add3A_272 : i32
      %mul3A_274 = arith.constant 128 : i32
      %mul3A_275 = arith.muli %add3A_273, %mul3A_274 : i32
      %min3A = arith.constant 9872 : i32
      %min3A_276 = arith.minsi %mul3A_275, %min3A : i32
      %dma_wait3A_277 = arith.constant 0 : i32
      %dma_wait3A_278 = tpu.memref_slice %arg4[%arg0, %min3A_276, %dma_wait3A_277] : memref<2x10000x128xf32, #tpu.memory_space<hbm>> -> memref<1x128x128xf32, #tpu.memory_space<hbm>>
      %dma_wait3A_279 = tpu.memref_squeeze %dma_wait3A_278 : memref<1x128x128xf32, #tpu.memory_space<hbm>> -> memref<128x128xf32, #tpu.memory_space<hbm>>
      %dma_wait3A_280 = arith.constant 0 : i32
      %dma_wait3A_281 = tpu.memref_slice %arg4[%arg0, %min3A_276, %dma_wait3A_280] : memref<2x10000x128xf32, #tpu.memory_space<hbm>> -> memref<1x128x128xf32, #tpu.memory_space<hbm>>
      %dma_wait3A_282 = tpu.memref_squeeze %dma_wait3A_281 : memref<1x128x128xf32, #tpu.memory_space<hbm>> -> memref<128x128xf32, #tpu.memory_space<hbm>>
      tpu.wait_dma2 semaphore(%arg15 : memref<!tpu.dma_semaphore, #tpu.memory_space<semaphore_mem>>) src(%arg7 : memref<128x128xf32, #tpu.memory_space<vmem>>) dst(%dma_wait3A_282 : memref<128x128xf32, #tpu.memory_space<hbm>>)
      %dma_wait3A_283 = arith.constant 0 : i32
      %dma_wait3A_284 = tpu.memref_slice %arg5[%arg0, %min3A_276, %dma_wait3A_283] : memref<2x10000x16xf32, #tpu.memory_space<hbm>> -> memref<1x128x16xf32, #tpu.memory_space<hbm>>
      %dma_wait3A_285 = tpu.memref_squeeze %dma_wait3A_284 : memref<1x128x16xf32, #tpu.memory_space<hbm>> -> memref<128x16xf32, #tpu.memory_space<hbm>>
      %dma_wait3A_286 = arith.constant 0 : i32
      %dma_wait3A_287 = tpu.memref_slice %arg5[%arg0, %min3A_276, %dma_wait3A_286] : memref<2x10000x16xf32, #tpu.memory_space<hbm>> -> memref<1x128x16xf32, #tpu.memory_space<hbm>>
      %dma_wait3A_288 = tpu.memref_squeeze %dma_wait3A_287 : memref<1x128x16xf32, #tpu.memory_space<hbm>> -> memref<128x16xf32, #tpu.memory_space<hbm>>
      tpu.wait_dma2 semaphore(%arg19 : memref<!tpu.dma_semaphore, #tpu.memory_space<semaphore_mem>>) src(%arg10 : memref<128x16xf32, #tpu.memory_space<vmem>>) dst(%dma_wait3A_288 : memref<128x16xf32, #tpu.memory_space<hbm>>)
    } else {
    }
    %add3A_230 = arith.constant 32 : i32
    %add3A_231 = arith.addi %arg1, %add3A_230 : i32
    %lt3A_232 = arith.constant 79 : i32
    %lt3A_233 = arith.cmpi slt, %add3A_231, %lt3A_232 : i32
    %add3A_234 = arith.constant 64 : i32
    %add3A_235 = arith.addi %arg1, %add3A_234 : i32
    %ge3A_236 = arith.constant 79 : i32
    %ge3A_237 = arith.cmpi sge, %add3A_235, %ge3A_236 : i32
    %or3A_238 = arith.constant false
    %or3A_239 = arith.ori %or3A_238, %ge3A_237 : i1
    %and3A_240 = arith.andi %lt3A_233, %or3A_239 : i1
    %convert_element_type3A_241 = arith.extui %and3A_240 : i1 to i32
    %cond3A_242 = arith.constant 0 : i32
    %cond3A_243 = arith.cmpi ne, %convert_element_type3A_241, %cond3A_242 : i32
    scf.if %cond3A_243 {
      %add3A_272 = arith.constant 32 : i32
      %add3A_273 = arith.addi %arg1, %add3A_272 : i32
      %mul3A_274 = arith.constant 128 : i32
      %mul3A_275 = arith.muli %add3A_273, %mul3A_274 : i32
      %min3A = arith.constant 9872 : i32
      %min3A_276 = arith.minsi %mul3A_275, %min3A : i32
      %dma_wait3A_277 = arith.constant 0 : i32
      %dma_wait3A_278 = tpu.memref_slice %arg4[%arg0, %min3A_276, %dma_wait3A_277] : memref<2x10000x128xf32, #tpu.memory_space<hbm>> -> memref<1x128x128xf32, #tpu.memory_space<hbm>>
      %dma_wait3A_279 = tpu.memref_squeeze %dma_wait3A_278 : memref<1x128x128xf32, #tpu.memory_space<hbm>> -> memref<128x128xf32, #tpu.memory_space<hbm>>
      %dma_wait3A_280 = arith.constant 0 : i32
      %dma_wait3A_281 = tpu.memref_slice %arg4[%arg0, %min3A_276, %dma_wait3A_280] : memref<2x10000x128xf32, #tpu.memory_space<hbm>> -> memref<1x128x128xf32, #tpu.memory_space<hbm>>
      %dma_wait3A_282 = tpu.memref_squeeze %dma_wait3A_281 : memref<1x128x128xf32, #tpu.memory_space<hbm>> -> memref<128x128xf32, #tpu.memory_space<hbm>>
      tpu.wait_dma2 semaphore(%arg14 : memref<!tpu.dma_semaphore, #tpu.memory_space<semaphore_mem>>) src(%arg6 : memref<128x128xf32, #tpu.memory_space<vmem>>) dst(%dma_wait3A_282 : memref<128x128xf32, #tpu.memory_space<hbm>>)
      %dma_wait3A_283 = arith.constant 0 : i32
      %dma_wait3A_284 = tpu.memref_slice %arg5[%arg0, %min3A_276, %dma_wait3A_283] : memref<2x10000x16xf32, #tpu.memory_space<hbm>> -> memref<1x128x16xf32, #tpu.memory_space<hbm>>
      %dma_wait3A_285 = tpu.memref_squeeze %dma_wait3A_284 : memref<1x128x16xf32, #tpu.memory_space<hbm>> -> memref<128x16xf32, #tpu.memory_space<hbm>>
      %dma_wait3A_286 = arith.constant 0 : i32
      %dma_wait3A_287 = tpu.memref_slice %arg5[%arg0, %min3A_276, %dma_wait3A_286] : memref<2x10000x16xf32, #tpu.memory_space<hbm>> -> memref<1x128x16xf32, #tpu.memory_space<hbm>>
      %dma_wait3A_288 = tpu.memref_squeeze %dma_wait3A_287 : memref<1x128x16xf32, #tpu.memory_space<hbm>> -> memref<128x16xf32, #tpu.memory_space<hbm>>
      tpu.wait_dma2 semaphore(%arg18 : memref<!tpu.dma_semaphore, #tpu.memory_space<semaphore_mem>>) src(%arg11 : memref<128x16xf32, #tpu.memory_space<vmem>>) dst(%dma_wait3A_288 : memref<128x16xf32, #tpu.memory_space<hbm>>)
    } else {
    }
    %add3A_244 = arith.constant 48 : i32
    %add3A_245 = arith.addi %arg1, %add3A_244 : i32
    %lt3A_246 = arith.constant 79 : i32
    %lt3A_247 = arith.cmpi slt, %add3A_245, %lt3A_246 : i32
    %add3A_248 = arith.constant 80 : i32
    %add3A_249 = arith.addi %arg1, %add3A_248 : i32
    %ge3A_250 = arith.constant 79 : i32
    %ge3A_251 = arith.cmpi sge, %add3A_249, %ge3A_250 : i32
    %or3A_252 = arith.constant true
    %or3A_253 = arith.ori %or3A_252, %ge3A_251 : i1
    %and3A_254 = arith.andi %lt3A_247, %or3A_253 : i1
    %convert_element_type3A_255 = arith.extui %and3A_254 : i1 to i32
    %cond3A_256 = arith.constant 0 : i32
    %cond3A_257 = arith.cmpi ne, %convert_element_type3A_255, %cond3A_256 : i32
    scf.if %cond3A_257 {
      %add3A_272 = arith.constant 48 : i32
      %add3A_273 = arith.addi %arg1, %add3A_272 : i32
      %mul3A_274 = arith.constant 128 : i32
      %mul3A_275 = arith.muli %add3A_273, %mul3A_274 : i32
      %min3A = arith.constant 9872 : i32
      %min3A_276 = arith.minsi %mul3A_275, %min3A : i32
      %dma_wait3A_277 = arith.constant 0 : i32
      %dma_wait3A_278 = tpu.memref_slice %arg4[%arg0, %min3A_276, %dma_wait3A_277] : memref<2x10000x128xf32, #tpu.memory_space<hbm>> -> memref<1x128x128xf32, #tpu.memory_space<hbm>>
      %dma_wait3A_279 = tpu.memref_squeeze %dma_wait3A_278 : memref<1x128x128xf32, #tpu.memory_space<hbm>> -> memref<128x128xf32, #tpu.memory_space<hbm>>
      %dma_wait3A_280 = arith.constant 0 : i32
      %dma_wait3A_281 = tpu.memref_slice %arg4[%arg0, %min3A_276, %dma_wait3A_280] : memref<2x10000x128xf32, #tpu.memory_space<hbm>> -> memref<1x128x128xf32, #tpu.memory_space<hbm>>
      %dma_wait3A_282 = tpu.memref_squeeze %dma_wait3A_281 : memref<1x128x128xf32, #tpu.memory_space<hbm>> -> memref<128x128xf32, #tpu.memory_space<hbm>>
      tpu.wait_dma2 semaphore(%arg15 : memref<!tpu.dma_semaphore, #tpu.memory_space<semaphore_mem>>) src(%arg7 : memref<128x128xf32, #tpu.memory_space<vmem>>) dst(%dma_wait3A_282 : memref<128x128xf32, #tpu.memory_space<hbm>>)
      %dma_wait3A_283 = arith.constant 0 : i32
      %dma_wait3A_284 = tpu.memref_slice %arg5[%arg0, %min3A_276, %dma_wait3A_283] : memref<2x10000x16xf32, #tpu.memory_space<hbm>> -> memref<1x128x16xf32, #tpu.memory_space<hbm>>
      %dma_wait3A_285 = tpu.memref_squeeze %dma_wait3A_284 : memref<1x128x16xf32, #tpu.memory_space<hbm>> -> memref<128x16xf32, #tpu.memory_space<hbm>>
      %dma_wait3A_286 = arith.constant 0 : i32
      %dma_wait3A_287 = tpu.memref_slice %arg5[%arg0, %min3A_276, %dma_wait3A_286] : memref<2x10000x16xf32, #tpu.memory_space<hbm>> -> memref<1x128x16xf32, #tpu.memory_space<hbm>>
      %dma_wait3A_288 = tpu.memref_squeeze %dma_wait3A_287 : memref<1x128x16xf32, #tpu.memory_space<hbm>> -> memref<128x16xf32, #tpu.memory_space<hbm>>
      tpu.wait_dma2 semaphore(%arg19 : memref<!tpu.dma_semaphore, #tpu.memory_space<semaphore_mem>>) src(%arg10 : memref<128x16xf32, #tpu.memory_space<vmem>>) dst(%dma_wait3A_288 : memref<128x16xf32, #tpu.memory_space<hbm>>)
    } else {
    }
    %add3A_258 = arith.constant 64 : i32
    %add3A_259 = arith.addi %arg1, %add3A_258 : i32
    %lt3A_260 = arith.constant 79 : i32
    %lt3A_261 = arith.cmpi slt, %add3A_259, %lt3A_260 : i32
    %add3A_262 = arith.constant 96 : i32
    %add3A_263 = arith.addi %arg1, %add3A_262 : i32
    %ge3A_264 = arith.constant 79 : i32
    %ge3A_265 = arith.cmpi sge, %add3A_263, %ge3A_264 : i32
    %or3A_266 = arith.constant true
    %or3A_267 = arith.ori %or3A_266, %ge3A_265 : i1
    %and3A_268 = arith.andi %lt3A_261, %or3A_267 : i1
    %convert_element_type3A_269 = arith.extui %and3A_268 : i1 to i32
    %cond3A_270 = arith.constant 0 : i32
    %cond3A_271 = arith.cmpi ne, %convert_element_type3A_269, %cond3A_270 : i32
    scf.if %cond3A_271 {
      %add3A_272 = arith.constant 64 : i32
      %add3A_273 = arith.addi %arg1, %add3A_272 : i32
      %mul3A_274 = arith.constant 128 : i32
      %mul3A_275 = arith.muli %add3A_273, %mul3A_274 : i32
      %min3A = arith.constant 9872 : i32
      %min3A_276 = arith.minsi %mul3A_275, %min3A : i32
      %dma_wait3A_277 = arith.constant 0 : i32
      %dma_wait3A_278 = tpu.memref_slice %arg4[%arg0, %min3A_276, %dma_wait3A_277] : memref<2x10000x128xf32, #tpu.memory_space<hbm>> -> memref<1x128x128xf32, #tpu.memory_space<hbm>>
      %dma_wait3A_279 = tpu.memref_squeeze %dma_wait3A_278 : memref<1x128x128xf32, #tpu.memory_space<hbm>> -> memref<128x128xf32, #tpu.memory_space<hbm>>
      %dma_wait3A_280 = arith.constant 0 : i32
      %dma_wait3A_281 = tpu.memref_slice %arg4[%arg0, %min3A_276, %dma_wait3A_280] : memref<2x10000x128xf32, #tpu.memory_space<hbm>> -> memref<1x128x128xf32, #tpu.memory_space<hbm>>
      %dma_wait3A_282 = tpu.memref_squeeze %dma_wait3A_281 : memref<1x128x128xf32, #tpu.memory_space<hbm>> -> memref<128x128xf32, #tpu.memory_space<hbm>>
      tpu.wait_dma2 semaphore(%arg14 : memref<!tpu.dma_semaphore, #tpu.memory_space<semaphore_mem>>) src(%arg6 : memref<128x128xf32, #tpu.memory_space<vmem>>) dst(%dma_wait3A_282 : memref<128x128xf32, #tpu.memory_space<hbm>>)
      %dma_wait3A_283 = arith.constant 0 : i32
      %dma_wait3A_284 = tpu.memref_slice %arg5[%arg0, %min3A_276, %dma_wait3A_283] : memref<2x10000x16xf32, #tpu.memory_space<hbm>> -> memref<1x128x16xf32, #tpu.memory_space<hbm>>
      %dma_wait3A_285 = tpu.memref_squeeze %dma_wait3A_284 : memref<1x128x16xf32, #tpu.memory_space<hbm>> -> memref<128x16xf32, #tpu.memory_space<hbm>>
      %dma_wait3A_286 = arith.constant 0 : i32
      %dma_wait3A_287 = tpu.memref_slice %arg5[%arg0, %min3A_276, %dma_wait3A_286] : memref<2x10000x16xf32, #tpu.memory_space<hbm>> -> memref<1x128x16xf32, #tpu.memory_space<hbm>>
      %dma_wait3A_288 = tpu.memref_squeeze %dma_wait3A_287 : memref<1x128x16xf32, #tpu.memory_space<hbm>> -> memref<128x16xf32, #tpu.memory_space<hbm>>
      tpu.wait_dma2 semaphore(%arg18 : memref<!tpu.dma_semaphore, #tpu.memory_space<semaphore_mem>>) src(%arg11 : memref<128x16xf32, #tpu.memory_space<vmem>>) dst(%dma_wait3A_288 : memref<128x16xf32, #tpu.memory_space<hbm>>)
    } else {
    }
    return
  }
}

module attributes {stable_mosaic.version = 14 : i64} {
  func.func @_mlp_body(%arg0: i32, %arg1: memref<2x1000x128xf32, #tpu.memory_space<vmem>>, %arg2: memref<2x1000x16xf32, #tpu.memory_space<vmem>>, %arg3: memref<128x128xf32, #tpu.memory_space<vmem>>, %arg4: memref<128xf32, #tpu.memory_space<vmem>>, %arg5: memref<128x64xf32, #tpu.memory_space<vmem>>, %arg6: memref<64xf32, #tpu.memory_space<vmem>>, %arg7: memref<1000x64xf32, #tpu.memory_space<vmem>>) attributes {dimension_semantics = [#tpu.dimension_semantics<arbitrary>], iteration_bounds = array<i64: 10>, scalar_prefetch = 0 : i64, scratch_operands = 0 : i64, tpu.core_type = #tpu.core_type<tc>, window_params = [{transform_indices = @transform_0, window_bounds = array<i64: 2, 1000, 128>}, {transform_indices = @transform_1, window_bounds = array<i64: 2, 1000, 16>}, {pipeline_mode = #tpu.pipeline_mode<synchronous>, transform_indices = @transform_2, window_bounds = array<i64: 128, 128>}, {pipeline_mode = #tpu.pipeline_mode<synchronous>, transform_indices = @transform_3, window_bounds = array<i64: 128>}, {pipeline_mode = #tpu.pipeline_mode<synchronous>, transform_indices = @transform_4, window_bounds = array<i64: 128, 64>}, {pipeline_mode = #tpu.pipeline_mode<synchronous>, transform_indices = @transform_5, window_bounds = array<i64: 64>}, {transform_indices = @transform_6, window_bounds = array<i64: 1000, 64>}]} {
    %get3A = arith.constant 0 : index
    %get3A_0 = arith.constant 0 : index
    %get3A_1 = arith.constant 0 : index
    %get3A_2 = vector.load %arg1[%get3A, %get3A_0, %get3A_1] : memref<2x1000x128xf32, #tpu.memory_space<vmem>>, vector<1x1000x128xf32>
    %get3A_3 = vector.shape_cast %get3A_2 : vector<1x1000x128xf32> to vector<1000x128xf32>
    %get3A_4 = arith.constant 1 : index
    %get3A_5 = arith.constant 0 : index
    %get3A_6 = arith.constant 0 : index
    %get3A_7 = vector.load %arg1[%get3A_4, %get3A_5, %get3A_6] : memref<2x1000x128xf32, #tpu.memory_space<vmem>>, vector<1x1000x128xf32>
    %get3A_8 = vector.shape_cast %get3A_7 : vector<1x1000x128xf32> to vector<1000x128xf32>
    %add3A = arith.addf %get3A_3, %get3A_8 : vector<1000x128xf32>
    %get3A_9 = arith.constant 0 : index
    %get3A_10 = arith.constant 0 : index
    %get3A_11 = arith.constant 0 : index
    %get3A_12 = vector.load %arg2[%get3A_9, %get3A_10, %get3A_11] : memref<2x1000x16xf32, #tpu.memory_space<vmem>>, vector<1x1000x1xf32>
    %get3A_13 = vector.shape_cast %get3A_12 : vector<1x1000x1xf32> to vector<1000x1xf32>
    %get3A_14 = arith.constant 1 : index
    %get3A_15 = arith.constant 0 : index
    %get3A_16 = arith.constant 0 : index
    %get3A_17 = vector.load %arg2[%get3A_14, %get3A_15, %get3A_16] : memref<2x1000x16xf32, #tpu.memory_space<vmem>>, vector<1x1000x1xf32>
    %get3A_18 = vector.shape_cast %get3A_17 : vector<1x1000x1xf32> to vector<1000x1xf32>
    %add3A_19 = arith.addf %get3A_13, %get3A_18 : vector<1000x1xf32>
    %max3A = arith.constant 1.000000e+00 : f32
    %max3A_20 = vector.broadcast %max3A : f32 to vector<1000x1xf32>
    %max3A_21 = arith.maximumf %add3A_19, %max3A_20 : vector<1000x1xf32>
    %div3A = vector.broadcast %max3A_21 : vector<1000x1xf32> to vector<1000x128xf32>
    %div3A_22 = arith.divf %add3A, %div3A : vector<1000x128xf32>
    %get3A_23 = arith.constant 0 : index
    %get3A_24 = arith.constant 0 : index
    %get3A_25 = vector.load %arg3[%get3A_23, %get3A_24] : memref<128x128xf32, #tpu.memory_space<vmem>>, vector<128x128xf32>
    %dot_general3A = arith.constant dense<0.000000e+00> : vector<1000x128xf32>
    %dot_general3A_26 = tpu.matmul %div3A_22, %get3A_25, %dot_general3A {dimension_numbers = #tpu.dot_dimension_numbers<[1], [0], [0], [1], [0, 0, 1, 1], [], []>, transpose_lhs_hint = false} : vector<1000x128xf32>, vector<128x128xf32>, vector<1000x128xf32> -> vector<1000x128xf32>
    %get3A_27 = arith.constant 0 : index
    %get3A_28 = vector.load %arg4[%get3A_27] : memref<128xf32, #tpu.memory_space<vmem>>, vector<128xf32>
    %broadcast_in_dim3A = vector.shape_cast %get3A_28 : vector<128xf32> to vector<1x128xf32>
    %add3A_29 = vector.broadcast %broadcast_in_dim3A : vector<1x128xf32> to vector<1000x128xf32>
    %add3A_30 = arith.addf %dot_general3A_26, %add3A_29 : vector<1000x128xf32>
    %mul3A = arith.constant 5.000000e-01 : f32
    %mul3A_31 = vector.broadcast %mul3A : f32 to vector<1000x128xf32>
    %mul3A_32 = arith.mulf %mul3A_31, %add3A_30 : vector<1000x128xf32>
    %mul3A_33 = arith.constant 0.707106769 : f32
    %mul3A_34 = vector.broadcast %mul3A_33 : f32 to vector<1000x128xf32>
    %mul3A_35 = arith.mulf %add3A_30, %mul3A_34 : vector<1000x128xf32>
    %erf3A = math.erf %mul3A_35 : vector<1000x128xf32>
    %add3A_36 = arith.constant 1.000000e+00 : f32
    %add3A_37 = vector.broadcast %add3A_36 : f32 to vector<1000x128xf32>
    %add3A_38 = arith.addf %add3A_37, %erf3A : vector<1000x128xf32>
    %mul3A_39 = arith.mulf %mul3A_32, %add3A_38 : vector<1000x128xf32>
    %get3A_40 = arith.constant 0 : index
    %get3A_41 = arith.constant 0 : index
    %get3A_42 = vector.load %arg5[%get3A_40, %get3A_41] : memref<128x64xf32, #tpu.memory_space<vmem>>, vector<128x64xf32>
    %dot_general3A_43 = arith.constant dense<0.000000e+00> : vector<1000x64xf32>
    %dot_general3A_44 = tpu.matmul %mul3A_39, %get3A_42, %dot_general3A_43 {dimension_numbers = #tpu.dot_dimension_numbers<[1], [0], [0], [1], [0, 0, 1, 1], [], []>, transpose_lhs_hint = false} : vector<1000x128xf32>, vector<128x64xf32>, vector<1000x64xf32> -> vector<1000x64xf32>
    %get3A_45 = arith.constant 0 : index
    %get3A_46 = vector.load %arg6[%get3A_45] : memref<64xf32, #tpu.memory_space<vmem>>, vector<64xf32>
    %broadcast_in_dim3A_47 = vector.shape_cast %get3A_46 : vector<64xf32> to vector<1x64xf32>
    %add3A_48 = vector.broadcast %broadcast_in_dim3A_47 : vector<1x64xf32> to vector<1000x64xf32>
    %add3A_49 = arith.addf %dot_general3A_44, %add3A_48 : vector<1000x64xf32>
    %swap3A = arith.constant 0 : index
    %swap3A_50 = arith.constant 0 : index
    %swap3A_51 = vector.load %arg7[%swap3A, %swap3A_50] : memref<1000x64xf32, #tpu.memory_space<vmem>>, vector<1000x64xf32>
    tpu.vector_store %arg7[%swap3A, %swap3A_50], %add3A_49 {strides = array<i32>} : memref<1000x64xf32, #tpu.memory_space<vmem>>, vector<1000x64xf32>,
    return
  }
  func.func @transform_0(%arg0: i32) -> (i32, i32, i32) {
    %c0_i32 = arith.constant 0 : i32
    %c0_i32_0 = arith.constant 0 : i32
    %c0_i32_1 = arith.constant 0 : i32
    return %c0_i32, %arg0, %c0_i32_0 : i32, i32, i32
  }
  func.func @transform_1(%arg0: i32) -> (i32, i32, i32) {
    %c0_i32 = arith.constant 0 : i32
    %c0_i32_0 = arith.constant 0 : i32
    %c0_i32_1 = arith.constant 0 : i32
    return %c0_i32, %arg0, %c0_i32_0 : i32, i32, i32
  }
  func.func @transform_2(%arg0: i32) -> (i32, i32) {
    %c0_i32 = arith.constant 0 : i32
    %c0_i32_0 = arith.constant 0 : i32
    %c0_i32_1 = arith.constant 0 : i32
    return %c0_i32, %c0_i32_0 : i32, i32
  }
  func.func @transform_3(%arg0: i32) -> i32 {
    %c0_i32 = arith.constant 0 : i32
    %c0_i32_0 = arith.constant 0 : i32
    return %c0_i32 : i32
  }
  func.func @transform_4(%arg0: i32) -> (i32, i32) {
    %c0_i32 = arith.constant 0 : i32
    %c0_i32_0 = arith.constant 0 : i32
    %c0_i32_1 = arith.constant 0 : i32
    return %c0_i32, %c0_i32_0 : i32, i32
  }
  func.func @transform_5(%arg0: i32) -> i32 {
    %c0_i32 = arith.constant 0 : i32
    %c0_i32_0 = arith.constant 0 : i32
    return %c0_i32 : i32
  }
  func.func @transform_6(%arg0: i32) -> (i32, i32) {
    %c0_i32 = arith.constant 0 : i32
    %c0_i32_0 = arith.constant 0 : i32
    return %arg0, %c0_i32 : i32, i32
  }
}

</mosaic_0001>

<sc_bundles>
// kernel: kernel.4.cloned.1.call-start
scs
__scs_entry_jumppad:
0x0: {  	(pc) =	sbr.rel $0x88, $3  }
0x1: {  	(tag) =	ssettag $0x0;
	lr =	simm.s32 $0x1  }
0x2: {  	[smem:$0x3F9B] =	sst lr;
	_ =	strace $0xD0000000  }
0x3: {  	_ = 	snop  }
0x4: {  	_ = 	snop  }
0x5: {  	_ = 	snop  }
0x6: {  	_ = 	snop  }
0x7: {  	_ = 	snop  }
__scs_overlays_trampoline_lowered:
0x8: {  	[smem:$0x3FAA] =	sst s0  }
0x9: {  	[smem:$0x3FAB] =	sst s1  }
0xa: {  	[smem:$0x3FAC] =	sst s2  }
0xb: {  	[smem:$0x3FAD] =	sst s3  }
0xc: {  	[smem:$0x3FAE] =	sst s4  }
0xd: {  	[smem:$0x3FAF] =	sst s5  }
0xe: {  	[smem:$0x3FB0] =	sst s6  }
0xf: {  	[smem:$0x3FB1] =	sst s7  }
0x10: {  	[smem:$0x3FB2] =	sst s8  }
0x11: {  	[smem:$0x3FB3] =	sst s9;
	s0 =	simm.s32 @!p0 $0x0  }
0x12: {  	s1 =	sld [smem:$0x3F99];
	s0 =	simm.s32 @p0 $0x1  }
0x13: {  	[smem:$0x3FB4] =	sst s0;
	s0 =	simm.s32 @!p1 $0x0  }
0x14: {  	s2 =	sld [smem:$0x3F98];
	s0 =	simm.s32 @p1 $0x1  }
0x15: {  	[smem:$0x3FB5] =	sst s0;
	s0 =	simm.s32 @!p2 $0x0  }
0x16: {  	s3 =	sld [smem:$0x3FDB];
	s0 =	simm.s32 @p2 $0x1  }
0x17: {  	s4 =	simm.s32 $0x1BF5;
	[smem:$0x3FB7] =	sst s0  }
0x18: {  	s0 =	sld [smem:$0x3F9A];
	_ =	swait.ge [sflag:s4], $0x0  }
0x19: {  	s7 =	sld [smem:$0x3F9B]  }
0x1a: {  	s8 =	sadd.s32 $0xFFFFE003, lr  }
0x1b: {  	s9 =	sadd.s32 $0xFFFFFEF7, lr;
	s5 =	simm.s32 $0xFFFFFFFF;
	p2 =	slt.u32 s8, $0xFFFFF086  }
0x1c: {  	p1 =	slt.u32 s9, $0xF7A;
	s5 =	simm.s32 @!p2 $0x0  }
0x1d: {  	s5 =	simm.s32 @p1 $0x1;
	p0 =	seq.s32 s7, s2  }
0x1e: {  	s7 =	smul.u32 @!p0 $0xF7A, s2;
	p2 =	seq.s32 @!p0 s5, $0x0  }
0x1f: {  	s9 =	smul.u32 $0xF7A, s1;
	s8 =	simm.s32 @!p0 $0x1BF5;
	p2 =	por !p2, p0  }
0x20: {  	[sflag:s8] =	ssyncset.s32 @!p0 $0xFFFFF086;
	s6 =	sadd.s32 @!p0 s3, s7;
	s7 =	simm.s32 @!p0 $0x108  }
0x21: {  	s3 =	sadd.s32 s3, s9;
	s6 =	sadd.s32 @!p0 $0x88, s6;
	s7 =	simm.s32 @p2 $0x1082  }
0x22: {  	[simem:s7], [sflag:s8] =	dma.local @!p0 [hbm:s6], $0xF7A  }
0x23: {  	s9 =	sor.u32 $0xD0000000, s2;
	s6 =	simm.s32 $0x108;
	_ =	swait.ge @!p0 [sflag:s8], $0x0  }
0x24: {  	s3 =	sadd.s32 $0x88, s3;
	s6 =	simm.s32 @!p1 $0x1082;
	[sflag:s4] =	ssyncset.s32 $0xFFFFF086  }
0x25: {  	[simem:s6], [sflag:s4] =	dma.local [hbm:s3], $0xF7A  }
0x26: {  	[smem:$0x3F9B] =	sst s1;
	(tag) =	ssettag s2;
	_ =	strace s9  }
0x27: {  	s1 =	sld [smem:$0x3FAB]  }
0x28: {  	s2 =	sld [smem:$0x3FAC]  }
0x29: {  	s4 =	sld [smem:$0x3FAE]  }
0x2a: {  	p0 =	seq.s32 s5, $0x0;
	s5 =	sld [smem:$0x3FAF]  }
0x2b: {  	s6 =	sld [smem:$0x3FB0]  }
0x2c: {  	s7 =	sld [smem:$0x3FB1]  }
0x2d: {  	s3 =	simm.s32 $0x108;
	s8 =	sld [smem:$0x3FB2]  }
0x2e: {  	s3 =	simm.s32 @!p0 $0x1082;
	s9 =	sld [smem:$0x3FB3]  }
0x2f: {  	lr =	sadd.s32 s0, s3;
	s0 =	sld [smem:$0x3FAA]  }
0x30: {  	s3 =	sld [smem:$0x3FAD]  }
0x31: {  	[smem:$0x3FB6] =	sst s10  }
0x32: {  	s10 =	sld [smem:$0x3FB4];
	_ =	sdelay $0x3  }
0x33: {  	p0 =	seq.s32 s10, $0x1;
	s10 =	sld [smem:$0x3FB6];
	_ =	sdelay $0x3  }
0x34: {  	[smem:$0x3FB6] =	sst s10  }
0x35: {  	s10 =	sld [smem:$0x3FB5];
	_ =	sdelay $0x3  }
0x36: {  	p1 =	seq.s32 s10, $0x1;
	s10 =	sld [smem:$0x3FB6];
	_ =	sdelay $0x3  }
0x37: {  	[smem:$0x3FB6] =	sst s10  }
0x38: {  	s10 =	sld [smem:$0x3FB7]  }
0x39: {  	_ = 	snop;
	(pc) =	sbr.ind lr, $3  }
0x3a: {  	_ = 	snop  }
0x3b: {  	_ = 	snop  }
0x3c: {  	p2 =	seq.s32 s10, $0x1;
	s10 =	sld [smem:$0x3FB6]  }
0x3d: {  	_ =	shalt  }
0x3e: {  	_ =	shalt  }
0x3f: {  	_ =	shalt  }
0x40: {  	_ =	shalt  }
0x41: {  	_ =	shalt  }
0x42: {  	_ =	shalt  }
0x43: {  	_ =	shalt  }
0x44: {  	_ =	shalt  }
0x45: {  	_ =	shalt  }
0x46: {  	_ =	shalt  }
0x47: {  	_ =	shalt  }
0x48: {  	_ =	shalt  }
0x49: {  	_ =	shalt  }
0x4a: {  	_ =	shalt  }
0x4b: {  	_ =	shalt  }
0x4c: {  	_ =	shalt  }
0x4d: {  	_ =	shalt  }
0x4e: {  	_ =	shalt  }
0x4f: {  	_ =	shalt  }
0x50: {  	_ =	shalt  }
0x51: {  	_ =	shalt  }
0x52: {  	_ =	shalt  }
0x53: {  	_ =	shalt  }
0x54: {  	_ =	shalt  }
0x55: {  	_ =	shalt  }
0x56: {  	_ =	shalt  }
0x57: {  	_ =	shalt  }
0x58: {  	_ =	shalt  }
0x59: {  	_ =	shalt  }
0x5a: {  	_ =	shalt  }
0x5b: {  	_ =	shalt  }
0x5c: {  	_ =	shalt  }
0x5d: {  	_ =	shalt  }
0x5e: {  	_ =	shalt  }
0x5f: {  	_ =	shalt  }
0x60: {  	_ =	shalt  }
0x61: {  	_ =	shalt  }
0x62: {  	_ =	shalt  }
0x63: {  	_ =	shalt  }
0x64: {  	_ =	shalt  }
0x65: {  	_ =	shalt  }
0x66: {  	_ =	shalt  }
0x67: {  	_ =	shalt  }
0x68: {  	_ =	shalt  }
0x69: {  	_ =	shalt  }
0x6a: {  	_ =	shalt  }
0x6b: {  	_ =	shalt  }
0x6c: {  	_ =	shalt  }
0x6d: {  	_ =	shalt  }
0x6e: {  	_ =	shalt  }
0x6f: {  	_ =	shalt  }
0x70: {  	_ =	shalt  }
0x71: {  	_ =	shalt  }
0x72: {  	_ =	shalt  }
0x73: {  	_ =	shalt  }
0x74: {  	_ =	shalt  }
0x75: {  	_ =	shalt  }
0x76: {  	_ =	shalt  }
0x77: {  	_ =	shalt  }
0x78: {  	_ =	shalt  }
0x79: {  	_ =	shalt  }
0x7a: {  	_ =	shalt  }
0x7b: {  	_ =	shalt  }
0x7c: {  	_ =	shalt  }
0x7d: {  	_ =	shalt  }
0x7e: {  	_ =	shalt  }
0x7f: {  	_ =	shalt  }
0x80: {  	_ =	shalt  }
0x81: {  	_ =	shalt  }
0x82: {  	_ =	shalt  }
0x83: {  	_ =	shalt  }
0x84: {  	_ =	shalt  }
0x85: {  	_ =	shalt  }
0x86: {  	_ =	shalt  }
0x87: {  	_ =	shalt  }
.Lfunc_end0:
.L_simem_size_0:
called_computation_lowered:
.L_overlay_start_0:
0x88: {  	s2 =	sld [smem:$0x3FD9]  }
0x89: {  	s3 =	sld [smem:$0x3FFE];
	_ =	sdelay $0x1  }
0x8a: {  	s1 =	srdreg.scid  }
0x8b: {  	s0 =	sand.u32 $0x1, s1  }
0x8c: {  	s17 =	sshll.u32 s0, $0xA;
	s2 =	sadd.s32 s3, s2  }
0x8d: {  	s2 =	sadd.s32 s2, s17  }
0x8e: {  	[smem:$0x3FC2] =	sst s2  }
0x8f: {  	_ = 	snop  }
0x90: {  	s2 =	sld [smem:$0x3FC9]  }
0x91: {  	s18 =	sld [smem:$0x3FC8]  }
0x92: {  	s4 =	sld [smem:$0x3FD0];
	(tm) =	ssettm $0x1  }
0x93: {  	s5 =	sld [smem:$0x3FFB];
	_ =	sdelay $0x3  }
0x94: {  	_ =	strace s5  }
0x95: {  	s5 =	sld [smem:$0x3FFC];
	_ =	sdelay $0x3  }
0x96: {  	_ =	strace s5  }
0x97: {  	s5 =	sld [smem:$0x3FFD];
	_ =	sdelay $0x3  }
0x98: {  	_ =	strace s5  }
0x99: {  	_ =	strace $0x8FFFFFFF  }
0x9a: {  	s19 =	sld [smem:$0x3FDB];
	_ =	sdelay $0x1  }
0x9b: {  	s6 =	simm.s32 $_scs_section_size  }
0x9c: {  	s7 =	simm.s32 $_size__tile_overlayer_lowered;
	s8 =	simm.s32 $_tile_overlayer_lowered  }
0x9d: {  	s22 =	simm.s32 $0x1BFF;
	s21 =	sshll.u32 s8, $0x1;
	s5 =	sadd.s32 s6, s19  }
0x9e: {  	s9 =	simm.s32 $0x0;
	s20 =	sshll.u32 s7, $0x1;
	s7 =	sadd.s32 s21, s5  }
0x9f: {  	[timem:s9], [sflag:s22] =	dma.local [hbm:s7], s20  }
0xa0: {  	_ =	swait.ge [sflag:s22], s20  }
0xa1: {  	s6 =	ssub.s32 $0x0, s20;
	[sflag:s22] =	ssyncset.done $0x0  }
0xa2: {  	[sflag:s22] =	ssyncadd.s32 s6;
	_ =	sdelay $0x1  }
0xa3: {  	s23 =	simm.s32 $0x1B8B  }
0xa4: {  	_ =	swait.ge [sflag:s23], $0x1  }
0xa5: {  	[sflag:s23] =	ssyncset.done $0x0  }
0xa6: {  	s25 =	simm.s32 $0x1B8E;
	s24 =	sld [smem:$0x3FFE];
	[sflag:s23] =	ssyncadd.s32 $0xFFFFFFFF  }
0xa7: {  	s26 =	simm.s32 $execute0_lowered;
	[smem:$0x3FD2] =	sst s25  }
0xa8: {  	s7 =	sshll.u32 s26, $0x1;
	_ =	strace $0x80000046;
	[dreg:$0x1] =	wrdreg $0xFFFFFFFF  }
0xa9: {  	s28 =	simm.s32 $_size_execute0_lowered;
	s5 =	sadd.s32 s5, s7;
	[dreg:$0x0] =	wrdreg $0x0  }
0xaa: {  	s7 =	sshll.u32 s28, $0x1;
	[dreg:$0x2] =	wrdreg s5  }
0xab: {  	[dreg:$0x3] =	wrdreg s7  }
0xac: {  	[dreg:$0x4] =	wrdreg $0xC0  }
0xad: {  	_ =	task [dreg:s9], $0x5FFFF  }
0xae: {  	[dreg:$0x1] =	wrdreg $0xFFFFFFFF  }
0xaf: {  	[dreg:$0x0] =	wrdreg $0x60  }
0xb0: {  	[dreg:$0x2] =	wrdreg s2  }
0xb1: {  	[dreg:$0x3] =	wrdreg s18  }
0xb2: {  	[dreg:$0x4] =	wrdreg s24  }
0xb3: {  	[dreg:$0x5] =	wrdreg s4  }
0xb4: {  	[dreg:$0x6] =	wrdreg $0x95000  }
0xb5: {  	[dreg:$0x7] =	wrdreg $0x1CD800  }
0xb6: {  	[dreg:$0x8] =	wrdreg $0x9  }
0xb7: {  	_ =	task.clear_ibuf [dreg:s9], $0x9FFFF;
	_ =	strace $0x90000046  }
0xb8: {  	s29 =	simm.s32 $0x9;
	_ =	strace $0x80000048  }
0xb9: {  	_ =	swait.ge [sflag:s29], $0x1  }
0xba: {  	[sflag:s29] =	ssyncadd.s32 $0xFFFFFFFF  }
0xbb: {  	_ =	strace $0x90000048  }
0xbc: {  	_ =	sfence  }
0xbd: {  	s30 =	sld [smem:$0x0];
	_ =	sdelay $0x2  }
0xbe: {  	s31 =	sshll.u32 s1, $0xD;
	s1 =	sshrl.u32 s1, $0x2  }
0xbf: {  	s3 =	sand.u32 $0x4000, s31;
	s1 =	sadd.s32 s1, s30  }
0xc0: {  	s0 =	sor.u32 s3, s0;
	s1 =	sshll.u32 s1, $0x11  }
0xc1: {  	s0 =	sor.u32 s1, s0  }
0xc2: {  	s0 =	sadd.s32 $0x8F2B, s0  }
0xc3: {  	[sflag:s0] =	ssyncadd.remote.s32 $0x1  }
0xc4: {  	_ =	sfence.sel $0xFFFF  }
0xc5: {  	[dreg:$0x0] =	wrdreg $0xFFFFFFFF;
	(pc) =	sbr.abs _section_cstart, $3  }
0xc6: {  	[dreg:$0x1] =	wrdreg $0xFFFFFFFF  }
0xc7: {  	_ =	task.clear_ibuf [dreg:s9], $0x2FFFF;
	_ =	strace $0x9FFFFFFF  }
0xc8: {  	(tm) =	ssettm $0x7FFFFFFF  }
0xc9: {  	_ =	shalt  }
tec
execute0_lowered:
.L_overlay_start_1:
0x0: {  	(tag) =	ssettag $0x1  }
0x1: {  	s9 =	rddreg [dreg:$0x0]  }
0x2: {  	s10 =	rddreg [dreg:$0x1]  }
0x3: {  	s2 =	rddreg [dreg:$0x2]  }
0x4: {  	s12 =	rddreg [dreg:$0x3]  }
0x5: {  	s0 =	rddreg [dreg:$0x4];
	s1 =	simm.s32 $0x0;
	s3 =	srdreg.scid  }
0x6: {  	s6 =	stileid.u32;
	[smem:$0x7FF] =	sst s1  }
0x7: {  	s11 =	sand.u32 $0x1, s3;
	s13 =	sadd.s32 $0x1200, s2;
	s4 =	sshll.u32 s6, $0x1  }
0x8: {  	s7 =	sshll.u32 s6, $0x7;
	s19 =	sshll.u32 s6, $0xB;
	p0 =	seq.s32 s6, $0xF  }
0x9: {  	s8 =	ssub.s32 $0x2, s11;
	s4 =	sor.u32 s11, s4;
	s5 =	sor.u32 $0x1000, s7  }
0xa: {  	s15 =	sor.u32 $0x2000, s7;
	s22 =	sor.u32 $0x1800, s7;
	s17 =	smul.u32 $0x27100, s11  }
0xb: {  	s3 =	sor.u32 $0x830, s7;
	s28 =	sor.u32 $0x1020, s7;
	s29 =	sor.u32 $0x1040, s7  }
0xc: {  	s30 =	sor.u32 $0x1050, s7;
	s31 =	sor.u32 $0x1840, s7;
	s14 =	sshrl.u32 s8, $0x1  }
0xd: {  	v39 =	vlaneseq.u32;
	[dreg:$0x16] =	wrdreg s22;
	s23 =	sshll.u32 s5, $0x7;
	s26 =	sshll.u32 s5, $0x4  }
0xe: {  	v10 =	vor.u32 s3, v39;
	s3 =	sor.u32 $0x1860, s7;
	v18 =	vor.u32 s28, v39;
	v20 =	vor.u32 s29, v39;
	s28 =	simm.s32 $0x3;
	s29 =	simm.s32 $0x4  }
0xf: {  	v21 =	vor.u32 s30, v39;
	v28 =	vor.u32 s31, v39;
	s30 =	simm.s32 $0x5;
	s31 =	simm.s32 $0x4000;
	s2 =	ssub.s32 s8, s14  }
0x10: {  	s8 =	sor.u32 $0x800, s7;
	s14 =	smul.u32 $0x138800, s11;
	v30 =	vor.u32 s3, v39;
	s3 =	simm.s32 $0x2  }
0x11: {  	[dreg:$0x15] =	wrdreg s2;
	s2 =	smin.u32 s15, $0x2690;
	s15 =	sshll.u32 s6, $0xE  }
0x12: {  	s18 =	sshll.u32 s8, $0x7;
	s21 =	sshll.u32 s8, $0x4;
	v7 =	vor.u32 s8, v39;
	s8 =	sor.u32 $0x1820, s7  }
0x13: {  	v16 =	vor.u32 s5, v39;
	s16 =	sadd.s32 s15, s14;
	s18 =	sadd.s32 s14, s18;
	s5 =	sor.u32 $0x20, s2  }
0x14: {  	s6 =	sadd.s32 $0x50, s2;
	v26 =	vor.u32 s8, v39;
	s8 =	simm.s32 $0x8400;
	s16 =	sshrl.u32 s16, $0x3  }
0x15: {  	s18 =	sshrl.u32 s18, $0x3;
	v34 =	vor.u32 s5, v39;
	v37 =	vor.u32 s6, v39;
	s5 =	simm.s32 $0x8280;
	s6 =	simm.s32 $0x8300  }
0x16: {  	s16 =	sadd.s32 s13, s16;
	s20 =	sadd.s32 s13, s18;
	s18 =	sadd.s32 s17, s21  }
0x17: {  	s21 =	sshll.u32 s2, $0x7;
	[dreg:$0x7] =	wrdreg s16;
	s16 =	sadd.s32 s19, s17  }
0x18: {  	[dreg:$0x8] =	wrdreg s20;
	s19 =	sadd.s32 s14, s23;
	s20 =	sshll.u32 s22, $0x7  }
0x19: {  	s23 =	sshll.u32 s2, $0x4;
	s18 =	sshrl.u32 s18, $0x3;
	s19 =	sshrl.u32 s19, $0x3  }
0x1a: {  	s20 =	sadd.s32 s14, s20;
	s14 =	sadd.s32 s14, s21;
	s21 =	sshll.u32 s22, $0x4  }
0x1b: {  	s16 =	sshrl.u32 s16, $0x3;
	s18 =	sadd.s32 s12, s18;
	s24 =	sadd.s32 s13, s19  }
0x1c: {  	s25 =	sshrl.u32 s20, $0x3;
	s14 =	sshrl.u32 s14, $0x3;
	[dreg:$0xe] =	wrdreg s18  }
0x1d: {  	s18 =	sor.u32 $0x60, s7;
	[dreg:$0x9] =	wrdreg s24;
	s19 =	sadd.s32 s13, s25  }
0x1e: {  	s22 =	sadd.s32 s13, s14;
	s24 =	sadd.s32 s17, s26;
	s13 =	sadd.s32 s17, s23  }
0x1f: {  	s25 =	sshll.u32 s4, $0x6;
	v5 =	vor.u32 s18, v39;
	s18 =	sor.u32 $0x1870, s7;
	[dreg:$0xa] =	wrdreg s19  }
0x20: {  	[dreg:$0xb] =	wrdreg s22;
	s19 =	sadd.s32 s17, s21;
	s26 =	sadd.s32 s10, s25  }
0x21: {  	s17 =	sadd.s32 s12, s16;
	s14 =	sshrl.u32 s24, $0x3;
	s13 =	sshrl.u32 s13, $0x3  }
0x22: {  	s24 =	sshll.u32 s4, $0xD;
	s10 =	sadd.s32 s7, s10;
	s16 =	rddreg [dreg:$0x5]  }
0x23: {  	s25 =	sshll.u32 s11, $0x6;
	s11 =	sshll.u32 s11, $0xD;
	[dreg:$0xc] =	wrdreg s26  }
0x24: {  	[dreg:$0xd] =	wrdreg s17;
	s20 =	sshrl.u32 s19, $0x3;
	s21 =	sadd.s32 s12, s14  }
0x25: {  	s23 =	sadd.s32 s12, s13;
	s10 =	sadd.s32 s25, s10;
	s26 =	sadd.s32 s9, s24  }
0x26: {  	s9 =	sadd.s32 s15, s9;
	s13 =	sor.u32 $0x30, s7;
	s14 =	sor.u32 $0x40, s7  }
0x27: {  	s15 =	sor.u32 $0x50, s7;
	s19 =	sor.u32 $0x70, s7;
	[dreg:$0xf] =	wrdreg s21  }
0x28: {  	s24 =	sor.u32 $0x860, s7;
	s25 =	sor.u32 $0x870, s7;
	[dreg:$0x11] =	wrdreg s23  }
0x29: {  	s22 =	sadd.s32 s12, s20;
	[dreg:$0x12] =	wrdreg s26;
	s17 =	sadd.s32 s11, s9  }
0x2a: {  	s11 =	sor.u32 $0x10, s7;
	s12 =	sor.u32 $0x20, s7;
	s20 =	sor.u32 $0x810, s7  }
0x2b: {  	s21 =	sor.u32 $0x820, s7;
	s23 =	sor.u32 $0x850, s7;
	s26 =	sor.u32 $0x1010, s7  }
0x2c: {  	s9 =	sor.u32 $0x1030, s7;
	v3 =	vor.u32 s14, v39;
	v4 =	vor.u32 s15, v39;
	s14 =	sor.u32 $0x1060, s7;
	s15 =	sor.u32 $0x1810, s7  }
0x2d: {  	v6 =	vor.u32 s19, v39;
	s19 =	sor.u32 $0x1830, s7;
	v14 =	vor.u32 s24, v39;
	s24 =	sadd.s32 $0x1000, s10;
	s10 =	sor.u32 $0x40, s2  }
0x2e: {  	v2 =	vor.u32 s13, v39;
	v15 =	vor.u32 s25, v39;
	s13 =	sor.u32 $0x60, s2;
	s25 =	simm.s32 $0x8100;
	[dreg:$0x10] =	wrdreg s22  }
0x2f: {  	v40 =	vimm.f32 $0.0e+00;
	s22 =	sor.u32 $0x840, s7;
	v1 =	vor.u32 s12, v39;
	s12 =	sor.u32 $0x1070, s7;
	v8 =	vor.u32 s20, v39;
	s20 =	sor.u32 $0x1850, s7  }
0x30: {  	v41 =	vimm.f32 $1.000000000e+00;
	v0 =	vor.u32 s11, v39;
	s11 =	sor.u32 $0x40, s4;
	s4 =	sadd.s32 $0x10, s2;
	v19 =	vor.u32 s9, v39;
	s9 =	sadd.s32 $0x30, s2  }
0x31: {  	v11 =	vor.u32 s7, v39;
	v9 =	vor.u32 s21, v39;
	v22 =	vor.u32 s14, v39;
	s21 =	simm.s32 $0x80;
	s14 =	simm.s32 $0x1;
	_ =	strace $0x80000047  }
.Ltmp0:
0x32: {  	v32 =	vor.u32 s2, v39;
	v31 =	vor.u32 s18, v39;
	v12 =	vor.u32 s22, v39;
	[dreg:$0x14] =	wrdreg s24;
	s22 =	simm.s32 $0x8000;
	(pc) =	sbr.rel .LBB2_1-.Ltmp0, $4  }
0x33: {  	v13 =	vor.u32 s23, v39;
	v17 =	vor.u32 s26, v39;
	s24 =	simm.s32 $0x8080;
	v33 =	vor.u32 s4, v39;
	s4 =	simm.s32 $0x6;
	s23 =	rddreg [dreg:$0x15]  }
0x34: {  	v25 =	vor.u32 s15, v39;
	v27 =	vor.u32 s19, v39;
	v35 =	vor.u32 s9, v39;
	s9 =	simm.s32 $0x0;
	s26 =	rddreg [dreg:$0x16];
	s7 =	smax.u32 s23, $0x1  }
0x35: {  	v36 =	vor.u32 s10, v39;
	v38 =	vor.u32 s13, v39;
	v23 =	vor.u32 s12, v39;
	s23 =	simm.s32 $0x8D00;
	[dreg:$0x13] =	wrdreg s7;
	s7 =	sadd.s32 $0x70, s2  }
0x36: {  	v29 =	vor.u32 s20, v39;
	v24 =	vor.u32 s26, v39;
	s26 =	simm.s32 $0x8180;
	s2 =	simm.s32 $0x8500;
	v39 =	vor.u32 s7, v39;
	s7 =	simm.s32 $0x8380  }
.LBB2_7:
0x37: {  	_ =	swait.ge [sflag:s28], $0x4000  }
0x38: {  	[sflag:s28] =	ssyncset.done $0x0  }
0x39: {  	[sflag:s28] =	ssyncadd.s32 $0xFFFFC000  }
0x3a: {  	_ =	swait.ge [sflag:s29], $0x800  }
0x3b: {  	[sflag:s29] =	ssyncset.done $0x0  }
0x3c: {  	[sflag:s29] =	ssyncadd.s32 $0xFFFFF800  }
0x3d: {  	_ =	swait.ge [sflag:s29], $0x800  }
0x3e: {  	[sflag:s29] =	ssyncset.done $0x0  }
0x3f: {  	[sflag:s29] =	ssyncadd.s32 $0xFFFFF800  }
0x40: {  	_ =	swait.ge [sflag:s29], $0x800  }
0x41: {  	[sflag:s29] =	ssyncset.done $0x0  }
0x42: {  	[sflag:s29] =	ssyncadd.s32 $0xFFFFF800  }
0x43: {  	_ =	swait.ge [sflag:s29], $0x800  }
0x44: {  	[sflag:s29] =	ssyncset.done $0x0  }
0x45: {  	[sflag:s29] =	ssyncadd.s32 $0xFFFFF800  }
0x46: {  	[bflag:$0x0] =	sbarrier.arrive $0xFFFF  }
0x47: {  	[tilespmem:$0x8000] =	vst v11  }
0x48: {  	[tilespmem:$0x8010] =	vst v0  }
0x49: {  	[tilespmem:$0x8020] =	vst v1  }
0x4a: {  	[tilespmem:$0x8030] =	vst v2  }
0x4b: {  	[tilespmem:$0x8040] =	vst v3  }
0x4c: {  	[tilespmem:$0x8050] =	vst v4  }
0x4d: {  	[tilespmem:$0x8060] =	vst v5  }
0x4e: {  	[tilespmem:$0x8070] =	vst v6  }
0x4f: {  	[tilespmem:$0x8080] =	vst v7  }
0x50: {  	[tilespmem:$0x8090] =	vst v8  }
0x51: {  	[tilespmem:$0x80A0] =	vst v9  }
0x52: {  	[tilespmem:$0x80B0] =	vst v10  }
0x53: {  	[tilespmem:$0x80C0] =	vst v12  }
0x54: {  	[tilespmem:$0x80D0] =	vst v13  }
0x55: {  	[tilespmem:$0x80E0] =	vst v14  }
0x56: {  	[tilespmem:$0x80F0] =	vst v15  }
0x57: {  	[tilespmem:$0x8100] =	vst v16  }
0x58: {  	[tilespmem:$0x8110] =	vst v17  }
0x59: {  	[tilespmem:$0x8120] =	vst v18  }
0x5a: {  	[tilespmem:$0x8130] =	vst v19  }
0x5b: {  	[tilespmem:$0x8140] =	vst v20  }
0x5c: {  	[tilespmem:$0x8150] =	vst v21  }
0x5d: {  	[tilespmem:$0x8160] =	vst v22  }
0x5e: {  	[tilespmem:$0x8170] =	vst v23  }
0x5f: {  	[tilespmem:$0x8180] =	vst v24  }
0x60: {  	[tilespmem:$0x8190] =	vst v25  }
0x61: {  	[tilespmem:$0x81A0] =	vst v26  }
0x62: {  	[tilespmem:$0x81B0] =	vst v27  }
0x63: {  	[tilespmem:$0x81C0] =	vst v28  }
0x64: {  	[tilespmem:$0x81D0] =	vst v29  }
0x65: {  	[tilespmem:$0x81E0] =	vst v30  }
0x66: {  	[tilespmem:$0x81F0] =	vst v31  }
0x67: {  	[tilespmem:$0x8200] =	vst @!p0 v32  }
0x68: {  	[tilespmem:$0x8210] =	vst @!p0 v33  }
0x69: {  	[tilespmem:$0x8220] =	vst @!p0 v34  }
0x6a: {  	[tilespmem:$0x8230] =	vst @!p0 v35  }
0x6b: {  	[tilespmem:$0x8240] =	vst @!p0 v36  }
0x6c: {  	[tilespmem:$0x8250] =	vst @!p0 v37  }
0x6d: {  	[tilespmem:$0x8260] =	vst @!p0 v38  }
0x6e: {  	[tilespmem:$0x8270] =	vst @!p0 v39  }
0x6f: {  	[tilespmem:s1], [sflag:$0x1] =	stream.indirect.gather [spmem:s0], $0x80, s22, s21, $0xb8;
	[tilespmem:$0x1F490] =	vst v63  }
0x70: {  	_ = 	snop  }
0x71: {  	[tilespmem:s23], [sflag:$0x5] =	stream.indirect.gather [spmem:s16], $0x10, s22, s21, $0xb8;
	[tilespmem:$0x1F490] =	vst v63  }
0x72: {  	_ =	swait.ge [sflag:s14], $0x4000  }
0x73: {  	[sflag:s14] =	ssyncset.done $0x0  }
0x74: {  	s10 =	rddreg [dreg:$0x7];
	[sflag:s14] =	ssyncadd.s32 $0xFFFFC000  }
0x75: {  	[hbm4b:s10+s1] =	stream.linear.scatter [tilespmem:s1], [sflag:$0x1], $0x4000, $0x38;
	[tilespmem:$0x1F490] =	vst v63  }
0x76: {  	_ =	swait.ge [sflag:s30], $0x800  }
0x77: {  	[sflag:s30] =	ssyncset.done $0x0  }
0x78: {  	s19 =	rddreg [dreg:$0xd];
	[sflag:s30] =	ssyncadd.s32 $0xFFFFF800  }
0x79: {  	[hbm4b:s19+s1] =	stream.linear.scatter [tilespmem:s23], [sflag:$0x5], $0x800, $0x38;
	[tilespmem:$0x1F490] =	vst v63  }
0x7a: {  	_ = 	snop  }
0x7b: {  	[tilespmem:s31], [sflag:$0x2] =	stream.indirect.gather [spmem:s0], $0x80, s24, s21, $0xb8;
	[tilespmem:$0x1F490] =	vst v63  }
0x7c: {  	_ = 	snop  }
0x7d: {  	[tilespmem:s2], [sflag:$0x6] =	stream.indirect.gather [spmem:s16], $0x10, s24, s21, $0xb8;
	[tilespmem:$0x1F490] =	vst v63  }
0x7e: {  	_ =	swait.ge [sflag:s3], $0x4000  }
0x7f: {  	[sflag:s3] =	ssyncset.done $0x0  }
0x80: {  	s20 =	rddreg [dreg:$0x8];
	[sflag:s3] =	ssyncadd.s32 $0xFFFFC000  }
0x81: {  	[hbm4b:s20+s1] =	stream.linear.scatter [tilespmem:s31], [sflag:$0x2], $0x4000, $0x38;
	[tilespmem:$0x1F490] =	vst v63  }
0x82: {  	_ =	swait.ge [sflag:s4], $0x800  }
0x83: {  	[sflag:s4] =	ssyncset.done $0x0  }
0x84: {  	s12 =	rddreg [dreg:$0xe];
	[sflag:s4] =	ssyncadd.s32 $0xFFFFF800  }
0x85: {  	[hbm4b:s12+s1] =	stream.linear.scatter [tilespmem:s2], [sflag:$0x6], $0x800, $0x38;
	[tilespmem:$0x1F490] =	vst v63  }
0x86: {  	_ =	swait.ge [sflag:s14], $0x4000  }
0x87: {  	[sflag:s14] =	ssyncset.done $0x0  }
0x88: {  	[sflag:s14] =	ssyncadd.s32 $0xFFFFC000  }
0x89: {  	_ =	swait.ge [sflag:s30], $0x800  }
0x8a: {  	[sflag:s30] =	ssyncset.done $0x0  }
0x8b: {  	[sflag:s30] =	ssyncadd.s32 $0xFFFFF800  }
0x8c: {  	[tilespmem:s1], [sflag:$0x1] =	stream.indirect.gather [spmem:s0], $0x80, s25, s21, $0xb8;
	[tilespmem:$0x1F490] =	vst v63  }
0x8d: {  	_ = 	snop  }
0x8e: {  	[tilespmem:s23], [sflag:$0x5] =	stream.indirect.gather [spmem:s16], $0x10, s25, s21, $0xb8;
	[tilespmem:$0x1F490] =	vst v63  }
0x8f: {  	_ =	swait.ge [sflag:s14], $0x4000  }
0x90: {  	[sflag:s14] =	ssyncset.done $0x0  }
0x91: {  	s13 =	rddreg [dreg:$0x9];
	[sflag:s14] =	ssyncadd.s32 $0xFFFFC000  }
0x92: {  	[hbm4b:s13+s1] =	stream.linear.scatter [tilespmem:s1], [sflag:$0x1], $0x4000, $0x38;
	[tilespmem:$0x1F490] =	vst v63  }
0x93: {  	_ =	swait.ge [sflag:s30], $0x800  }
0x94: {  	[sflag:s30] =	ssyncset.done $0x0  }
0x95: {  	s15 =	rddreg [dreg:$0xf];
	[sflag:s30] =	ssyncadd.s32 $0xFFFFF800  }
0x96: {  	[hbm4b:s15+s1] =	stream.linear.scatter [tilespmem:s23], [sflag:$0x5], $0x800, $0x38;
	[tilespmem:$0x1F490] =	vst v63  }
0x97: {  	_ =	swait.ge [sflag:s3], $0x4000  }
0x98: {  	[sflag:s3] =	ssyncset.done $0x0  }
0x99: {  	[sflag:s3] =	ssyncadd.s32 $0xFFFFC000  }
0x9a: {  	_ =	swait.ge [sflag:s4], $0x800  }
0x9b: {  	[sflag:s4] =	ssyncset.done $0x0  }
0x9c: {  	[sflag:s4] =	ssyncadd.s32 $0xFFFFF800  }
0x9d: {  	[tilespmem:s31], [sflag:$0x2] =	stream.indirect.gather [spmem:s0], $0x80, s26, s21, $0xb8;
	[tilespmem:$0x1F490] =	vst v63  }
0x9e: {  	_ = 	snop  }
0x9f: {  	[tilespmem:s2], [sflag:$0x6] =	stream.indirect.gather [spmem:s16], $0x10, s26, s21, $0xb8;
	[tilespmem:$0x1F490] =	vst v63  }
0xa0: {  	_ =	swait.ge [sflag:s3], $0x4000  }
0xa1: {  	[sflag:s3] =	ssyncset.done $0x0  }
0xa2: {  	s18 =	rddreg [dreg:$0xa];
	[sflag:s3] =	ssyncadd.s32 $0xFFFFC000  }
0xa3: {  	[hbm4b:s18+s1] =	stream.linear.scatter [tilespmem:s31], [sflag:$0x2], $0x4000, $0x38;
	[tilespmem:$0x1F490] =	vst v63  }
0xa4: {  	_ =	swait.ge [sflag:s4], $0x800  }
0xa5: {  	[sflag:s4] =	ssyncset.done $0x0  }
0xa6: {  	s19 =	rddreg [dreg:$0x10];
	[sflag:s4] =	ssyncadd.s32 $0xFFFFF800  }
0xa7: {  	[hbm4b:s19+s1] =	stream.linear.scatter [tilespmem:s2], [sflag:$0x6], $0x800, $0x38;
	[tilespmem:$0x1F490] =	vst v63  }
0xa8: {  	_ =	swait.ge [sflag:s14], $0x4000  }
0xa9: {  	[sflag:s14] =	ssyncset.done $0x0  }
0xaa: {  	[sflag:s14] =	ssyncadd.s32 $0xFFFFC000  }
0xab: {  	_ =	swait.ge [sflag:s30], $0x800  }
0xac: {  	s10 =	simm.s32 @!p0 $0x80;
	[sflag:s30] =	ssyncset.done $0x0  }
0xad: {  	s12 =	simm.s32 @!p0 $0x8200;
	s13 =	simm.s32 @!p0 $0x0;
	[sflag:s30] =	ssyncadd.s32 $0xFFFFF800  }
0xae: {  	[tilespmem:s13], [sflag:$0x1] =	stream.indirect.gather @!p0 [spmem:s0], $0x80, s12, s10, $0xb8;
	[tilespmem:$0x1F490] =	vst v63  }
0xaf: {  	s15 =	simm.s32 @!p0 $0x8D00  }
0xb0: {  	[tilespmem:s15], [sflag:$0x5] =	stream.indirect.gather @!p0 [spmem:s16], $0x10, s12, s10, $0xb8;
	[tilespmem:$0x1F490] =	vst v63  }
0xb1: {  	s10 =	simm.s32 @!p0 $0x1  }
0xb2: {  	_ =	swait.ge @!p0 [sflag:s10], $0x4000  }
0xb3: {  	[sflag:s10] =	ssyncset.done @!p0 $0x0  }
0xb4: {  	s12 =	rddreg [dreg:$0xb];
	[sflag:s10] =	ssyncadd.s32 @!p0 $0xFFFFC000  }
0xb5: {  	[hbm4b:s12+s13] =	stream.linear.scatter @!p0 [tilespmem:s13], [sflag:$0x1], $0x4000, $0x38;
	[tilespmem:$0x1F490] =	vst v63  }
0xb6: {  	s12 =	simm.s32 @!p0 $0x5  }
0xb7: {  	_ =	swait.ge @!p0 [sflag:s12], $0x800  }
0xb8: {  	[sflag:s12] =	ssyncset.done @!p0 $0x0  }
0xb9: {  	s18 =	rddreg [dreg:$0x11];
	[sflag:s12] =	ssyncadd.s32 @!p0 $0xFFFFF800  }
0xba: {  	[hbm4b:s18+s13] =	stream.linear.scatter @!p0 [tilespmem:s15], [sflag:$0x5], $0x800, $0x38;
	[tilespmem:$0x1F490] =	vst v63  }
0xbb: {  	s13 =	simm.s32 @!p0 $0x2  }
0xbc: {  	_ =	swait.ge @!p0 [sflag:s13], $0x4000  }
0xbd: {  	[sflag:s13] =	ssyncset.done @!p0 $0x0  }
0xbe: {  	[sflag:s13] =	ssyncadd.s32 @!p0 $0xFFFFC000;
	s13 =	simm.s32 @!p0 $0x6  }
0xbf: {  	_ =	swait.ge @!p0 [sflag:s13], $0x800  }
0xc0: {  	[sflag:s13] =	ssyncset.done @!p0 $0x0  }
0xc1: {  	s10 =	simm.s32 @p0 $0x2;
	[sflag:s13] =	ssyncadd.s32 @!p0 $0xFFFFF800  }
0xc2: {  	_ =	swait.ge [sflag:s10], $0x4000  }
0xc3: {  	[sflag:s10] =	ssyncset.done $0x0  }
0xc4: {  	s12 =	simm.s32 @p0 $0x6;
	[sflag:s10] =	ssyncadd.s32 $0xFFFFC000  }
0xc5: {  	_ =	swait.ge [sflag:s12], $0x800  }
0xc6: {  	s9 =	sadd.s32 $0x1, s9;
	s20 =	rddreg [dreg:$0x13]  }
0xc7: {  	p1 =	sne.s32 s9, s20  }
.Ltmp1:
0xc8: {  	_ = 	snop;
	(pc) =	sbr.rel @!p1 .LBB2_8-.Ltmp1, $3  }
0xc9: {  	_ =	sdelay $0x1  }
0xca: {  	[sflag:s12] =	ssyncset.done $0x0  }
0xcb: {  	[sflag:s12] =	ssyncadd.s32 $0xFFFFF800  }
.LBB2_1:
0xcc: {  	s10 =	simm.s32 $0x40  }
0xcd: {  	[tilespmem:s10+$0x20] =	vst v40  }
0xce: {  	[tilespmem:s10+$0x10] =	vst v40  }
0xcf: {  	[tilespmem:s10+$0x0] =	vst v40  }
0xd0: {  	[tilespmem:s10+$0xFFFFFFF0] =	vst v40  }
0xd1: {  	[tilespmem:s10+$0xFFFFFFE0] =	vst v40  }
0xd2: {  	[tilespmem:s10+$0xFFFFFFD0] =	vst v40  }
0xd3: {  	[tilespmem:s10+$0xFFFFFFC0] =	vst v40  }
0xd4: {  	s15 =	simm.s32 $0x0;
	s13 =	simm.s32 $0x40;
	[tilespmem:s10+$0x30] =	vst v40  }
.LBB2_2:
0xd5: {  	p1 =	sne.s32 s13, $0x1FC0;
	[tilespmem:s15+$0x8D00] =	vst v40  }
0xd6: {  	s10 =	sadd.s32 $0x80, s10;
	[tilespmem:s15+$0x8500] =	vst v41  }
0xd7: {  	[tilespmem:s10+$0x20] =	vst v40  }
0xd8: {  	[tilespmem:s10+$0x10] =	vst v40  }
0xd9: {  	[tilespmem:s10+$0x0] =	vst v40  }
.Ltmp2:
0xda: {  	[tilespmem:s10+$0xFFFFFFF0] =	vst v40;
	(pc) =	sbr.rel @p1 .LBB2_2-.Ltmp2, $4  }
0xdb: {  	[tilespmem:s10+$0xFFFFFFE0] =	vst v40  }
0xdc: {  	[tilespmem:s10+$0xFFFFFFD0] =	vst v40  }
0xdd: {  	[tilespmem:s10+$0xFFFFFFC0] =	vst v40  }
0xde: {  	s15 =	sshra.s32 s13, $0x2;
	s13 =	sadd.s32 $0x40, s13;
	[tilespmem:s10+$0x30] =	vst v40  }
0xdf: {  	[tilespmem:s15+$0x8D00] =	vst v40  }
0xe0: {  	[tilespmem:s15+$0x8500] =	vst v41  }
0xe1: {  	[tilespmem:$0x8000] =	vst v11  }
0xe2: {  	[tilespmem:$0x8010] =	vst v0  }
0xe3: {  	[tilespmem:$0x8020] =	vst v1  }
0xe4: {  	[tilespmem:$0x8030] =	vst v2  }
0xe5: {  	[tilespmem:$0x8040] =	vst v3  }
0xe6: {  	[tilespmem:$0x8050] =	vst v4  }
0xe7: {  	[tilespmem:$0x8060] =	vst v5  }
0xe8: {  	[tilespmem:$0x8070] =	vst v6  }
0xe9: {  	[spmem:s0] =	stream.indirect.scatter [tilespmem:s1], [sflag:$0x3], $0x80, s22, s21, $0xb8;
	[tilespmem:$0x1F490] =	vst v63  }
0xea: {  	_ = 	snop  }
0xeb: {  	[spmem:s16] =	stream.indirect.scatter [tilespmem:s23], [sflag:$0x4], $0x10, s22, s21, $0xb8;
	[tilespmem:$0x1F490] =	vst v63  }
0xec: {  	[tilespmem:$0x8080] =	vst v7  }
0xed: {  	[tilespmem:$0x8090] =	vst v8  }
0xee: {  	[tilespmem:$0x80A0] =	vst v9  }
0xef: {  	[tilespmem:$0x80B0] =	vst v10  }
0xf0: {  	[tilespmem:$0x80C0] =	vst v12  }
0xf1: {  	[tilespmem:$0x80D0] =	vst v13  }
0xf2: {  	[tilespmem:$0x80E0] =	vst v14  }
0xf3: {  	[tilespmem:$0x80F0] =	vst v15  }
0xf4: {  	[spmem:s0] =	stream.indirect.scatter [tilespmem:s1], [sflag:$0x3], $0x80, s24, s21, $0xb8;
	[tilespmem:$0x1F490] =	vst v63  }
0xf5: {  	_ = 	snop  }
0xf6: {  	[spmem:s16] =	stream.indirect.scatter [tilespmem:s23], [sflag:$0x4], $0x10, s24, s21, $0xb8;
	[tilespmem:$0x1F490] =	vst v63  }
0xf7: {  	[tilespmem:$0x8100] =	vst v16  }
0xf8: {  	[tilespmem:$0x8110] =	vst v17  }
0xf9: {  	[tilespmem:$0x8120] =	vst v18  }
0xfa: {  	[tilespmem:$0x8130] =	vst v19  }
0xfb: {  	[tilespmem:$0x8140] =	vst v20  }
0xfc: {  	[tilespmem:$0x8150] =	vst v21  }
0xfd: {  	[tilespmem:$0x8160] =	vst v22  }
0xfe: {  	[tilespmem:$0x8170] =	vst v23  }
0xff: {  	[spmem:s0] =	stream.indirect.scatter [tilespmem:s1], [sflag:$0x3], $0x80, s25, s21, $0xb8;
	[tilespmem:$0x1F490] =	vst v63  }
0x100: {  	_ = 	snop  }
0x101: {  	[spmem:s16] =	stream.indirect.scatter [tilespmem:s23], [sflag:$0x4], $0x10, s25, s21, $0xb8;
	[tilespmem:$0x1F490] =	vst v63  }
0x102: {  	[tilespmem:$0x8180] =	vst v24  }
0x103: {  	[tilespmem:$0x8190] =	vst v25  }
0x104: {  	[tilespmem:$0x81A0] =	vst v26  }
0x105: {  	[tilespmem:$0x81B0] =	vst v27  }
0x106: {  	[tilespmem:$0x81C0] =	vst v28  }
0x107: {  	[tilespmem:$0x81D0] =	vst v29  }
0x108: {  	[tilespmem:$0x81E0] =	vst v30  }
0x109: {  	[tilespmem:$0x81F0] =	vst v31  }
0x10a: {  	[spmem:s0] =	stream.indirect.scatter [tilespmem:s1], [sflag:$0x3], $0x80, s26, s21, $0xb8;
	[tilespmem:$0x1F490] =	vst v63  }
0x10b: {  	_ = 	snop  }
0x10c: {  	[spmem:s16] =	stream.indirect.scatter [tilespmem:s23], [sflag:$0x4], $0x10, s26, s21, $0xb8;
	[tilespmem:$0x1F490] =	vst v63  }
0x10d: {  	[tilespmem:$0x8200] =	vst @!p0 v32  }
0x10e: {  	[tilespmem:$0x8210] =	vst @!p0 v33  }
0x10f: {  	[tilespmem:$0x8220] =	vst @!p0 v34  }
0x110: {  	[tilespmem:$0x8230] =	vst @!p0 v35  }
0x111: {  	[tilespmem:$0x8240] =	vst @!p0 v36  }
0x112: {  	[tilespmem:$0x8250] =	vst @!p0 v37  }
0x113: {  	[tilespmem:$0x8260] =	vst @!p0 v38  }
0x114: {  	s10 =	simm.s32 @!p0 $0x80;
	s13 =	simm.s32 @!p0 $0x8200;
	s15 =	simm.s32 @!p0 $0x0;
	[tilespmem:$0x8270] =	vst @!p0 v39  }
0x115: {  	[spmem:s0] =	stream.indirect.scatter @!p0 [tilespmem:s15], [sflag:$0x3], $0x80, s13, s10, $0xb8;
	[tilespmem:$0x1F490] =	vst v63  }
0x116: {  	s15 =	simm.s32 @!p0 $0x8D00  }
0x117: {  	[spmem:s16] =	stream.indirect.scatter @!p0 [tilespmem:s15], [sflag:$0x4], $0x10, s13, s10, $0xb8;
	[tilespmem:$0x1F490] =	vst v63  }
0x118: {  	_ =	swait.ge [sflag:s28], $0x4000  }
0x119: {  	[sflag:s28] =	ssyncset.done $0x0  }
0x11a: {  	[sflag:s28] =	ssyncadd.s32 $0xFFFFC000  }
0x11b: {  	_ =	swait.ge [sflag:s29], $0x800  }
0x11c: {  	[sflag:s29] =	ssyncset.done $0x0  }
0x11d: {  	[sflag:s29] =	ssyncadd.s32 $0xFFFFF800  }
0x11e: {  	_ =	swait.ge [sflag:s28], $0x4000  }
0x11f: {  	[sflag:s28] =	ssyncset.done $0x0  }
0x120: {  	[sflag:s28] =	ssyncadd.s32 $0xFFFFC000  }
0x121: {  	_ =	swait.ge [sflag:s29], $0x800  }
0x122: {  	[sflag:s29] =	ssyncset.done $0x0  }
0x123: {  	[sflag:s29] =	ssyncadd.s32 $0xFFFFF800  }
0x124: {  	_ =	swait.ge [sflag:s28], $0x4000  }
0x125: {  	[sflag:s28] =	ssyncset.done $0x0  }
0x126: {  	[sflag:s28] =	ssyncadd.s32 $0xFFFFC000  }
0x127: {  	_ =	swait.ge [sflag:s29], $0x800  }
0x128: {  	[sflag:s29] =	ssyncset.done $0x0  }
0x129: {  	[sflag:s29] =	ssyncadd.s32 $0xFFFFF800  }
0x12a: {  	_ =	swait.ge [sflag:s28], $0x4000  }
0x12b: {  	[sflag:s28] =	ssyncset.done $0x0  }
0x12c: {  	[sflag:s28] =	ssyncadd.s32 $0xFFFFC000  }
0x12d: {  	_ =	swait.ge [sflag:s29], $0x800  }
0x12e: {  	[sflag:s29] =	ssyncset.done $0x0  }
0x12f: {  	s10 =	simm.s32 @!p0 $0x3;
	[sflag:s29] =	ssyncadd.s32 $0xFFFFF800  }
0x130: {  	_ =	swait.ge @!p0 [sflag:s10], $0x4000  }
0x131: {  	[sflag:s10] =	ssyncset.done @!p0 $0x0  }
0x132: {  	[sflag:s10] =	ssyncadd.s32 @!p0 $0xFFFFC000;
	s10 =	simm.s32 @!p0 $0x4  }
0x133: {  	_ =	swait.ge @!p0 [sflag:s10], $0x800  }
0x134: {  	[sflag:s10] =	ssyncset.done @!p0 $0x0  }
0x135: {  	[sflag:s10] =	ssyncadd.s32 @!p0 $0xFFFFF800  }
0x136: {  	[bflag:$0x0] =	sbarrier.arrive $0xFFFF  }
.Ltmp3:
0x137: {  	s10 =	simm.s32 $0x0;
	s12 =	rddreg [dreg:$0xc];
	(pc) =	sbr.rel .LBB2_4-.Ltmp3, $4  }
0x138: {  	[tilespmem:s22], [sflag:$0x5] =	stream.linear.gather [hbm4b:s12+s10], $0x200, $0x38;
	[tilespmem:$0x1F490] =	vst v63  }
0x139: {  	s20 =	rddreg [dreg:$0x12]  }
0x13a: {  	[tilespmem:s10], [sflag:$0x1] =	stream.linear.gather [hbm4b:s20+s10], $0x4000, $0x38;
	[tilespmem:$0x1F490] =	vst v63  }
0x13b: {  	s19 =	rddreg [dreg:$0x14];
	s20 =	smov.u32 s11  }
.LBB2_6:
0x13c: {  	s10 =	sadd.s32 $0x80000, s10  }
0x13d: {  	p1 =	sne.s32 s10, $0x500000  }
.Ltmp4:
0x13e: {  	_ = 	snop;
	(pc) =	sbr.rel @!p1 .LBB2_7-.Ltmp4, $2  }
0x13f: {  	_ =	sdelay $0x2  }
0x140: {  	s19 =	sadd.s32 $0x1000, s19;
	s20 =	sadd.s32 $0x40, s20  }
.LBB2_4:
0x141: {  	_ =	swait.ge [sflag:s30], $0x200  }
0x142: {  	p1 =	seq.s32 s10, $0x0;
	[sflag:s30] =	ssyncset.done $0x0  }
0x143: {  	s13 =	simm.s32 @!p1 $0x3;
	[sflag:s30] =	ssyncadd.s32 $0xFFFFFE00  }
0x144: {  	_ =	swait.ge @!p1 [sflag:s13], $0x4000  }
0x145: {  	[sflag:s13] =	ssyncset.done @!p1 $0x0  }
0x146: {  	s15 =	simm.s32 @!p1 $0x4;
	[sflag:s13] =	ssyncadd.s32 @!p1 $0xFFFFC000  }
0x147: {  	_ =	swait.ge @!p1 [sflag:s15], $0x800  }
0x148: {  	[sflag:s15] =	ssyncset.done @!p1 $0x0  }
0x149: {  	[sflag:s15] =	ssyncadd.s32 @!p1 $0xFFFFF800  }
0x14a: {  	_ =	swait.ge @!p1 [sflag:s15], $0x800  }
0x14b: {  	[sflag:s15] =	ssyncset.done @!p1 $0x0  }
0x14c: {  	[sflag:s15] =	ssyncadd.s32 @!p1 $0xFFFFF800  }
0x14d: {  	_ =	swait.ge @!p1 [sflag:s15], $0x800  }
0x14e: {  	[sflag:s15] =	ssyncset.done @!p1 $0x0  }
0x14f: {  	[sflag:s15] =	ssyncadd.s32 @!p1 $0xFFFFF800  }
0x150: {  	_ =	swait.ge @!p1 [sflag:s15], $0x800  }
0x151: {  	s13 =	sadd.s32 $0xFFFFFFE0, s20;
	[sflag:s15] =	ssyncset.done @!p1 $0x0  }
0x152: {  	[sflag:s15] =	ssyncadd.s32 @!p1 $0xFFFFF800;
	p1 =	sgt.u32 s13, $0x270  }
0x153: {  	s15 =	sadd.s32 @!p1 $0xFFFFF800, s19;
	s18 =	simm.s32 @!p1 $0x0;
	s12 =	simm.s32 @!p1 $0x8280  }
0x154: {  	[tilespmem:s12], [sflag:$0x6] =	stream.linear.gather @!p1 [hbm4b:s15+s18], $0x200, $0x38;
	[tilespmem:$0x1F490] =	vst v63  }
0x155: {  	s15 =	sadd.s32 s10, s17  }
0x156: {  	s12 =	sadd.s32 $0x800, s15  }
0x157: {  	[tilespmem:s31], [sflag:$0x2] =	stream.linear.gather [hbm4b:s12+s1], $0x4000, $0x38;
	[tilespmem:$0x1F490] =	vst v63  }
0x158: {  	_ =	swait.ge [sflag:s14], $0x4000  }
0x159: {  	[sflag:s14] =	ssyncset.done $0x0  }
0x15a: {  	[sflag:s14] =	ssyncadd.s32 $0xFFFFC000  }
0x15b: {  	[spmem:s0] =	stream.indirect.scatter.add.f32 [tilespmem:s1], [sflag:$0x3], $0x80, s22, s21, $0xb8;
	[tilespmem:$0x1F490] =	vst v63  }
0x15c: {  	_ = 	snop  }
0x15d: {  	[spmem:s16] =	stream.indirect.scatter.add.f32 [tilespmem:s2], [sflag:$0x4], $0x10, s22, s21, $0xb8;
	[tilespmem:$0x1F490] =	vst v63  }
0x15e: {  	_ =	swait.ge [sflag:s28], $0x4000  }
0x15f: {  	[sflag:s28] =	ssyncset.done $0x0  }
0x160: {  	s12 =	sadd.s32 $0x1000, s15;
	[sflag:s28] =	ssyncadd.s32 $0xFFFFC000  }
0x161: {  	[tilespmem:s1], [sflag:$0x1] =	stream.linear.gather [hbm4b:s12+s1], $0x4000, $0x38;
	[tilespmem:$0x1F490] =	vst v63  }
0x162: {  	_ =	swait.ge [sflag:s3], $0x4000  }
0x163: {  	[sflag:s3] =	ssyncset.done $0x0  }
0x164: {  	[sflag:s3] =	ssyncadd.s32 $0xFFFFC000  }
0x165: {  	[spmem:s0] =	stream.indirect.scatter.add.f32 [tilespmem:s31], [sflag:$0x3], $0x80, s24, s21, $0xb8;
	[tilespmem:$0x1F490] =	vst v63  }
0x166: {  	_ = 	snop  }
0x167: {  	[spmem:s16] =	stream.indirect.scatter.add.f32 [tilespmem:s2], [sflag:$0x4], $0x10, s24, s21, $0xb8;
	[tilespmem:$0x1F490] =	vst v63  }
0x168: {  	_ =	swait.ge [sflag:s28], $0x4000  }
0x169: {  	[sflag:s28] =	ssyncset.done $0x0  }
0x16a: {  	s12 =	sadd.s32 $0x1800, s15;
	[sflag:s28] =	ssyncadd.s32 $0xFFFFC000  }
0x16b: {  	[tilespmem:s31], [sflag:$0x2] =	stream.linear.gather [hbm4b:s12+s1], $0x4000, $0x38;
	[tilespmem:$0x1F490] =	vst v63  }
0x16c: {  	_ =	swait.ge [sflag:s14], $0x4000  }
0x16d: {  	[sflag:s14] =	ssyncset.done $0x0  }
0x16e: {  	[sflag:s14] =	ssyncadd.s32 $0xFFFFC000  }
0x16f: {  	[spmem:s0] =	stream.indirect.scatter.add.f32 [tilespmem:s1], [sflag:$0x3], $0x80, s25, s21, $0xb8;
	[tilespmem:$0x1F490] =	vst v63  }
0x170: {  	_ = 	snop  }
0x171: {  	[spmem:s16] =	stream.indirect.scatter.add.f32 [tilespmem:s2], [sflag:$0x4], $0x10, s25, s21, $0xb8;
	[tilespmem:$0x1F490] =	vst v63  }
0x172: {  	_ =	swait.ge [sflag:s28], $0x4000  }
0x173: {  	s12 =	sadd.s32 @!p1 s10, s17;
	[sflag:s28] =	ssyncset.done $0x0  }
0x174: {  	s12 =	sadd.s32 @!p1 $0x40000, s12;
	[sflag:s28] =	ssyncadd.s32 $0xFFFFC000  }
0x175: {  	[tilespmem:s18], [sflag:$0x1] =	stream.linear.gather @!p1 [hbm4b:s12+s18], $0x4000, $0x38;
	[tilespmem:$0x1F490] =	vst v63  }
0x176: {  	_ =	swait.ge [sflag:s3], $0x4000  }
.Ltmp5:
0x177: {  	[sflag:s3] =	ssyncset.done $0x0;
	(pc) =	sbr.rel @p1 .LBB2_6-.Ltmp5, $4  }
0x178: {  	[sflag:s3] =	ssyncadd.s32 $0xFFFFC000  }
0x179: {  	[spmem:s0] =	stream.indirect.scatter.add.f32 [tilespmem:s31], [sflag:$0x3], $0x80, s26, s21, $0xb8;
	[tilespmem:$0x1F490] =	vst v63  }
0x17a: {  	_ = 	snop  }
0x17b: {  	[spmem:s16] =	stream.indirect.scatter.add.f32 [tilespmem:s2], [sflag:$0x4], $0x10, s26, s21, $0xb8;
	[tilespmem:$0x1F490] =	vst v63  }
0x17c: {  	_ =	swait.ge [sflag:s4], $0x200  }
0x17d: {  	[sflag:s4] =	ssyncset.done $0x0  }
0x17e: {  	[sflag:s4] =	ssyncadd.s32 $0xFFFFFE00  }
0x17f: {  	_ =	swait.ge [sflag:s28], $0x4000  }
0x180: {  	[sflag:s28] =	ssyncset.done $0x0  }
0x181: {  	[sflag:s28] =	ssyncadd.s32 $0xFFFFC000  }
0x182: {  	_ =	swait.ge [sflag:s29], $0x800  }
0x183: {  	[sflag:s29] =	ssyncset.done $0x0  }
0x184: {  	[sflag:s29] =	ssyncadd.s32 $0xFFFFF800  }
0x185: {  	_ =	swait.ge [sflag:s29], $0x800  }
0x186: {  	[sflag:s29] =	ssyncset.done $0x0  }
0x187: {  	[sflag:s29] =	ssyncadd.s32 $0xFFFFF800  }
0x188: {  	_ =	swait.ge [sflag:s29], $0x800  }
0x189: {  	[sflag:s29] =	ssyncset.done $0x0  }
0x18a: {  	[sflag:s29] =	ssyncadd.s32 $0xFFFFF800  }
0x18b: {  	_ =	swait.ge [sflag:s29], $0x800  }
0x18c: {  	p1 =	sgt.u32 s20, $0x270;
	[sflag:s29] =	ssyncset.done $0x0  }
0x18d: {  	s12 =	simm.s32 @!p1 $0x0;
	s18 =	simm.s32 @!p1 $0x8000;
	[sflag:s29] =	ssyncadd.s32 $0xFFFFF800  }
0x18e: {  	[tilespmem:s18], [sflag:$0x5] =	stream.linear.gather @!p1 [hbm4b:s19+s12], $0x200, $0x38;
	[tilespmem:$0x1F490] =	vst v63  }
0x18f: {  	s18 =	sadd.s32 $0x40800, s15  }
0x190: {  	[tilespmem:s31], [sflag:$0x2] =	stream.linear.gather [hbm4b:s18+s1], $0x4000, $0x38;
	[tilespmem:$0x1F490] =	vst v63  }
0x191: {  	_ =	swait.ge [sflag:s14], $0x4000  }
0x192: {  	[sflag:s14] =	ssyncset.done $0x0  }
0x193: {  	[sflag:s14] =	ssyncadd.s32 $0xFFFFC000  }
0x194: {  	[spmem:s0] =	stream.indirect.scatter.add.f32 [tilespmem:s1], [sflag:$0x3], $0x80, s5, s21, $0xb8;
	[tilespmem:$0x1F490] =	vst v63  }
0x195: {  	_ = 	snop  }
0x196: {  	[spmem:s16] =	stream.indirect.scatter.add.f32 [tilespmem:s2], [sflag:$0x4], $0x10, s5, s21, $0xb8;
	[tilespmem:$0x1F490] =	vst v63  }
0x197: {  	_ =	swait.ge [sflag:s28], $0x4000  }
0x198: {  	[sflag:s28] =	ssyncset.done $0x0  }
0x199: {  	s18 =	sadd.s32 $0x41000, s15;
	[sflag:s28] =	ssyncadd.s32 $0xFFFFC000  }
0x19a: {  	[tilespmem:s1], [sflag:$0x1] =	stream.linear.gather [hbm4b:s18+s1], $0x4000, $0x38;
	[tilespmem:$0x1F490] =	vst v63  }
0x19b: {  	_ =	swait.ge [sflag:s3], $0x4000  }
0x19c: {  	[sflag:s3] =	ssyncset.done $0x0  }
0x19d: {  	[sflag:s3] =	ssyncadd.s32 $0xFFFFC000  }
0x19e: {  	[spmem:s0] =	stream.indirect.scatter.add.f32 [tilespmem:s31], [sflag:$0x3], $0x80, s6, s21, $0xb8;
	[tilespmem:$0x1F490] =	vst v63  }
0x19f: {  	_ = 	snop  }
0x1a0: {  	[spmem:s16] =	stream.indirect.scatter.add.f32 [tilespmem:s2], [sflag:$0x4], $0x10, s6, s21, $0xb8;
	[tilespmem:$0x1F490] =	vst v63  }
0x1a1: {  	_ =	swait.ge [sflag:s28], $0x4000  }
0x1a2: {  	[sflag:s28] =	ssyncset.done $0x0  }
0x1a3: {  	s18 =	sadd.s32 $0x41800, s15;
	[sflag:s28] =	ssyncadd.s32 $0xFFFFC000  }
0x1a4: {  	[tilespmem:s31], [sflag:$0x2] =	stream.linear.gather [hbm4b:s18+s1], $0x4000, $0x38;
	[tilespmem:$0x1F490] =	vst v63  }
0x1a5: {  	_ =	swait.ge [sflag:s14], $0x4000  }
0x1a6: {  	[sflag:s14] =	ssyncset.done $0x0  }
0x1a7: {  	[sflag:s14] =	ssyncadd.s32 $0xFFFFC000  }
0x1a8: {  	[spmem:s0] =	stream.indirect.scatter.add.f32 [tilespmem:s1], [sflag:$0x3], $0x80, s7, s21, $0xb8;
	[tilespmem:$0x1F490] =	vst v63  }
0x1a9: {  	_ = 	snop  }
0x1aa: {  	[spmem:s16] =	stream.indirect.scatter.add.f32 [tilespmem:s2], [sflag:$0x4], $0x10, s7, s21, $0xb8;
	[tilespmem:$0x1F490] =	vst v63  }
0x1ab: {  	p1 =	sgt.u32 s13, $0x250;
	_ =	swait.ge [sflag:s28], $0x4000  }
0x1ac: {  	s12 =	sadd.s32 @!p1 s10, s17;
	[sflag:s28] =	ssyncset.done $0x0  }
0x1ad: {  	s13 =	simm.s32 @!p1 $0x0;
	s12 =	sadd.s32 @!p1 $0x80000, s12;
	[sflag:s28] =	ssyncadd.s32 $0xFFFFC000  }
0x1ae: {  	[tilespmem:s13], [sflag:$0x1] =	stream.linear.gather @!p1 [hbm4b:s12+s13], $0x4000, $0x38;
	[tilespmem:$0x1F490] =	vst v63  }
0x1af: {  	_ =	swait.ge [sflag:s3], $0x4000  }
.Ltmp6:
0x1b0: {  	[sflag:s3] =	ssyncset.done $0x0;
	(pc) =	sbr.rel .LBB2_6-.Ltmp6, $4  }
0x1b1: {  	[sflag:s3] =	ssyncadd.s32 $0xFFFFC000  }
0x1b2: {  	[spmem:s0] =	stream.indirect.scatter.add.f32 [tilespmem:s31], [sflag:$0x3], $0x80, s8, s21, $0xb8;
	[tilespmem:$0x1F490] =	vst v63  }
0x1b3: {  	_ = 	snop  }
0x1b4: {  	[spmem:s16] =	stream.indirect.scatter.add.f32 [tilespmem:s2], [sflag:$0x4], $0x10, s8, s21, $0xb8;
	[tilespmem:$0x1F490] =	vst v63  }
.LBB2_8:
0x1b5: {  	_ =	sfence.sel $0x180000  }
0x1b6: {  	[bflag:$0x0] =	sbarrier.arrive $0xFFFF  }
0x1b7: {  	_ =	strace $0x90000047  }
0x1b8: {  	s0 =	stileid.u32;
	[bflag:$0x2] =	sbarrier.arrive $0xFFFF  }
0x1b9: {  	p0 =	sne.s32 s0, $0x0;
	s0 =	rddreg [dreg:$0x6]  }
0x1ba: {  	s0 =	sadd.s32 @!p0 $0x100000, s0  }
0x1bb: {  	[sflag:s0] =	ssyncadd.tile.s32 @!p0 $0x1;
	_ =	shalt  }
.Lfunc_end2:
_tile_overlayer_lowered:
.L_overlay_start_2:
0x1bc: {  	(tag) =	ssettag $0x2  }
0x1bd: {  	s0 =	rddreg [dreg:$0x0];
	s2 =	stileid.u32  }
0x1be: {  	s1 =	rddreg [dreg:$0x1];
	p0 =	sne.s32 s2, $0x0  }
0x1bf: {  	s3 =	rddreg [dreg:$0x2];
	[bflag:$0x3] =	sbarrier.arrive $0xFFFF;
	s2 =	simm.s32 @!p0 $0x1C07  }
0x1c0: {  	[timem:s3], [sflag:s2] =	dma.local @!p0 [hbm:s0], s1  }
0x1c1: {  	s0 =	simm.s32 @!p0 $0x7  }
0x1c2: {  	_ =	swait.ge @!p0 [sflag:s0], s1  }
0x1c3: {  	s1 =	ssub.s32 @!p0 $0x0, s1;
	[sflag:s0] =	ssyncset.done @!p0 $0x0  }
0x1c4: {  	[sflag:s0] =	ssyncadd.s32 @!p0 s1  }
0x1c5: {  	[bflag:$0x3] =	sbarrier.arrive $0xFFFF  }
0x1c6: {  	_ =	shalt  }

</sc_bundles>
